<compile_context>
chip_gen: v7x
topology: tpu7x:2x2x1
jax: 0.10.2.dev20260603
libtpu: 0.0.44.dev20260713+nightly
codegen_flags: <defaults>
</compile_context>

<pallas_src>
import dataclasses

import jax
import jax.numpy as jnp
from jax import lax
from jax.experimental import pallas as pl
from jax.experimental.pallas import tpu as pltpu
from jax.experimental.pallas import tpu_sc as plsc

N = 10000
E = 320000
C = 128
NC, NS = 2, 16
NW = NC * NS
CHUNK = 80
NCHT = E // (NS * CHUNK)
NCH0 = 125
NCH1 = NCHT - NCH0
N_ACC = 10240
RPS = N_ACC // NS
EPW_DEG = E // NW
IDXC = 2000
ZR = 80

_mesh = plsc.VectorSubcoreMesh(
    core_axis_name="c", subcore_axis_name="s", num_cores=NC, num_subcores=NS
)

_sc_cp = pltpu.CompilerParams()
if "needs_layout_passes" in pltpu.CompilerParams.__dataclass_fields__:
    _sc_cp = dataclasses.replace(_sc_cp, needs_layout_passes=False)



def _deg_body(dst_hbm, out_hbm, hist_sh, hist_v, idx_v, idx2_v,
              tmp_v, red_v, dsem):
    cid = lax.axis_index("c")
    sid = lax.axis_index("s")
    wid = cid * NS + sid
    zeros16 = jnp.zeros((16,), jnp.float32)
    ones16 = jnp.full((16,), 1.0, jnp.float32)

    @pl.loop(0, N_ACC, step=16)
    def _(i):
        hist_v[pl.ds(i, 16)] = zeros16

    base = wid * EPW_DEG
    nchunk = EPW_DEG // IDXC

    pltpu.sync_copy(dst_hbm.at[pl.ds(base, IDXC)], idx_v)

    @pl.loop(0, (nchunk - 1) // 2)
    def _(j):
        off1 = base + (2 * j + 1) * IDXC
        pltpu.async_copy(dst_hbm.at[pl.ds(off1, IDXC)], idx2_v, dsem)

        @pl.loop(0, IDXC, step=16)
        def _(i):
            plsc.addupdate_scatter(hist_v, [idx_v[pl.ds(i, 16)]], ones16)

        pltpu.make_async_copy(dst_hbm.at[pl.ds(off1, IDXC)], idx2_v, dsem).wait()
        off2 = base + (2 * j + 2) * IDXC
        pltpu.async_copy(dst_hbm.at[pl.ds(off2, IDXC)], idx_v, dsem)

        @pl.loop(0, IDXC, step=16)
        def _(i):
            plsc.addupdate_scatter(hist_v, [idx2_v[pl.ds(i, 16)]], ones16)

        pltpu.make_async_copy(dst_hbm.at[pl.ds(off2, IDXC)], idx_v, dsem).wait()

    @pl.loop(0, IDXC, step=16)
    def _(i):
        plsc.addupdate_scatter(hist_v, [idx_v[pl.ds(i, 16)]], ones16)

    pltpu.sync_copy(hist_v, hist_sh.at[sid])
    plsc.subcore_barrier()
    for t in range(NS):
        pltpu.sync_copy(hist_sh.at[t, pl.ds(sid * RPS, RPS)], tmp_v.at[t])

    @pl.loop(0, RPS, step=16)
    def _(i):
        s = tmp_v[0, pl.ds(i, 16)]
        for t in range(1, NS):
            s = s + tmp_v[t, pl.ds(i, 16)]
        red_v[pl.ds(i, 16)] = s

    pltpu.sync_copy(red_v, out_hbm.at[cid, pl.ds(sid * RPS, RPS)])


_deg_call = pl.kernel(
    _deg_body,
    out_type=jax.ShapeDtypeStruct((NC, N_ACC), jnp.float32),
    mesh=_mesh,
    compiler_params=_sc_cp,
    scratch_types=[
        pltpu.VMEM_SHARED((NS, N_ACC), jnp.float32),
        pltpu.VMEM((N_ACC,), jnp.float32),
        pltpu.VMEM((IDXC,), jnp.int32),
        pltpu.VMEM((IDXC,), jnp.int32),
        pltpu.VMEM((NS, RPS), jnp.float32),
        pltpu.VMEM((RPS,), jnp.float32),
        pltpu.SemaphoreType.DMA,
    ],
)



def _mm_body(x_ref, w_ref, deg_ref, hs_ref):
    h = jnp.dot(x_ref[...], w_ref[...], preferred_element_type=jnp.float32)
    deg = deg_ref[0, :, 0:1] + deg_ref[1, :, 0:1] + 1.0
    dis = lax.rsqrt(jnp.maximum(deg, 1e-12))
    hs_ref[...] = h * dis


_MB = 1000


def _mm_call(x, w, degp):
    return pl.pallas_call(
        _mm_body,
        out_shape=jax.ShapeDtypeStruct((N, C), jnp.float32),
        grid=(N // _MB,),
        in_specs=[
            pl.BlockSpec((_MB, C), lambda i: (i, 0)),
            pl.BlockSpec((C, C), lambda i: (0, 0)),
            pl.BlockSpec((NC, _MB, 1), lambda i: (0, i, 0)),
        ],
        out_specs=pl.BlockSpec((_MB, C), lambda i: (i, 0)),
    )(x, w, degp)



_U = 3


def _agg_body(hs_hbm, src_hbm, dst_hbm, out_hbm, acc_sh,
              src0, dst0, rows0, src1, dst1, rows1,
              src2, dst2, rows2, src3, dst3, rows3,
              sem0, sem1, sem2, sem3):
    srcs = [src0, src1, src2, src3][:_U]
    dsts = [dst0, dst1, dst2, dst3][:_U]
    rows = [rows0, rows1, rows2, rows3][:_U]
    sems = [sem0, sem1, sem2, sem3][:_U]
    cid = lax.axis_index("c")
    sid = lax.axis_index("s")
    zeros16 = jnp.zeros((16,), jnp.float32)

    @pl.loop(0, CHUNK)
    def _(r):
        @pl.loop(0, C, step=16)
        def _(c):
            rows0[r, pl.ds(c, 16)] = zeros16

    for z in range(RPS // ZR):
        pltpu.sync_copy(rows0, acc_sh.at[pl.ds(sid * RPS + z * ZR, ZR)])
    plsc.subcore_barrier()

    nch = jnp.where(cid == 0, NCH0, NCH1)
    base = (cid * NS * NCH0 + sid * nch) * CHUNK
    ngroups = (nch - (_U - 1)) // _U

    for b in range(_U - 1):
        off = base + b * CHUNK
        pltpu.sync_copy(src_hbm.at[pl.ds(off, CHUNK)], srcs[b])
        pltpu.sync_copy(dst_hbm.at[pl.ds(off, CHUNK)], dsts[b])
        pltpu.async_copy(hs_hbm.at[srcs[b]], rows[b], sems[b])

    @pl.loop(0, ngroups)
    def _(j):
        for b in range(_U):
            kc = _U * j + b + _U - 1
            bc = (b + _U - 1) % _U
            offc = base + kc * CHUNK
            pltpu.sync_copy(src_hbm.at[pl.ds(offc, CHUNK)], srcs[bc])
            pltpu.sync_copy(dst_hbm.at[pl.ds(offc, CHUNK)], dsts[bc])
            pltpu.async_copy(hs_hbm.at[srcs[bc]], rows[bc], sems[bc])
            pltpu.make_async_copy(hs_hbm.at[srcs[b]], rows[b], sems[b]).wait()
            pltpu.sync_copy(rows[b], acc_sh.at[dsts[b]], add=True)

    for b in range(_U - 1):
        pltpu.make_async_copy(hs_hbm.at[srcs[b]], rows[b], sems[b]).wait()
        pltpu.sync_copy(rows[b], acc_sh.at[dsts[b]], add=True)

    plsc.subcore_barrier()
    pltpu.sync_copy(
        acc_sh.at[pl.ds(sid * RPS, RPS)],
        out_hbm.at[cid, pl.ds(sid * RPS, RPS)],
    )


_agg_call = pl.kernel(
    _agg_body,
    out_type=jax.ShapeDtypeStruct((NC, N_ACC, C), jnp.float32),
    mesh=_mesh,
    compiler_params=_sc_cp,
    scratch_types=[
        pltpu.VMEM_SHARED((N_ACC, C), jnp.float32),
    ] + [
        t
        for _ in range(4)
        for t in (
            pltpu.VMEM((CHUNK,), jnp.int32),
            pltpu.VMEM((CHUNK,), jnp.int32),
            pltpu.VMEM((CHUNK, C), jnp.float32),
        )
    ] + [pltpu.SemaphoreType.DMA] * 4,
)



def _epi_body(acc_ref, hs_ref, deg_ref, b_ref, out_ref):
    deg = deg_ref[0, :, 0:1] + deg_ref[1, :, 0:1] + 1.0
    dis = lax.rsqrt(jnp.maximum(deg, 1e-12))
    s = acc_ref[0] + acc_ref[1] + hs_ref[...]
    out_ref[...] = s * dis + b_ref[...]


def _epi_call(accp, hs, degp, b2):
    return pl.pallas_call(
        _epi_body,
        out_shape=jax.ShapeDtypeStruct((N, C), jnp.float32),
        grid=(N // _MB,),
        in_specs=[
            pl.BlockSpec((NC, _MB, C), lambda i: (0, i, 0)),
            pl.BlockSpec((_MB, C), lambda i: (i, 0)),
            pl.BlockSpec((NC, _MB, 1), lambda i: (0, i, 0)),
            pl.BlockSpec((1, C), lambda i: (0, 0)),
        ],
        out_specs=pl.BlockSpec((_MB, C), lambda i: (i, 0)),
    )(accp, hs, degp, b2)


def kernel(x, edge_index, W, b):
    src = edge_index[0].astype(jnp.int32)
    dst = edge_index[1].astype(jnp.int32)
    degp = _deg_call(dst)
    degp3 = degp.reshape(NC, N_ACC, 1)
    hs = _mm_call(x, W, degp3)
    accp = _agg_call(hs, src, dst)
    out = _epi_call(accp, hs, degp3, b.reshape(1, C))
    return out

# --- scband reference (transcript-rebuilt; emitter-appended) ---
"""Pipeline reference for scband-gcnconv-62328565400241 (READ-ONLY COPY).

The authoritative reference and input builder live on the scoring server;
editing this copy changes nothing except your own understanding.
"""

import jax, jax.numpy as jnp
import numpy as np

N_NODES = 10000
N_EDGES = 320000
IN_CH = 128
OUT_CH = 128


def setup_inputs(seed: int = 0) -> dict:
    key = jax.random.key(seed)
    k1, k2, k3, k4 = jax.random.split(key, 4)
    x = jax.random.normal(k1, (N_NODES, IN_CH), dtype=jnp.float32)
    edge_index = jax.random.randint(k2, (2, N_EDGES), 0, N_NODES, dtype=jnp.int64)
    # Glorot init for the GCN weight, zeros for bias (matches PyG GCNConv defaults)
    limit = float(np.sqrt(6.0 / (IN_CH + OUT_CH)))
    W = jax.random.uniform(k3, (IN_CH, OUT_CH), dtype=jnp.float32, minval=-limit, maxval=limit)
    b = jnp.zeros((OUT_CH,), dtype=jnp.float32)
    return {"x": x, "edge_index": edge_index, "W": W, "b": b}


def reference(x, edge_index, W, b):
    # GCNConv: out = D^{-1/2} (A + I) D^{-1/2} X W + b
    N = x.shape[0]
    src = edge_index[0]
    dst = edge_index[1]
    # add self loops
    loop = jnp.arange(N, dtype=src.dtype)
    src = jnp.concatenate([src, loop], axis=0)
    dst = jnp.concatenate([dst, loop], axis=0)
    # symmetric normalization
    deg = jnp.zeros((N,), dtype=jnp.float32).at[dst].add(1.0)
    deg_inv_sqrt = jnp.where(deg > 0, jax.lax.rsqrt(jnp.maximum(deg, 1e-12)), 0.0)
    norm = deg_inv_sqrt[src] * deg_inv_sqrt[dst]
    # linear transform then sparse aggregation (SpMM)
    h = x @ W
    msgs = h[src] * norm[:, None]
    out = jnp.zeros((N, W.shape[1]), dtype=jnp.float32).at[dst].add(msgs)
    out = out + b
    return out

if __name__ == "__main__":
    import jax
    _d = setup_inputs()
    print(jax.jit(kernel)(*tuple(_d.values())))

</pallas_src>

<mosaic_0001>
#map = affine_map<(d0, d1) -> (0)>
#map1 = affine_map<(d0, d1) -> (0, 0)>
module attributes {stable_mosaic.version = 14 : i64} {
  func.func @_deg_body(%arg0: i32, %arg1: i32, %arg2: memref<320000xi32, #tpu.memory_space<hbm>>, %arg3: memref<2x10240xf32, #tpu.memory_space<hbm>>, %arg4: memref<16x10240xf32, #tpu.memory_space<vmem_shared>>, %arg5: memref<10240xf32, #tpu.memory_space<vmem>>, %arg6: memref<2000xi32, #tpu.memory_space<vmem>>, %arg7: memref<2000xi32, #tpu.memory_space<vmem>>, %arg8: memref<16x640xf32, #tpu.memory_space<vmem>>, %arg9: memref<640xf32, #tpu.memory_space<vmem>>, %arg10: memref<!tpu.dma_semaphore, #tpu.memory_space<semaphore_mem>>) attributes {dimension_semantics = [#tpu.dimension_semantics<core_parallel>, #tpu.dimension_semantics<subcore_parallel>], iteration_bounds = array<i64: 2, 16>, scalar_prefetch = 0 : i64, scratch_operands = 7 : i64, tpu.core_type = #tpu.core_type<sc_vector_subcore>, window_params = [{transform_indices = #map}, {transform_indices = #map1}]} {
    %mul3A = arith.constant 16 : i32
    %mul3A_0 = arith.muli %arg0, %mul3A : i32
    %add3A = arith.addi %mul3A_0, %arg1 : i32
    %broadcast_in_dim3A = arith.constant 0.000000e+00 : f32
    %broadcast_in_dim3A_1 = vector.broadcast %broadcast_in_dim3A : f32 to vector<16xf32>
    %broadcast_in_dim3A_2 = arith.constant 1.000000e+00 : f32
    %broadcast_in_dim3A_3 = vector.broadcast %broadcast_in_dim3A_2 : f32 to vector<16xf32>
    %scan3A = arith.constant 0 : i32
    %scan3A_4 = arith.constant 640 : i32
    %scan3A_5 = arith.addi %scan3A, %scan3A_4 : i32
    %scan3A_6 = arith.constant 1 : i32
    scf.for %scan3A_90 = %scan3A to %scan3A_5 step %scan3A_6  : i32 {
      %mul3A_91 = arith.constant 16 : i32
      %mul3A_92 = arith.muli %scan3A_90, %mul3A_91 : i32
      %add3A_93 = arith.constant 0 : i32
      %add3A_94 = arith.addi %add3A_93, %mul3A_92 : i32
      %swap3A = arith.index_cast %add3A_94 : i32 to index
      %swap3A_95 = tpu.vector_load %arg5[%swap3A] {strides = array<i32>} : memref<10240xf32, #tpu.memory_space<vmem>>, vector<16xf32>,
      tpu.vector_store %arg5[%swap3A], %broadcast_in_dim3A_1 {strides = array<i32>} : memref<10240xf32, #tpu.memory_space<vmem>>, vector<16xf32>,
    }
    %scan3A_7 = arith.constant 640 : i32
    %mul3A_8 = arith.constant 10000 : i32
    %mul3A_9 = arith.muli %add3A, %mul3A_8 : i32
    "tpu.region"() ({
      %run_scoped3A_90 = tpu.sem_alloc : memref<!tpu.dma_semaphore, #tpu.memory_space<semaphore_mem>>
      %dma_start3A = tpu.memref_slice %arg2[%mul3A_9] : memref<320000xi32, #tpu.memory_space<hbm>> -> memref<2000xi32, #tpu.memory_space<hbm>>
      %dma_start3A_91 = tpu.memref_slice %arg2[%mul3A_9] : memref<320000xi32, #tpu.memory_space<hbm>> -> memref<2000xi32, #tpu.memory_space<hbm>>
      tpu.enqueue_dma source(%dma_start3A_91 : memref<2000xi32, #tpu.memory_space<hbm>>) target(%arg6 : memref<2000xi32, #tpu.memory_space<vmem>>) target_semaphore(%run_scoped3A_90 : memref<!tpu.dma_semaphore, #tpu.memory_space<semaphore_mem>>)
      %dma_wait3A = tpu.memref_slice %arg2[%mul3A_9] : memref<320000xi32, #tpu.memory_space<hbm>> -> memref<2000xi32, #tpu.memory_space<hbm>>
      %dma_wait3A_92 = tpu.memref_slice %arg2[%mul3A_9] : memref<320000xi32, #tpu.memory_space<hbm>> -> memref<2000xi32, #tpu.memory_space<hbm>>
      tpu.wait_dma2 semaphore(%run_scoped3A_90 : memref<!tpu.dma_semaphore, #tpu.memory_space<semaphore_mem>>) src(%dma_wait3A_92 : memref<2000xi32, #tpu.memory_space<hbm>>) dst(%arg6 : memref<2000xi32, #tpu.memory_space<vmem>>)
      tpu.yield
    }) : () -> ()
    %scan3A_10 = arith.constant 0 : i32
    %scan3A_11 = arith.constant 2 : i32
    %scan3A_12 = arith.addi %scan3A_10, %scan3A_11 : i32
    %scan3A_13 = arith.constant 1 : i32
    scf.for %scan3A_90 = %scan3A_10 to %scan3A_12 step %scan3A_13  : i32 {
      %mul3A_91 = arith.constant 1 : i32
      %mul3A_92 = arith.muli %scan3A_90, %mul3A_91 : i32
      %add3A_93 = arith.constant 0 : i32
      %add3A_94 = arith.addi %add3A_93, %mul3A_92 : i32
      %mul3A_95 = arith.constant 2 : i32
      %mul3A_96 = arith.muli %mul3A_95, %add3A_94 : i32
      %add3A_97 = arith.constant 1 : i32
      %add3A_98 = arith.addi %mul3A_96, %add3A_97 : i32
      %mul3A_99 = arith.constant 2000 : i32
      %mul3A_100 = arith.muli %add3A_98, %mul3A_99 : i32
      %add3A_101 = arith.addi %mul3A_9, %mul3A_100 : i32
      %dma_start3A = tpu.memref_slice %arg2[%add3A_101] : memref<320000xi32, #tpu.memory_space<hbm>> -> memref<2000xi32, #tpu.memory_space<hbm>>
      %dma_start3A_102 = tpu.memref_slice %arg2[%add3A_101] : memref<320000xi32, #tpu.memory_space<hbm>> -> memref<2000xi32, #tpu.memory_space<hbm>>
      tpu.enqueue_dma source(%dma_start3A_102 : memref<2000xi32, #tpu.memory_space<hbm>>) target(%arg7 : memref<2000xi32, #tpu.memory_space<vmem>>) target_semaphore(%arg10 : memref<!tpu.dma_semaphore, #tpu.memory_space<semaphore_mem>>)
      %scan3A_103 = arith.constant 0 : i32
      %scan3A_104 = arith.constant 125 : i32
      %scan3A_105 = arith.addi %scan3A_103, %scan3A_104 : i32
      %scan3A_106 = arith.constant 1 : i32
      scf.for %scan3A_125 = %scan3A_103 to %scan3A_105 step %scan3A_106  : i32 {
        %mul3A_126 = arith.constant 16 : i32
        %mul3A_127 = arith.muli %scan3A_125, %mul3A_126 : i32
        %add3A_128 = arith.constant 0 : i32
        %add3A_129 = arith.addi %add3A_128, %mul3A_127 : i32
        %get3A = arith.index_cast %add3A_129 : i32 to index
        %get3A_130 = tpu.vector_load %arg6[%get3A] {strides = array<i32>} : memref<2000xi32, #tpu.memory_space<vmem>>, vector<16xi32>,
        tpu.vector_store_idx %arg5[%get3A_130], %broadcast_in_dim3A_3 {add = true} : memref<10240xf32, #tpu.memory_space<vmem>>[vector<16xi32>], vector<16xf32>,
      }
      %scan3A_107 = arith.constant 125 : i32
      %dma_wait3A = tpu.memref_slice %arg2[%add3A_101] : memref<320000xi32, #tpu.memory_space<hbm>> -> memref<2000xi32, #tpu.memory_space<hbm>>
      %dma_wait3A_108 = tpu.memref_slice %arg2[%add3A_101] : memref<320000xi32, #tpu.memory_space<hbm>> -> memref<2000xi32, #tpu.memory_space<hbm>>
      tpu.wait_dma2 semaphore(%arg10 : memref<!tpu.dma_semaphore, #tpu.memory_space<semaphore_mem>>) src(%dma_wait3A_108 : memref<2000xi32, #tpu.memory_space<hbm>>) dst(%arg7 : memref<2000xi32, #tpu.memory_space<vmem>>)
      %mul3A_109 = arith.constant 2 : i32
      %mul3A_110 = arith.muli %mul3A_109, %add3A_94 : i32
      %add3A_111 = arith.constant 2 : i32
      %add3A_112 = arith.addi %mul3A_110, %add3A_111 : i32
      %mul3A_113 = arith.constant 2000 : i32
      %mul3A_114 = arith.muli %add3A_112, %mul3A_113 : i32
      %add3A_115 = arith.addi %mul3A_9, %mul3A_114 : i32
      %dma_start3A_116 = tpu.memref_slice %arg2[%add3A_115] : memref<320000xi32, #tpu.memory_space<hbm>> -> memref<2000xi32, #tpu.memory_space<hbm>>
      %dma_start3A_117 = tpu.memref_slice %arg2[%add3A_115] : memref<320000xi32, #tpu.memory_space<hbm>> -> memref<2000xi32, #tpu.memory_space<hbm>>
      tpu.enqueue_dma source(%dma_start3A_117 : memref<2000xi32, #tpu.memory_space<hbm>>) target(%arg6 : memref<2000xi32, #tpu.memory_space<vmem>>) target_semaphore(%arg10 : memref<!tpu.dma_semaphore, #tpu.memory_space<semaphore_mem>>)
      %scan3A_118 = arith.constant 0 : i32
      %scan3A_119 = arith.constant 125 : i32
      %scan3A_120 = arith.addi %scan3A_118, %scan3A_119 : i32
      %scan3A_121 = arith.constant 1 : i32
      scf.for %scan3A_125 = %scan3A_118 to %scan3A_120 step %scan3A_121  : i32 {
        %mul3A_126 = arith.constant 16 : i32
        %mul3A_127 = arith.muli %scan3A_125, %mul3A_126 : i32
        %add3A_128 = arith.constant 0 : i32
        %add3A_129 = arith.addi %add3A_128, %mul3A_127 : i32
        %get3A = arith.index_cast %add3A_129 : i32 to index
        %get3A_130 = tpu.vector_load %arg7[%get3A] {strides = array<i32>} : memref<2000xi32, #tpu.memory_space<vmem>>, vector<16xi32>,
        tpu.vector_store_idx %arg5[%get3A_130], %broadcast_in_dim3A_3 {add = true} : memref<10240xf32, #tpu.memory_space<vmem>>[vector<16xi32>], vector<16xf32>,
      }
      %scan3A_122 = arith.constant 125 : i32
      %dma_wait3A_123 = tpu.memref_slice %arg2[%add3A_115] : memref<320000xi32, #tpu.memory_space<hbm>> -> memref<2000xi32, #tpu.memory_space<hbm>>
      %dma_wait3A_124 = tpu.memref_slice %arg2[%add3A_115] : memref<320000xi32, #tpu.memory_space<hbm>> -> memref<2000xi32, #tpu.memory_space<hbm>>
      tpu.wait_dma2 semaphore(%arg10 : memref<!tpu.dma_semaphore, #tpu.memory_space<semaphore_mem>>) src(%dma_wait3A_124 : memref<2000xi32, #tpu.memory_space<hbm>>) dst(%arg6 : memref<2000xi32, #tpu.memory_space<vmem>>)
    }
    %scan3A_14 = arith.constant 2 : i32
    %scan3A_15 = arith.constant 0 : i32
    %scan3A_16 = arith.constant 125 : i32
    %scan3A_17 = arith.addi %scan3A_15, %scan3A_16 : i32
    %scan3A_18 = arith.constant 1 : i32
    scf.for %scan3A_90 = %scan3A_15 to %scan3A_17 step %scan3A_18  : i32 {
      %mul3A_91 = arith.constant 16 : i32
      %mul3A_92 = arith.muli %scan3A_90, %mul3A_91 : i32
      %add3A_93 = arith.constant 0 : i32
      %add3A_94 = arith.addi %add3A_93, %mul3A_92 : i32
      %get3A = arith.index_cast %add3A_94 : i32 to index
      %get3A_95 = tpu.vector_load %arg6[%get3A] {strides = array<i32>} : memref<2000xi32, #tpu.memory_space<vmem>>, vector<16xi32>,
      tpu.vector_store_idx %arg5[%get3A_95], %broadcast_in_dim3A_3 {add = true} : memref<10240xf32, #tpu.memory_space<vmem>>[vector<16xi32>], vector<16xf32>,
    }
    %scan3A_19 = arith.constant 125 : i32
    "tpu.region"() ({
      %run_scoped3A_90 = tpu.sem_alloc : memref<!tpu.dma_semaphore, #tpu.memory_space<semaphore_mem>>
      %dma_start3A = arith.constant 0 : i32
      %dma_start3A_91 = tpu.memref_slice %arg4[%arg1, %dma_start3A] : memref<16x10240xf32, #tpu.memory_space<vmem_shared>> -> memref<1x10240xf32, #tpu.memory_space<vmem_shared>>
      %dma_start3A_92 = tpu.memref_squeeze %dma_start3A_91 : memref<1x10240xf32, #tpu.memory_space<vmem_shared>> -> memref<10240xf32, #tpu.memory_space<vmem_shared>>
      %dma_start3A_93 = arith.constant 0 : i32
      %dma_start3A_94 = tpu.memref_slice %arg4[%arg1, %dma_start3A_93] : memref<16x10240xf32, #tpu.memory_space<vmem_shared>> -> memref<1x10240xf32, #tpu.memory_space<vmem_shared>>
      %dma_start3A_95 = tpu.memref_squeeze %dma_start3A_94 : memref<1x10240xf32, #tpu.memory_space<vmem_shared>> -> memref<10240xf32, #tpu.memory_space<vmem_shared>>
      tpu.enqueue_dma source(%arg5 : memref<10240xf32, #tpu.memory_space<vmem>>) target(%dma_start3A_95 : memref<10240xf32, #tpu.memory_space<vmem_shared>>) target_semaphore(%run_scoped3A_90 : memref<!tpu.dma_semaphore, #tpu.memory_space<semaphore_mem>>)
      %dma_wait3A = arith.constant 0 : i32
      %dma_wait3A_96 = tpu.memref_slice %arg4[%arg1, %dma_wait3A] : memref<16x10240xf32, #tpu.memory_space<vmem_shared>> -> memref<1x10240xf32, #tpu.memory_space<vmem_shared>>
      %dma_wait3A_97 = tpu.memref_squeeze %dma_wait3A_96 : memref<1x10240xf32, #tpu.memory_space<vmem_shared>> -> memref<10240xf32, #tpu.memory_space<vmem_shared>>
      %dma_wait3A_98 = arith.constant 0 : i32
      %dma_wait3A_99 = tpu.memref_slice %arg4[%arg1, %dma_wait3A_98] : memref<16x10240xf32, #tpu.memory_space<vmem_shared>> -> memref<1x10240xf32, #tpu.memory_space<vmem_shared>>
      %dma_wait3A_100 = tpu.memref_squeeze %dma_wait3A_99 : memref<1x10240xf32, #tpu.memory_space<vmem_shared>> -> memref<10240xf32, #tpu.memory_space<vmem_shared>>
      tpu.wait_dma2 semaphore(%run_scoped3A_90 : memref<!tpu.dma_semaphore, #tpu.memory_space<semaphore_mem>>) src(%arg5 : memref<10240xf32, #tpu.memory_space<vmem>>) dst(%dma_wait3A_100 : memref<10240xf32, #tpu.memory_space<vmem_shared>>)
      tpu.yield
    }) : () -> ()
    %barrier3A = arith.constant 0 : index
    tpu.barrier barrier_id(%barrier3A)
    %mul3A_20 = arith.constant 640 : i32
    %mul3A_21 = arith.muli %arg1, %mul3A_20 : i32
    %run_scoped3A = arith.constant 0 : i32
    %run_scoped3A_22 = arith.constant 0 : i32
    "tpu.region"() ({
      %run_scoped3A_90 = tpu.sem_alloc : memref<!tpu.dma_semaphore, #tpu.memory_space<semaphore_mem>>
      %dma_start3A = arith.constant 0 : i32
      %dma_start3A_91 = tpu.memref_slice %arg8[%run_scoped3A_22, %dma_start3A] : memref<16x640xf32, #tpu.memory_space<vmem>> -> memref<1x640xf32, #tpu.memory_space<vmem>>
      %dma_start3A_92 = tpu.memref_squeeze %dma_start3A_91 : memref<1x640xf32, #tpu.memory_space<vmem>> -> memref<640xf32, #tpu.memory_space<vmem>>
      %dma_start3A_93 = tpu.memref_slice %arg4[%run_scoped3A, %mul3A_21] : memref<16x10240xf32, #tpu.memory_space<vmem_shared>> -> memref<1x640xf32, #tpu.memory_space<vmem_shared>>
      %dma_start3A_94 = tpu.memref_squeeze %dma_start3A_93 : memref<1x640xf32, #tpu.memory_space<vmem_shared>> -> memref<640xf32, #tpu.memory_space<vmem_shared>>
      %dma_start3A_95 = arith.constant 0 : i32
      %dma_start3A_96 = tpu.memref_slice %arg8[%run_scoped3A_22, %dma_start3A_95] : memref<16x640xf32, #tpu.memory_space<vmem>> -> memref<1x640xf32, #tpu.memory_space<vmem>>
      %dma_start3A_97 = tpu.memref_squeeze %dma_start3A_96 : memref<1x640xf32, #tpu.memory_space<vmem>> -> memref<640xf32, #tpu.memory_space<vmem>>
      %dma_start3A_98 = tpu.memref_slice %arg4[%run_scoped3A, %mul3A_21] : memref<16x10240xf32, #tpu.memory_space<vmem_shared>> -> memref<1x640xf32, #tpu.memory_space<vmem_shared>>
      %dma_start3A_99 = tpu.memref_squeeze %dma_start3A_98 : memref<1x640xf32, #tpu.memory_space<vmem_shared>> -> memref<640xf32, #tpu.memory_space<vmem_shared>>
      tpu.enqueue_dma source(%dma_start3A_99 : memref<640xf32, #tpu.memory_space<vmem_shared>>) target(%dma_start3A_97 : memref<640xf32, #tpu.memory_space<vmem>>) target_semaphore(%run_scoped3A_90 : memref<!tpu.dma_semaphore, #tpu.memory_space<semaphore_mem>>)
      %dma_wait3A = arith.constant 0 : i32
      %dma_wait3A_100 = tpu.memref_slice %arg8[%run_scoped3A_22, %dma_wait3A] : memref<16x640xf32, #tpu.memory_space<vmem>> -> memref<1x640xf32, #tpu.memory_space<vmem>>
      %dma_wait3A_101 = tpu.memref_squeeze %dma_wait3A_100 : memref<1x640xf32, #tpu.memory_space<vmem>> -> memref<640xf32, #tpu.memory_space<vmem>>
      %dma_wait3A_102 = tpu.memref_slice %arg4[%run_scoped3A, %mul3A_21] : memref<16x10240xf32, #tpu.memory_space<vmem_shared>> -> memref<1x640xf32, #tpu.memory_space<vmem_shared>>
      %dma_wait3A_103 = tpu.memref_squeeze %dma_wait3A_102 : memref<1x640xf32, #tpu.memory_space<vmem_shared>> -> memref<640xf32, #tpu.memory_space<vmem_shared>>
      %dma_wait3A_104 = arith.constant 0 : i32
      %dma_wait3A_105 = tpu.memref_slice %arg8[%run_scoped3A_22, %dma_wait3A_104] : memref<16x640xf32, #tpu.memory_space<vmem>> -> memref<1x640xf32, #tpu.memory_space<vmem>>
      %dma_wait3A_106 = tpu.memref_squeeze %dma_wait3A_105 : memref<1x640xf32, #tpu.memory_space<vmem>> -> memref<640xf32, #tpu.memory_space<vmem>>
      %dma_wait3A_107 = tpu.memref_slice %arg4[%run_scoped3A, %mul3A_21] : memref<16x10240xf32, #tpu.memory_space<vmem_shared>> -> memref<1x640xf32, #tpu.memory_space<vmem_shared>>
      %dma_wait3A_108 = tpu.memref_squeeze %dma_wait3A_107 : memref<1x640xf32, #tpu.memory_space<vmem_shared>> -> memref<640xf32, #tpu.memory_space<vmem_shared>>
      tpu.wait_dma2 semaphore(%run_scoped3A_90 : memref<!tpu.dma_semaphore, #tpu.memory_space<semaphore_mem>>) src(%dma_wait3A_108 : memref<640xf32, #tpu.memory_space<vmem_shared>>) dst(%dma_wait3A_106 : memref<640xf32, #tpu.memory_space<vmem>>)
      tpu.yield
    }) : () -> ()
    %mul3A_23 = arith.constant 640 : i32
    %mul3A_24 = arith.muli %arg1, %mul3A_23 : i32
    %run_scoped3A_25 = arith.constant 1 : i32
    %run_scoped3A_26 = arith.constant 1 : i32
    "tpu.region"() ({
      %run_scoped3A_90 = tpu.sem_alloc : memref<!tpu.dma_semaphore, #tpu.memory_space<semaphore_mem>>
      %dma_start3A = arith.constant 0 : i32
      %dma_start3A_91 = tpu.memref_slice %arg8[%run_scoped3A_26, %dma_start3A] : memref<16x640xf32, #tpu.memory_space<vmem>> -> memref<1x640xf32, #tpu.memory_space<vmem>>
      %dma_start3A_92 = tpu.memref_squeeze %dma_start3A_91 : memref<1x640xf32, #tpu.memory_space<vmem>> -> memref<640xf32, #tpu.memory_space<vmem>>
      %dma_start3A_93 = tpu.memref_slice %arg4[%run_scoped3A_25, %mul3A_24] : memref<16x10240xf32, #tpu.memory_space<vmem_shared>> -> memref<1x640xf32, #tpu.memory_space<vmem_shared>>
      %dma_start3A_94 = tpu.memref_squeeze %dma_start3A_93 : memref<1x640xf32, #tpu.memory_space<vmem_shared>> -> memref<640xf32, #tpu.memory_space<vmem_shared>>
      %dma_start3A_95 = arith.constant 0 : i32
      %dma_start3A_96 = tpu.memref_slice %arg8[%run_scoped3A_26, %dma_start3A_95] : memref<16x640xf32, #tpu.memory_space<vmem>> -> memref<1x640xf32, #tpu.memory_space<vmem>>
      %dma_start3A_97 = tpu.memref_squeeze %dma_start3A_96 : memref<1x640xf32, #tpu.memory_space<vmem>> -> memref<640xf32, #tpu.memory_space<vmem>>
      %dma_start3A_98 = tpu.memref_slice %arg4[%run_scoped3A_25, %mul3A_24] : memref<16x10240xf32, #tpu.memory_space<vmem_shared>> -> memref<1x640xf32, #tpu.memory_space<vmem_shared>>
      %dma_start3A_99 = tpu.memref_squeeze %dma_start3A_98 : memref<1x640xf32, #tpu.memory_space<vmem_shared>> -> memref<640xf32, #tpu.memory_space<vmem_shared>>
      tpu.enqueue_dma source(%dma_start3A_99 : memref<640xf32, #tpu.memory_space<vmem_shared>>) target(%dma_start3A_97 : memref<640xf32, #tpu.memory_space<vmem>>) target_semaphore(%run_scoped3A_90 : memref<!tpu.dma_semaphore, #tpu.memory_space<semaphore_mem>>)
      %dma_wait3A = arith.constant 0 : i32
      %dma_wait3A_100 = tpu.memref_slice %arg8[%run_scoped3A_26, %dma_wait3A] : memref<16x640xf32, #tpu.memory_space<vmem>> -> memref<1x640xf32, #tpu.memory_space<vmem>>
      %dma_wait3A_101 = tpu.memref_squeeze %dma_wait3A_100 : memref<1x640xf32, #tpu.memory_space<vmem>> -> memref<640xf32, #tpu.memory_space<vmem>>
      %dma_wait3A_102 = tpu.memref_slice %arg4[%run_scoped3A_25, %mul3A_24] : memref<16x10240xf32, #tpu.memory_space<vmem_shared>> -> memref<1x640xf32, #tpu.memory_space<vmem_shared>>
      %dma_wait3A_103 = tpu.memref_squeeze %dma_wait3A_102 : memref<1x640xf32, #tpu.memory_space<vmem_shared>> -> memref<640xf32, #tpu.memory_space<vmem_shared>>
      %dma_wait3A_104 = arith.constant 0 : i32
      %dma_wait3A_105 = tpu.memref_slice %arg8[%run_scoped3A_26, %dma_wait3A_104] : memref<16x640xf32, #tpu.memory_space<vmem>> -> memref<1x640xf32, #tpu.memory_space<vmem>>
      %dma_wait3A_106 = tpu.memref_squeeze %dma_wait3A_105 : memref<1x640xf32, #tpu.memory_space<vmem>> -> memref<640xf32, #tpu.memory_space<vmem>>
      %dma_wait3A_107 = tpu.memref_slice %arg4[%run_scoped3A_25, %mul3A_24] : memref<16x10240xf32, #tpu.memory_space<vmem_shared>> -> memref<1x640xf32, #tpu.memory_space<vmem_shared>>
      %dma_wait3A_108 = tpu.memref_squeeze %dma_wait3A_107 : memref<1x640xf32, #tpu.memory_space<vmem_shared>> -> memref<640xf32, #tpu.memory_space<vmem_shared>>
      tpu.wait_dma2 semaphore(%run_scoped3A_90 : memref<!tpu.dma_semaphore, #tpu.memory_space<semaphore_mem>>) src(%dma_wait3A_108 : memref<640xf32, #tpu.memory_space<vmem_shared>>) dst(%dma_wait3A_106 : memref<640xf32, #tpu.memory_space<vmem>>)
      tpu.yield
    }) : () -> ()
    %mul3A_27 = arith.constant 640 : i32
    %mul3A_28 = arith.muli %arg1, %mul3A_27 : i32
    %run_scoped3A_29 = arith.constant 2 : i32
    %run_scoped3A_30 = arith.constant 2 : i32
    "tpu.region"() ({
      %run_scoped3A_90 = tpu.sem_alloc : memref<!tpu.dma_semaphore, #tpu.memory_space<semaphore_mem>>
      %dma_start3A = arith.constant 0 : i32
      %dma_start3A_91 = tpu.memref_slice %arg8[%run_scoped3A_30, %dma_start3A] : memref<16x640xf32, #tpu.memory_space<vmem>> -> memref<1x640xf32, #tpu.memory_space<vmem>>
      %dma_start3A_92 = tpu.memref_squeeze %dma_start3A_91 : memref<1x640xf32, #tpu.memory_space<vmem>> -> memref<640xf32, #tpu.memory_space<vmem>>
      %dma_start3A_93 = tpu.memref_slice %arg4[%run_scoped3A_29, %mul3A_28] : memref<16x10240xf32, #tpu.memory_space<vmem_shared>> -> memref<1x640xf32, #tpu.memory_space<vmem_shared>>
      %dma_start3A_94 = tpu.memref_squeeze %dma_start3A_93 : memref<1x640xf32, #tpu.memory_space<vmem_shared>> -> memref<640xf32, #tpu.memory_space<vmem_shared>>
      %dma_start3A_95 = arith.constant 0 : i32
      %dma_start3A_96 = tpu.memref_slice %arg8[%run_scoped3A_30, %dma_start3A_95] : memref<16x640xf32, #tpu.memory_space<vmem>> -> memref<1x640xf32, #tpu.memory_space<vmem>>
      %dma_start3A_97 = tpu.memref_squeeze %dma_start3A_96 : memref<1x640xf32, #tpu.memory_space<vmem>> -> memref<640xf32, #tpu.memory_space<vmem>>
      %dma_start3A_98 = tpu.memref_slice %arg4[%run_scoped3A_29, %mul3A_28] : memref<16x10240xf32, #tpu.memory_space<vmem_shared>> -> memref<1x640xf32, #tpu.memory_space<vmem_shared>>
      %dma_start3A_99 = tpu.memref_squeeze %dma_start3A_98 : memref<1x640xf32, #tpu.memory_space<vmem_shared>> -> memref<640xf32, #tpu.memory_space<vmem_shared>>
      tpu.enqueue_dma source(%dma_start3A_99 : memref<640xf32, #tpu.memory_space<vmem_shared>>) target(%dma_start3A_97 : memref<640xf32, #tpu.memory_space<vmem>>) target_semaphore(%run_scoped3A_90 : memref<!tpu.dma_semaphore, #tpu.memory_space<semaphore_mem>>)
      %dma_wait3A = arith.constant 0 : i32
      %dma_wait3A_100 = tpu.memref_slice %arg8[%run_scoped3A_30, %dma_wait3A] : memref<16x640xf32, #tpu.memory_space<vmem>> -> memref<1x640xf32, #tpu.memory_space<vmem>>
      %dma_wait3A_101 = tpu.memref_squeeze %dma_wait3A_100 : memref<1x640xf32, #tpu.memory_space<vmem>> -> memref<640xf32, #tpu.memory_space<vmem>>
      %dma_wait3A_102 = tpu.memref_slice %arg4[%run_scoped3A_29, %mul3A_28] : memref<16x10240xf32, #tpu.memory_space<vmem_shared>> -> memref<1x640xf32, #tpu.memory_space<vmem_shared>>
      %dma_wait3A_103 = tpu.memref_squeeze %dma_wait3A_102 : memref<1x640xf32, #tpu.memory_space<vmem_shared>> -> memref<640xf32, #tpu.memory_space<vmem_shared>>
      %dma_wait3A_104 = arith.constant 0 : i32
      %dma_wait3A_105 = tpu.memref_slice %arg8[%run_scoped3A_30, %dma_wait3A_104] : memref<16x640xf32, #tpu.memory_space<vmem>> -> memref<1x640xf32, #tpu.memory_space<vmem>>
      %dma_wait3A_106 = tpu.memref_squeeze %dma_wait3A_105 : memref<1x640xf32, #tpu.memory_space<vmem>> -> memref<640xf32, #tpu.memory_space<vmem>>
      %dma_wait3A_107 = tpu.memref_slice %arg4[%run_scoped3A_29, %mul3A_28] : memref<16x10240xf32, #tpu.memory_space<vmem_shared>> -> memref<1x640xf32, #tpu.memory_space<vmem_shared>>
      %dma_wait3A_108 = tpu.memref_squeeze %dma_wait3A_107 : memref<1x640xf32, #tpu.memory_space<vmem_shared>> -> memref<640xf32, #tpu.memory_space<vmem_shared>>
      tpu.wait_dma2 semaphore(%run_scoped3A_90 : memref<!tpu.dma_semaphore, #tpu.memory_space<semaphore_mem>>) src(%dma_wait3A_108 : memref<640xf32, #tpu.memory_space<vmem_shared>>) dst(%dma_wait3A_106 : memref<640xf32, #tpu.memory_space<vmem>>)
      tpu.yield
    }) : () -> ()
    %mul3A_31 = arith.constant 640 : i32
    %mul3A_32 = arith.muli %arg1, %mul3A_31 : i32
    %run_scoped3A_33 = arith.constant 3 : i32
    %run_scoped3A_34 = arith.constant 3 : i32
    "tpu.region"() ({
      %run_scoped3A_90 = tpu.sem_alloc : memref<!tpu.dma_semaphore, #tpu.memory_space<semaphore_mem>>
      %dma_start3A = arith.constant 0 : i32
      %dma_start3A_91 = tpu.memref_slice %arg8[%run_scoped3A_34, %dma_start3A] : memref<16x640xf32, #tpu.memory_space<vmem>> -> memref<1x640xf32, #tpu.memory_space<vmem>>
      %dma_start3A_92 = tpu.memref_squeeze %dma_start3A_91 : memref<1x640xf32, #tpu.memory_space<vmem>> -> memref<640xf32, #tpu.memory_space<vmem>>
      %dma_start3A_93 = tpu.memref_slice %arg4[%run_scoped3A_33, %mul3A_32] : memref<16x10240xf32, #tpu.memory_space<vmem_shared>> -> memref<1x640xf32, #tpu.memory_space<vmem_shared>>
      %dma_start3A_94 = tpu.memref_squeeze %dma_start3A_93 : memref<1x640xf32, #tpu.memory_space<vmem_shared>> -> memref<640xf32, #tpu.memory_space<vmem_shared>>
      %dma_start3A_95 = arith.constant 0 : i32
      %dma_start3A_96 = tpu.memref_slice %arg8[%run_scoped3A_34, %dma_start3A_95] : memref<16x640xf32, #tpu.memory_space<vmem>> -> memref<1x640xf32, #tpu.memory_space<vmem>>
      %dma_start3A_97 = tpu.memref_squeeze %dma_start3A_96 : memref<1x640xf32, #tpu.memory_space<vmem>> -> memref<640xf32, #tpu.memory_space<vmem>>
      %dma_start3A_98 = tpu.memref_slice %arg4[%run_scoped3A_33, %mul3A_32] : memref<16x10240xf32, #tpu.memory_space<vmem_shared>> -> memref<1x640xf32, #tpu.memory_space<vmem_shared>>
      %dma_start3A_99 = tpu.memref_squeeze %dma_start3A_98 : memref<1x640xf32, #tpu.memory_space<vmem_shared>> -> memref<640xf32, #tpu.memory_space<vmem_shared>>
      tpu.enqueue_dma source(%dma_start3A_99 : memref<640xf32, #tpu.memory_space<vmem_shared>>) target(%dma_start3A_97 : memref<640xf32, #tpu.memory_space<vmem>>) target_semaphore(%run_scoped3A_90 : memref<!tpu.dma_semaphore, #tpu.memory_space<semaphore_mem>>)
      %dma_wait3A = arith.constant 0 : i32
      %dma_wait3A_100 = tpu.memref_slice %arg8[%run_scoped3A_34, %dma_wait3A] : memref<16x640xf32, #tpu.memory_space<vmem>> -> memref<1x640xf32, #tpu.memory_space<vmem>>
      %dma_wait3A_101 = tpu.memref_squeeze %dma_wait3A_100 : memref<1x640xf32, #tpu.memory_space<vmem>> -> memref<640xf32, #tpu.memory_space<vmem>>
      %dma_wait3A_102 = tpu.memref_slice %arg4[%run_scoped3A_33, %mul3A_32] : memref<16x10240xf32, #tpu.memory_space<vmem_shared>> -> memref<1x640xf32, #tpu.memory_space<vmem_shared>>
      %dma_wait3A_103 = tpu.memref_squeeze %dma_wait3A_102 : memref<1x640xf32, #tpu.memory_space<vmem_shared>> -> memref<640xf32, #tpu.memory_space<vmem_shared>>
      %dma_wait3A_104 = arith.constant 0 : i32
      %dma_wait3A_105 = tpu.memref_slice %arg8[%run_scoped3A_34, %dma_wait3A_104] : memref<16x640xf32, #tpu.memory_space<vmem>> -> memref<1x640xf32, #tpu.memory_space<vmem>>
      %dma_wait3A_106 = tpu.memref_squeeze %dma_wait3A_105 : memref<1x640xf32, #tpu.memory_space<vmem>> -> memref<640xf32, #tpu.memory_space<vmem>>
      %dma_wait3A_107 = tpu.memref_slice %arg4[%run_scoped3A_33, %mul3A_32] : memref<16x10240xf32, #tpu.memory_space<vmem_shared>> -> memref<1x640xf32, #tpu.memory_space<vmem_shared>>
      %dma_wait3A_108 = tpu.memref_squeeze %dma_wait3A_107 : memref<1x640xf32, #tpu.memory_space<vmem_shared>> -> memref<640xf32, #tpu.memory_space<vmem_shared>>
      tpu.wait_dma2 semaphore(%run_scoped3A_90 : memref<!tpu.dma_semaphore, #tpu.memory_space<semaphore_mem>>) src(%dma_wait3A_108 : memref<640xf32, #tpu.memory_space<vmem_shared>>) dst(%dma_wait3A_106 : memref<640xf32, #tpu.memory_space<vmem>>)
      tpu.yield
    }) : () -> ()
    %mul3A_35 = arith.constant 640 : i32
    %mul3A_36 = arith.muli %arg1, %mul3A_35 : i32
    %run_scoped3A_37 = arith.constant 4 : i32
    %run_scoped3A_38 = arith.constant 4 : i32
    "tpu.region"() ({
      %run_scoped3A_90 = tpu.sem_alloc : memref<!tpu.dma_semaphore, #tpu.memory_space<semaphore_mem>>
      %dma_start3A = arith.constant 0 : i32
      %dma_start3A_91 = tpu.memref_slice %arg8[%run_scoped3A_38, %dma_start3A] : memref<16x640xf32, #tpu.memory_space<vmem>> -> memref<1x640xf32, #tpu.memory_space<vmem>>
      %dma_start3A_92 = tpu.memref_squeeze %dma_start3A_91 : memref<1x640xf32, #tpu.memory_space<vmem>> -> memref<640xf32, #tpu.memory_space<vmem>>
      %dma_start3A_93 = tpu.memref_slice %arg4[%run_scoped3A_37, %mul3A_36] : memref<16x10240xf32, #tpu.memory_space<vmem_shared>> -> memref<1x640xf32, #tpu.memory_space<vmem_shared>>
      %dma_start3A_94 = tpu.memref_squeeze %dma_start3A_93 : memref<1x640xf32, #tpu.memory_space<vmem_shared>> -> memref<640xf32, #tpu.memory_space<vmem_shared>>
      %dma_start3A_95 = arith.constant 0 : i32
      %dma_start3A_96 = tpu.memref_slice %arg8[%run_scoped3A_38, %dma_start3A_95] : memref<16x640xf32, #tpu.memory_space<vmem>> -> memref<1x640xf32, #tpu.memory_space<vmem>>
      %dma_start3A_97 = tpu.memref_squeeze %dma_start3A_96 : memref<1x640xf32, #tpu.memory_space<vmem>> -> memref<640xf32, #tpu.memory_space<vmem>>
      %dma_start3A_98 = tpu.memref_slice %arg4[%run_scoped3A_37, %mul3A_36] : memref<16x10240xf32, #tpu.memory_space<vmem_shared>> -> memref<1x640xf32, #tpu.memory_space<vmem_shared>>
      %dma_start3A_99 = tpu.memref_squeeze %dma_start3A_98 : memref<1x640xf32, #tpu.memory_space<vmem_shared>> -> memref<640xf32, #tpu.memory_space<vmem_shared>>
      tpu.enqueue_dma source(%dma_start3A_99 : memref<640xf32, #tpu.memory_space<vmem_shared>>) target(%dma_start3A_97 : memref<640xf32, #tpu.memory_space<vmem>>) target_semaphore(%run_scoped3A_90 : memref<!tpu.dma_semaphore, #tpu.memory_space<semaphore_mem>>)
      %dma_wait3A = arith.constant 0 : i32
      %dma_wait3A_100 = tpu.memref_slice %arg8[%run_scoped3A_38, %dma_wait3A] : memref<16x640xf32, #tpu.memory_space<vmem>> -> memref<1x640xf32, #tpu.memory_space<vmem>>
      %dma_wait3A_101 = tpu.memref_squeeze %dma_wait3A_100 : memref<1x640xf32, #tpu.memory_space<vmem>> -> memref<640xf32, #tpu.memory_space<vmem>>
      %dma_wait3A_102 = tpu.memref_slice %arg4[%run_scoped3A_37, %mul3A_36] : memref<16x10240xf32, #tpu.memory_space<vmem_shared>> -> memref<1x640xf32, #tpu.memory_space<vmem_shared>>
      %dma_wait3A_103 = tpu.memref_squeeze %dma_wait3A_102 : memref<1x640xf32, #tpu.memory_space<vmem_shared>> -> memref<640xf32, #tpu.memory_space<vmem_shared>>
      %dma_wait3A_104 = arith.constant 0 : i32
      %dma_wait3A_105 = tpu.memref_slice %arg8[%run_scoped3A_38, %dma_wait3A_104] : memref<16x640xf32, #tpu.memory_space<vmem>> -> memref<1x640xf32, #tpu.memory_space<vmem>>
      %dma_wait3A_106 = tpu.memref_squeeze %dma_wait3A_105 : memref<1x640xf32, #tpu.memory_space<vmem>> -> memref<640xf32, #tpu.memory_space<vmem>>
      %dma_wait3A_107 = tpu.memref_slice %arg4[%run_scoped3A_37, %mul3A_36] : memref<16x10240xf32, #tpu.memory_space<vmem_shared>> -> memref<1x640xf32, #tpu.memory_space<vmem_shared>>
      %dma_wait3A_108 = tpu.memref_squeeze %dma_wait3A_107 : memref<1x640xf32, #tpu.memory_space<vmem_shared>> -> memref<640xf32, #tpu.memory_space<vmem_shared>>
      tpu.wait_dma2 semaphore(%run_scoped3A_90 : memref<!tpu.dma_semaphore, #tpu.memory_space<semaphore_mem>>) src(%dma_wait3A_108 : memref<640xf32, #tpu.memory_space<vmem_shared>>) dst(%dma_wait3A_106 : memref<640xf32, #tpu.memory_space<vmem>>)
      tpu.yield
    }) : () -> ()
    %mul3A_39 = arith.constant 640 : i32
    %mul3A_40 = arith.muli %arg1, %mul3A_39 : i32
    %run_scoped3A_41 = arith.constant 5 : i32
    %run_scoped3A_42 = arith.constant 5 : i32
    "tpu.region"() ({
      %run_scoped3A_90 = tpu.sem_alloc : memref<!tpu.dma_semaphore, #tpu.memory_space<semaphore_mem>>
      %dma_start3A = arith.constant 0 : i32
      %dma_start3A_91 = tpu.memref_slice %arg8[%run_scoped3A_42, %dma_start3A] : memref<16x640xf32, #tpu.memory_space<vmem>> -> memref<1x640xf32, #tpu.memory_space<vmem>>
      %dma_start3A_92 = tpu.memref_squeeze %dma_start3A_91 : memref<1x640xf32, #tpu.memory_space<vmem>> -> memref<640xf32, #tpu.memory_space<vmem>>
      %dma_start3A_93 = tpu.memref_slice %arg4[%run_scoped3A_41, %mul3A_40] : memref<16x10240xf32, #tpu.memory_space<vmem_shared>> -> memref<1x640xf32, #tpu.memory_space<vmem_shared>>
      %dma_start3A_94 = tpu.memref_squeeze %dma_start3A_93 : memref<1x640xf32, #tpu.memory_space<vmem_shared>> -> memref<640xf32, #tpu.memory_space<vmem_shared>>
      %dma_start3A_95 = arith.constant 0 : i32
      %dma_start3A_96 = tpu.memref_slice %arg8[%run_scoped3A_42, %dma_start3A_95] : memref<16x640xf32, #tpu.memory_space<vmem>> -> memref<1x640xf32, #tpu.memory_space<vmem>>
      %dma_start3A_97 = tpu.memref_squeeze %dma_start3A_96 : memref<1x640xf32, #tpu.memory_space<vmem>> -> memref<640xf32, #tpu.memory_space<vmem>>
      %dma_start3A_98 = tpu.memref_slice %arg4[%run_scoped3A_41, %mul3A_40] : memref<16x10240xf32, #tpu.memory_space<vmem_shared>> -> memref<1x640xf32, #tpu.memory_space<vmem_shared>>
      %dma_start3A_99 = tpu.memref_squeeze %dma_start3A_98 : memref<1x640xf32, #tpu.memory_space<vmem_shared>> -> memref<640xf32, #tpu.memory_space<vmem_shared>>
      tpu.enqueue_dma source(%dma_start3A_99 : memref<640xf32, #tpu.memory_space<vmem_shared>>) target(%dma_start3A_97 : memref<640xf32, #tpu.memory_space<vmem>>) target_semaphore(%run_scoped3A_90 : memref<!tpu.dma_semaphore, #tpu.memory_space<semaphore_mem>>)
      %dma_wait3A = arith.constant 0 : i32
      %dma_wait3A_100 = tpu.memref_slice %arg8[%run_scoped3A_42, %dma_wait3A] : memref<16x640xf32, #tpu.memory_space<vmem>> -> memref<1x640xf32, #tpu.memory_space<vmem>>
      %dma_wait3A_101 = tpu.memref_squeeze %dma_wait3A_100 : memref<1x640xf32, #tpu.memory_space<vmem>> -> memref<640xf32, #tpu.memory_space<vmem>>
      %dma_wait3A_102 = tpu.memref_slice %arg4[%run_scoped3A_41, %mul3A_40] : memref<16x10240xf32, #tpu.memory_space<vmem_shared>> -> memref<1x640xf32, #tpu.memory_space<vmem_shared>>
      %dma_wait3A_103 = tpu.memref_squeeze %dma_wait3A_102 : memref<1x640xf32, #tpu.memory_space<vmem_shared>> -> memref<640xf32, #tpu.memory_space<vmem_shared>>
      %dma_wait3A_104 = arith.constant 0 : i32
      %dma_wait3A_105 = tpu.memref_slice %arg8[%run_scoped3A_42, %dma_wait3A_104] : memref<16x640xf32, #tpu.memory_space<vmem>> -> memref<1x640xf32, #tpu.memory_space<vmem>>
      %dma_wait3A_106 = tpu.memref_squeeze %dma_wait3A_105 : memref<1x640xf32, #tpu.memory_space<vmem>> -> memref<640xf32, #tpu.memory_space<vmem>>
      %dma_wait3A_107 = tpu.memref_slice %arg4[%run_scoped3A_41, %mul3A_40] : memref<16x10240xf32, #tpu.memory_space<vmem_shared>> -> memref<1x640xf32, #tpu.memory_space<vmem_shared>>
      %dma_wait3A_108 = tpu.memref_squeeze %dma_wait3A_107 : memref<1x640xf32, #tpu.memory_space<vmem_shared>> -> memref<640xf32, #tpu.memory_space<vmem_shared>>
      tpu.wait_dma2 semaphore(%run_scoped3A_90 : memref<!tpu.dma_semaphore, #tpu.memory_space<semaphore_mem>>) src(%dma_wait3A_108 : memref<640xf32, #tpu.memory_space<vmem_shared>>) dst(%dma_wait3A_106 : memref<640xf32, #tpu.memory_space<vmem>>)
      tpu.yield
    }) : () -> ()
    %mul3A_43 = arith.constant 640 : i32
    %mul3A_44 = arith.muli %arg1, %mul3A_43 : i32
    %run_scoped3A_45 = arith.constant 6 : i32
    %run_scoped3A_46 = arith.constant 6 : i32
    "tpu.region"() ({
      %run_scoped3A_90 = tpu.sem_alloc : memref<!tpu.dma_semaphore, #tpu.memory_space<semaphore_mem>>
      %dma_start3A = arith.constant 0 : i32
      %dma_start3A_91 = tpu.memref_slice %arg8[%run_scoped3A_46, %dma_start3A] : memref<16x640xf32, #tpu.memory_space<vmem>> -> memref<1x640xf32, #tpu.memory_space<vmem>>
      %dma_start3A_92 = tpu.memref_squeeze %dma_start3A_91 : memref<1x640xf32, #tpu.memory_space<vmem>> -> memref<640xf32, #tpu.memory_space<vmem>>
      %dma_start3A_93 = tpu.memref_slice %arg4[%run_scoped3A_45, %mul3A_44] : memref<16x10240xf32, #tpu.memory_space<vmem_shared>> -> memref<1x640xf32, #tpu.memory_space<vmem_shared>>
      %dma_start3A_94 = tpu.memref_squeeze %dma_start3A_93 : memref<1x640xf32, #tpu.memory_space<vmem_shared>> -> memref<640xf32, #tpu.memory_space<vmem_shared>>
      %dma_start3A_95 = arith.constant 0 : i32
      %dma_start3A_96 = tpu.memref_slice %arg8[%run_scoped3A_46, %dma_start3A_95] : memref<16x640xf32, #tpu.memory_space<vmem>> -> memref<1x640xf32, #tpu.memory_space<vmem>>
      %dma_start3A_97 = tpu.memref_squeeze %dma_start3A_96 : memref<1x640xf32, #tpu.memory_space<vmem>> -> memref<640xf32, #tpu.memory_space<vmem>>
      %dma_start3A_98 = tpu.memref_slice %arg4[%run_scoped3A_45, %mul3A_44] : memref<16x10240xf32, #tpu.memory_space<vmem_shared>> -> memref<1x640xf32, #tpu.memory_space<vmem_shared>>
      %dma_start3A_99 = tpu.memref_squeeze %dma_start3A_98 : memref<1x640xf32, #tpu.memory_space<vmem_shared>> -> memref<640xf32, #tpu.memory_space<vmem_shared>>
      tpu.enqueue_dma source(%dma_start3A_99 : memref<640xf32, #tpu.memory_space<vmem_shared>>) target(%dma_start3A_97 : memref<640xf32, #tpu.memory_space<vmem>>) target_semaphore(%run_scoped3A_90 : memref<!tpu.dma_semaphore, #tpu.memory_space<semaphore_mem>>)
      %dma_wait3A = arith.constant 0 : i32
      %dma_wait3A_100 = tpu.memref_slice %arg8[%run_scoped3A_46, %dma_wait3A] : memref<16x640xf32, #tpu.memory_space<vmem>> -> memref<1x640xf32, #tpu.memory_space<vmem>>
      %dma_wait3A_101 = tpu.memref_squeeze %dma_wait3A_100 : memref<1x640xf32, #tpu.memory_space<vmem>> -> memref<640xf32, #tpu.memory_space<vmem>>
      %dma_wait3A_102 = tpu.memref_slice %arg4[%run_scoped3A_45, %mul3A_44] : memref<16x10240xf32, #tpu.memory_space<vmem_shared>> -> memref<1x640xf32, #tpu.memory_space<vmem_shared>>
      %dma_wait3A_103 = tpu.memref_squeeze %dma_wait3A_102 : memref<1x640xf32, #tpu.memory_space<vmem_shared>> -> memref<640xf32, #tpu.memory_space<vmem_shared>>
      %dma_wait3A_104 = arith.constant 0 : i32
      %dma_wait3A_105 = tpu.memref_slice %arg8[%run_scoped3A_46, %dma_wait3A_104] : memref<16x640xf32, #tpu.memory_space<vmem>> -> memref<1x640xf32, #tpu.memory_space<vmem>>
      %dma_wait3A_106 = tpu.memref_squeeze %dma_wait3A_105 : memref<1x640xf32, #tpu.memory_space<vmem>> -> memref<640xf32, #tpu.memory_space<vmem>>
      %dma_wait3A_107 = tpu.memref_slice %arg4[%run_scoped3A_45, %mul3A_44] : memref<16x10240xf32, #tpu.memory_space<vmem_shared>> -> memref<1x640xf32, #tpu.memory_space<vmem_shared>>
      %dma_wait3A_108 = tpu.memref_squeeze %dma_wait3A_107 : memref<1x640xf32, #tpu.memory_space<vmem_shared>> -> memref<640xf32, #tpu.memory_space<vmem_shared>>
      tpu.wait_dma2 semaphore(%run_scoped3A_90 : memref<!tpu.dma_semaphore, #tpu.memory_space<semaphore_mem>>) src(%dma_wait3A_108 : memref<640xf32, #tpu.memory_space<vmem_shared>>) dst(%dma_wait3A_106 : memref<640xf32, #tpu.memory_space<vmem>>)
      tpu.yield
    }) : () -> ()
    %mul3A_47 = arith.constant 640 : i32
    %mul3A_48 = arith.muli %arg1, %mul3A_47 : i32
    %run_scoped3A_49 = arith.constant 7 : i32
    %run_scoped3A_50 = arith.constant 7 : i32
    "tpu.region"() ({
      %run_scoped3A_90 = tpu.sem_alloc : memref<!tpu.dma_semaphore, #tpu.memory_space<semaphore_mem>>
      %dma_start3A = arith.constant 0 : i32
      %dma_start3A_91 = tpu.memref_slice %arg8[%run_scoped3A_50, %dma_start3A] : memref<16x640xf32, #tpu.memory_space<vmem>> -> memref<1x640xf32, #tpu.memory_space<vmem>>
      %dma_start3A_92 = tpu.memref_squeeze %dma_start3A_91 : memref<1x640xf32, #tpu.memory_space<vmem>> -> memref<640xf32, #tpu.memory_space<vmem>>
      %dma_start3A_93 = tpu.memref_slice %arg4[%run_scoped3A_49, %mul3A_48] : memref<16x10240xf32, #tpu.memory_space<vmem_shared>> -> memref<1x640xf32, #tpu.memory_space<vmem_shared>>
      %dma_start3A_94 = tpu.memref_squeeze %dma_start3A_93 : memref<1x640xf32, #tpu.memory_space<vmem_shared>> -> memref<640xf32, #tpu.memory_space<vmem_shared>>
      %dma_start3A_95 = arith.constant 0 : i32
      %dma_start3A_96 = tpu.memref_slice %arg8[%run_scoped3A_50, %dma_start3A_95] : memref<16x640xf32, #tpu.memory_space<vmem>> -> memref<1x640xf32, #tpu.memory_space<vmem>>
      %dma_start3A_97 = tpu.memref_squeeze %dma_start3A_96 : memref<1x640xf32, #tpu.memory_space<vmem>> -> memref<640xf32, #tpu.memory_space<vmem>>
      %dma_start3A_98 = tpu.memref_slice %arg4[%run_scoped3A_49, %mul3A_48] : memref<16x10240xf32, #tpu.memory_space<vmem_shared>> -> memref<1x640xf32, #tpu.memory_space<vmem_shared>>
      %dma_start3A_99 = tpu.memref_squeeze %dma_start3A_98 : memref<1x640xf32, #tpu.memory_space<vmem_shared>> -> memref<640xf32, #tpu.memory_space<vmem_shared>>
      tpu.enqueue_dma source(%dma_start3A_99 : memref<640xf32, #tpu.memory_space<vmem_shared>>) target(%dma_start3A_97 : memref<640xf32, #tpu.memory_space<vmem>>) target_semaphore(%run_scoped3A_90 : memref<!tpu.dma_semaphore, #tpu.memory_space<semaphore_mem>>)
      %dma_wait3A = arith.constant 0 : i32
      %dma_wait3A_100 = tpu.memref_slice %arg8[%run_scoped3A_50, %dma_wait3A] : memref<16x640xf32, #tpu.memory_space<vmem>> -> memref<1x640xf32, #tpu.memory_space<vmem>>
      %dma_wait3A_101 = tpu.memref_squeeze %dma_wait3A_100 : memref<1x640xf32, #tpu.memory_space<vmem>> -> memref<640xf32, #tpu.memory_space<vmem>>
      %dma_wait3A_102 = tpu.memref_slice %arg4[%run_scoped3A_49, %mul3A_48] : memref<16x10240xf32, #tpu.memory_space<vmem_shared>> -> memref<1x640xf32, #tpu.memory_space<vmem_shared>>
      %dma_wait3A_103 = tpu.memref_squeeze %dma_wait3A_102 : memref<1x640xf32, #tpu.memory_space<vmem_shared>> -> memref<640xf32, #tpu.memory_space<vmem_shared>>
      %dma_wait3A_104 = arith.constant 0 : i32
      %dma_wait3A_105 = tpu.memref_slice %arg8[%run_scoped3A_50, %dma_wait3A_104] : memref<16x640xf32, #tpu.memory_space<vmem>> -> memref<1x640xf32, #tpu.memory_space<vmem>>
      %dma_wait3A_106 = tpu.memref_squeeze %dma_wait3A_105 : memref<1x640xf32, #tpu.memory_space<vmem>> -> memref<640xf32, #tpu.memory_space<vmem>>
      %dma_wait3A_107 = tpu.memref_slice %arg4[%run_scoped3A_49, %mul3A_48] : memref<16x10240xf32, #tpu.memory_space<vmem_shared>> -> memref<1x640xf32, #tpu.memory_space<vmem_shared>>
      %dma_wait3A_108 = tpu.memref_squeeze %dma_wait3A_107 : memref<1x640xf32, #tpu.memory_space<vmem_shared>> -> memref<640xf32, #tpu.memory_space<vmem_shared>>
      tpu.wait_dma2 semaphore(%run_scoped3A_90 : memref<!tpu.dma_semaphore, #tpu.memory_space<semaphore_mem>>) src(%dma_wait3A_108 : memref<640xf32, #tpu.memory_space<vmem_shared>>) dst(%dma_wait3A_106 : memref<640xf32, #tpu.memory_space<vmem>>)
      tpu.yield
    }) : () -> ()
    %mul3A_51 = arith.constant 640 : i32
    %mul3A_52 = arith.muli %arg1, %mul3A_51 : i32
    %run_scoped3A_53 = arith.constant 8 : i32
    %run_scoped3A_54 = arith.constant 8 : i32
    "tpu.region"() ({
      %run_scoped3A_90 = tpu.sem_alloc : memref<!tpu.dma_semaphore, #tpu.memory_space<semaphore_mem>>
      %dma_start3A = arith.constant 0 : i32
      %dma_start3A_91 = tpu.memref_slice %arg8[%run_scoped3A_54, %dma_start3A] : memref<16x640xf32, #tpu.memory_space<vmem>> -> memref<1x640xf32, #tpu.memory_space<vmem>>
      %dma_start3A_92 = tpu.memref_squeeze %dma_start3A_91 : memref<1x640xf32, #tpu.memory_space<vmem>> -> memref<640xf32, #tpu.memory_space<vmem>>
      %dma_start3A_93 = tpu.memref_slice %arg4[%run_scoped3A_53, %mul3A_52] : memref<16x10240xf32, #tpu.memory_space<vmem_shared>> -> memref<1x640xf32, #tpu.memory_space<vmem_shared>>
      %dma_start3A_94 = tpu.memref_squeeze %dma_start3A_93 : memref<1x640xf32, #tpu.memory_space<vmem_shared>> -> memref<640xf32, #tpu.memory_space<vmem_shared>>
      %dma_start3A_95 = arith.constant 0 : i32
      %dma_start3A_96 = tpu.memref_slice %arg8[%run_scoped3A_54, %dma_start3A_95] : memref<16x640xf32, #tpu.memory_space<vmem>> -> memref<1x640xf32, #tpu.memory_space<vmem>>
      %dma_start3A_97 = tpu.memref_squeeze %dma_start3A_96 : memref<1x640xf32, #tpu.memory_space<vmem>> -> memref<640xf32, #tpu.memory_space<vmem>>
      %dma_start3A_98 = tpu.memref_slice %arg4[%run_scoped3A_53, %mul3A_52] : memref<16x10240xf32, #tpu.memory_space<vmem_shared>> -> memref<1x640xf32, #tpu.memory_space<vmem_shared>>
      %dma_start3A_99 = tpu.memref_squeeze %dma_start3A_98 : memref<1x640xf32, #tpu.memory_space<vmem_shared>> -> memref<640xf32, #tpu.memory_space<vmem_shared>>
      tpu.enqueue_dma source(%dma_start3A_99 : memref<640xf32, #tpu.memory_space<vmem_shared>>) target(%dma_start3A_97 : memref<640xf32, #tpu.memory_space<vmem>>) target_semaphore(%run_scoped3A_90 : memref<!tpu.dma_semaphore, #tpu.memory_space<semaphore_mem>>)
      %dma_wait3A = arith.constant 0 : i32
      %dma_wait3A_100 = tpu.memref_slice %arg8[%run_scoped3A_54, %dma_wait3A] : memref<16x640xf32, #tpu.memory_space<vmem>> -> memref<1x640xf32, #tpu.memory_space<vmem>>
      %dma_wait3A_101 = tpu.memref_squeeze %dma_wait3A_100 : memref<1x640xf32, #tpu.memory_space<vmem>> -> memref<640xf32, #tpu.memory_space<vmem>>
      %dma_wait3A_102 = tpu.memref_slice %arg4[%run_scoped3A_53, %mul3A_52] : memref<16x10240xf32, #tpu.memory_space<vmem_shared>> -> memref<1x640xf32, #tpu.memory_space<vmem_shared>>
      %dma_wait3A_103 = tpu.memref_squeeze %dma_wait3A_102 : memref<1x640xf32, #tpu.memory_space<vmem_shared>> -> memref<640xf32, #tpu.memory_space<vmem_shared>>
      %dma_wait3A_104 = arith.constant 0 : i32
      %dma_wait3A_105 = tpu.memref_slice %arg8[%run_scoped3A_54, %dma_wait3A_104] : memref<16x640xf32, #tpu.memory_space<vmem>> -> memref<1x640xf32, #tpu.memory_space<vmem>>
      %dma_wait3A_106 = tpu.memref_squeeze %dma_wait3A_105 : memref<1x640xf32, #tpu.memory_space<vmem>> -> memref<640xf32, #tpu.memory_space<vmem>>
      %dma_wait3A_107 = tpu.memref_slice %arg4[%run_scoped3A_53, %mul3A_52] : memref<16x10240xf32, #tpu.memory_space<vmem_shared>> -> memref<1x640xf32, #tpu.memory_space<vmem_shared>>
      %dma_wait3A_108 = tpu.memref_squeeze %dma_wait3A_107 : memref<1x640xf32, #tpu.memory_space<vmem_shared>> -> memref<640xf32, #tpu.memory_space<vmem_shared>>
      tpu.wait_dma2 semaphore(%run_scoped3A_90 : memref<!tpu.dma_semaphore, #tpu.memory_space<semaphore_mem>>) src(%dma_wait3A_108 : memref<640xf32, #tpu.memory_space<vmem_shared>>) dst(%dma_wait3A_106 : memref<640xf32, #tpu.memory_space<vmem>>)
      tpu.yield
    }) : () -> ()
    %mul3A_55 = arith.constant 640 : i32
    %mul3A_56 = arith.muli %arg1, %mul3A_55 : i32
    %run_scoped3A_57 = arith.constant 9 : i32
    %run_scoped3A_58 = arith.constant 9 : i32
    "tpu.region"() ({
      %run_scoped3A_90 = tpu.sem_alloc : memref<!tpu.dma_semaphore, #tpu.memory_space<semaphore_mem>>
      %dma_start3A = arith.constant 0 : i32
      %dma_start3A_91 = tpu.memref_slice %arg8[%run_scoped3A_58, %dma_start3A] : memref<16x640xf32, #tpu.memory_space<vmem>> -> memref<1x640xf32, #tpu.memory_space<vmem>>
      %dma_start3A_92 = tpu.memref_squeeze %dma_start3A_91 : memref<1x640xf32, #tpu.memory_space<vmem>> -> memref<640xf32, #tpu.memory_space<vmem>>
      %dma_start3A_93 = tpu.memref_slice %arg4[%run_scoped3A_57, %mul3A_56] : memref<16x10240xf32, #tpu.memory_space<vmem_shared>> -> memref<1x640xf32, #tpu.memory_space<vmem_shared>>
      %dma_start3A_94 = tpu.memref_squeeze %dma_start3A_93 : memref<1x640xf32, #tpu.memory_space<vmem_shared>> -> memref<640xf32, #tpu.memory_space<vmem_shared>>
      %dma_start3A_95 = arith.constant 0 : i32
      %dma_start3A_96 = tpu.memref_slice %arg8[%run_scoped3A_58, %dma_start3A_95] : memref<16x640xf32, #tpu.memory_space<vmem>> -> memref<1x640xf32, #tpu.memory_space<vmem>>
      %dma_start3A_97 = tpu.memref_squeeze %dma_start3A_96 : memref<1x640xf32, #tpu.memory_space<vmem>> -> memref<640xf32, #tpu.memory_space<vmem>>
      %dma_start3A_98 = tpu.memref_slice %arg4[%run_scoped3A_57, %mul3A_56] : memref<16x10240xf32, #tpu.memory_space<vmem_shared>> -> memref<1x640xf32, #tpu.memory_space<vmem_shared>>
      %dma_start3A_99 = tpu.memref_squeeze %dma_start3A_98 : memref<1x640xf32, #tpu.memory_space<vmem_shared>> -> memref<640xf32, #tpu.memory_space<vmem_shared>>
      tpu.enqueue_dma source(%dma_start3A_99 : memref<640xf32, #tpu.memory_space<vmem_shared>>) target(%dma_start3A_97 : memref<640xf32, #tpu.memory_space<vmem>>) target_semaphore(%run_scoped3A_90 : memref<!tpu.dma_semaphore, #tpu.memory_space<semaphore_mem>>)
      %dma_wait3A = arith.constant 0 : i32
      %dma_wait3A_100 = tpu.memref_slice %arg8[%run_scoped3A_58, %dma_wait3A] : memref<16x640xf32, #tpu.memory_space<vmem>> -> memref<1x640xf32, #tpu.memory_space<vmem>>
      %dma_wait3A_101 = tpu.memref_squeeze %dma_wait3A_100 : memref<1x640xf32, #tpu.memory_space<vmem>> -> memref<640xf32, #tpu.memory_space<vmem>>
      %dma_wait3A_102 = tpu.memref_slice %arg4[%run_scoped3A_57, %mul3A_56] : memref<16x10240xf32, #tpu.memory_space<vmem_shared>> -> memref<1x640xf32, #tpu.memory_space<vmem_shared>>
      %dma_wait3A_103 = tpu.memref_squeeze %dma_wait3A_102 : memref<1x640xf32, #tpu.memory_space<vmem_shared>> -> memref<640xf32, #tpu.memory_space<vmem_shared>>
      %dma_wait3A_104 = arith.constant 0 : i32
      %dma_wait3A_105 = tpu.memref_slice %arg8[%run_scoped3A_58, %dma_wait3A_104] : memref<16x640xf32, #tpu.memory_space<vmem>> -> memref<1x640xf32, #tpu.memory_space<vmem>>
      %dma_wait3A_106 = tpu.memref_squeeze %dma_wait3A_105 : memref<1x640xf32, #tpu.memory_space<vmem>> -> memref<640xf32, #tpu.memory_space<vmem>>
      %dma_wait3A_107 = tpu.memref_slice %arg4[%run_scoped3A_57, %mul3A_56] : memref<16x10240xf32, #tpu.memory_space<vmem_shared>> -> memref<1x640xf32, #tpu.memory_space<vmem_shared>>
      %dma_wait3A_108 = tpu.memref_squeeze %dma_wait3A_107 : memref<1x640xf32, #tpu.memory_space<vmem_shared>> -> memref<640xf32, #tpu.memory_space<vmem_shared>>
      tpu.wait_dma2 semaphore(%run_scoped3A_90 : memref<!tpu.dma_semaphore, #tpu.memory_space<semaphore_mem>>) src(%dma_wait3A_108 : memref<640xf32, #tpu.memory_space<vmem_shared>>) dst(%dma_wait3A_106 : memref<640xf32, #tpu.memory_space<vmem>>)
      tpu.yield
    }) : () -> ()
    %mul3A_59 = arith.constant 640 : i32
    %mul3A_60 = arith.muli %arg1, %mul3A_59 : i32
    %run_scoped3A_61 = arith.constant 10 : i32
    %run_scoped3A_62 = arith.constant 10 : i32
    "tpu.region"() ({
      %run_scoped3A_90 = tpu.sem_alloc : memref<!tpu.dma_semaphore, #tpu.memory_space<semaphore_mem>>
      %dma_start3A = arith.constant 0 : i32
      %dma_start3A_91 = tpu.memref_slice %arg8[%run_scoped3A_62, %dma_start3A] : memref<16x640xf32, #tpu.memory_space<vmem>> -> memref<1x640xf32, #tpu.memory_space<vmem>>
      %dma_start3A_92 = tpu.memref_squeeze %dma_start3A_91 : memref<1x640xf32, #tpu.memory_space<vmem>> -> memref<640xf32, #tpu.memory_space<vmem>>
      %dma_start3A_93 = tpu.memref_slice %arg4[%run_scoped3A_61, %mul3A_60] : memref<16x10240xf32, #tpu.memory_space<vmem_shared>> -> memref<1x640xf32, #tpu.memory_space<vmem_shared>>
      %dma_start3A_94 = tpu.memref_squeeze %dma_start3A_93 : memref<1x640xf32, #tpu.memory_space<vmem_shared>> -> memref<640xf32, #tpu.memory_space<vmem_shared>>
      %dma_start3A_95 = arith.constant 0 : i32
      %dma_start3A_96 = tpu.memref_slice %arg8[%run_scoped3A_62, %dma_start3A_95] : memref<16x640xf32, #tpu.memory_space<vmem>> -> memref<1x640xf32, #tpu.memory_space<vmem>>
      %dma_start3A_97 = tpu.memref_squeeze %dma_start3A_96 : memref<1x640xf32, #tpu.memory_space<vmem>> -> memref<640xf32, #tpu.memory_space<vmem>>
      %dma_start3A_98 = tpu.memref_slice %arg4[%run_scoped3A_61, %mul3A_60] : memref<16x10240xf32, #tpu.memory_space<vmem_shared>> -> memref<1x640xf32, #tpu.memory_space<vmem_shared>>
      %dma_start3A_99 = tpu.memref_squeeze %dma_start3A_98 : memref<1x640xf32, #tpu.memory_space<vmem_shared>> -> memref<640xf32, #tpu.memory_space<vmem_shared>>
      tpu.enqueue_dma source(%dma_start3A_99 : memref<640xf32, #tpu.memory_space<vmem_shared>>) target(%dma_start3A_97 : memref<640xf32, #tpu.memory_space<vmem>>) target_semaphore(%run_scoped3A_90 : memref<!tpu.dma_semaphore, #tpu.memory_space<semaphore_mem>>)
      %dma_wait3A = arith.constant 0 : i32
      %dma_wait3A_100 = tpu.memref_slice %arg8[%run_scoped3A_62, %dma_wait3A] : memref<16x640xf32, #tpu.memory_space<vmem>> -> memref<1x640xf32, #tpu.memory_space<vmem>>
      %dma_wait3A_101 = tpu.memref_squeeze %dma_wait3A_100 : memref<1x640xf32, #tpu.memory_space<vmem>> -> memref<640xf32, #tpu.memory_space<vmem>>
      %dma_wait3A_102 = tpu.memref_slice %arg4[%run_scoped3A_61, %mul3A_60] : memref<16x10240xf32, #tpu.memory_space<vmem_shared>> -> memref<1x640xf32, #tpu.memory_space<vmem_shared>>
      %dma_wait3A_103 = tpu.memref_squeeze %dma_wait3A_102 : memref<1x640xf32, #tpu.memory_space<vmem_shared>> -> memref<640xf32, #tpu.memory_space<vmem_shared>>
      %dma_wait3A_104 = arith.constant 0 : i32
      %dma_wait3A_105 = tpu.memref_slice %arg8[%run_scoped3A_62, %dma_wait3A_104] : memref<16x640xf32, #tpu.memory_space<vmem>> -> memref<1x640xf32, #tpu.memory_space<vmem>>
      %dma_wait3A_106 = tpu.memref_squeeze %dma_wait3A_105 : memref<1x640xf32, #tpu.memory_space<vmem>> -> memref<640xf32, #tpu.memory_space<vmem>>
      %dma_wait3A_107 = tpu.memref_slice %arg4[%run_scoped3A_61, %mul3A_60] : memref<16x10240xf32, #tpu.memory_space<vmem_shared>> -> memref<1x640xf32, #tpu.memory_space<vmem_shared>>
      %dma_wait3A_108 = tpu.memref_squeeze %dma_wait3A_107 : memref<1x640xf32, #tpu.memory_space<vmem_shared>> -> memref<640xf32, #tpu.memory_space<vmem_shared>>
      tpu.wait_dma2 semaphore(%run_scoped3A_90 : memref<!tpu.dma_semaphore, #tpu.memory_space<semaphore_mem>>) src(%dma_wait3A_108 : memref<640xf32, #tpu.memory_space<vmem_shared>>) dst(%dma_wait3A_106 : memref<640xf32, #tpu.memory_space<vmem>>)
      tpu.yield
    }) : () -> ()
    %mul3A_63 = arith.constant 640 : i32
    %mul3A_64 = arith.muli %arg1, %mul3A_63 : i32
    %run_scoped3A_65 = arith.constant 11 : i32
    %run_scoped3A_66 = arith.constant 11 : i32
    "tpu.region"() ({
      %run_scoped3A_90 = tpu.sem_alloc : memref<!tpu.dma_semaphore, #tpu.memory_space<semaphore_mem>>
      %dma_start3A = arith.constant 0 : i32
      %dma_start3A_91 = tpu.memref_slice %arg8[%run_scoped3A_66, %dma_start3A] : memref<16x640xf32, #tpu.memory_space<vmem>> -> memref<1x640xf32, #tpu.memory_space<vmem>>
      %dma_start3A_92 = tpu.memref_squeeze %dma_start3A_91 : memref<1x640xf32, #tpu.memory_space<vmem>> -> memref<640xf32, #tpu.memory_space<vmem>>
      %dma_start3A_93 = tpu.memref_slice %arg4[%run_scoped3A_65, %mul3A_64] : memref<16x10240xf32, #tpu.memory_space<vmem_shared>> -> memref<1x640xf32, #tpu.memory_space<vmem_shared>>
      %dma_start3A_94 = tpu.memref_squeeze %dma_start3A_93 : memref<1x640xf32, #tpu.memory_space<vmem_shared>> -> memref<640xf32, #tpu.memory_space<vmem_shared>>
      %dma_start3A_95 = arith.constant 0 : i32
      %dma_start3A_96 = tpu.memref_slice %arg8[%run_scoped3A_66, %dma_start3A_95] : memref<16x640xf32, #tpu.memory_space<vmem>> -> memref<1x640xf32, #tpu.memory_space<vmem>>
      %dma_start3A_97 = tpu.memref_squeeze %dma_start3A_96 : memref<1x640xf32, #tpu.memory_space<vmem>> -> memref<640xf32, #tpu.memory_space<vmem>>
      %dma_start3A_98 = tpu.memref_slice %arg4[%run_scoped3A_65, %mul3A_64] : memref<16x10240xf32, #tpu.memory_space<vmem_shared>> -> memref<1x640xf32, #tpu.memory_space<vmem_shared>>
      %dma_start3A_99 = tpu.memref_squeeze %dma_start3A_98 : memref<1x640xf32, #tpu.memory_space<vmem_shared>> -> memref<640xf32, #tpu.memory_space<vmem_shared>>
      tpu.enqueue_dma source(%dma_start3A_99 : memref<640xf32, #tpu.memory_space<vmem_shared>>) target(%dma_start3A_97 : memref<640xf32, #tpu.memory_space<vmem>>) target_semaphore(%run_scoped3A_90 : memref<!tpu.dma_semaphore, #tpu.memory_space<semaphore_mem>>)
      %dma_wait3A = arith.constant 0 : i32
      %dma_wait3A_100 = tpu.memref_slice %arg8[%run_scoped3A_66, %dma_wait3A] : memref<16x640xf32, #tpu.memory_space<vmem>> -> memref<1x640xf32, #tpu.memory_space<vmem>>
      %dma_wait3A_101 = tpu.memref_squeeze %dma_wait3A_100 : memref<1x640xf32, #tpu.memory_space<vmem>> -> memref<640xf32, #tpu.memory_space<vmem>>
      %dma_wait3A_102 = tpu.memref_slice %arg4[%run_scoped3A_65, %mul3A_64] : memref<16x10240xf32, #tpu.memory_space<vmem_shared>> -> memref<1x640xf32, #tpu.memory_space<vmem_shared>>
      %dma_wait3A_103 = tpu.memref_squeeze %dma_wait3A_102 : memref<1x640xf32, #tpu.memory_space<vmem_shared>> -> memref<640xf32, #tpu.memory_space<vmem_shared>>
      %dma_wait3A_104 = arith.constant 0 : i32
      %dma_wait3A_105 = tpu.memref_slice %arg8[%run_scoped3A_66, %dma_wait3A_104] : memref<16x640xf32, #tpu.memory_space<vmem>> -> memref<1x640xf32, #tpu.memory_space<vmem>>
      %dma_wait3A_106 = tpu.memref_squeeze %dma_wait3A_105 : memref<1x640xf32, #tpu.memory_space<vmem>> -> memref<640xf32, #tpu.memory_space<vmem>>
      %dma_wait3A_107 = tpu.memref_slice %arg4[%run_scoped3A_65, %mul3A_64] : memref<16x10240xf32, #tpu.memory_space<vmem_shared>> -> memref<1x640xf32, #tpu.memory_space<vmem_shared>>
      %dma_wait3A_108 = tpu.memref_squeeze %dma_wait3A_107 : memref<1x640xf32, #tpu.memory_space<vmem_shared>> -> memref<640xf32, #tpu.memory_space<vmem_shared>>
      tpu.wait_dma2 semaphore(%run_scoped3A_90 : memref<!tpu.dma_semaphore, #tpu.memory_space<semaphore_mem>>) src(%dma_wait3A_108 : memref<640xf32, #tpu.memory_space<vmem_shared>>) dst(%dma_wait3A_106 : memref<640xf32, #tpu.memory_space<vmem>>)
      tpu.yield
    }) : () -> ()
    %mul3A_67 = arith.constant 640 : i32
    %mul3A_68 = arith.muli %arg1, %mul3A_67 : i32
    %run_scoped3A_69 = arith.constant 12 : i32
    %run_scoped3A_70 = arith.constant 12 : i32
    "tpu.region"() ({
      %run_scoped3A_90 = tpu.sem_alloc : memref<!tpu.dma_semaphore, #tpu.memory_space<semaphore_mem>>
      %dma_start3A = arith.constant 0 : i32
      %dma_start3A_91 = tpu.memref_slice %arg8[%run_scoped3A_70, %dma_start3A] : memref<16x640xf32, #tpu.memory_space<vmem>> -> memref<1x640xf32, #tpu.memory_space<vmem>>
      %dma_start3A_92 = tpu.memref_squeeze %dma_start3A_91 : memref<1x640xf32, #tpu.memory_space<vmem>> -> memref<640xf32, #tpu.memory_space<vmem>>
      %dma_start3A_93 = tpu.memref_slice %arg4[%run_scoped3A_69, %mul3A_68] : memref<16x10240xf32, #tpu.memory_space<vmem_shared>> -> memref<1x640xf32, #tpu.memory_space<vmem_shared>>
      %dma_start3A_94 = tpu.memref_squeeze %dma_start3A_93 : memref<1x640xf32, #tpu.memory_space<vmem_shared>> -> memref<640xf32, #tpu.memory_space<vmem_shared>>
      %dma_start3A_95 = arith.constant 0 : i32
      %dma_start3A_96 = tpu.memref_slice %arg8[%run_scoped3A_70, %dma_start3A_95] : memref<16x640xf32, #tpu.memory_space<vmem>> -> memref<1x640xf32, #tpu.memory_space<vmem>>
      %dma_start3A_97 = tpu.memref_squeeze %dma_start3A_96 : memref<1x640xf32, #tpu.memory_space<vmem>> -> memref<640xf32, #tpu.memory_space<vmem>>
      %dma_start3A_98 = tpu.memref_slice %arg4[%run_scoped3A_69, %mul3A_68] : memref<16x10240xf32, #tpu.memory_space<vmem_shared>> -> memref<1x640xf32, #tpu.memory_space<vmem_shared>>
      %dma_start3A_99 = tpu.memref_squeeze %dma_start3A_98 : memref<1x640xf32, #tpu.memory_space<vmem_shared>> -> memref<640xf32, #tpu.memory_space<vmem_shared>>
      tpu.enqueue_dma source(%dma_start3A_99 : memref<640xf32, #tpu.memory_space<vmem_shared>>) target(%dma_start3A_97 : memref<640xf32, #tpu.memory_space<vmem>>) target_semaphore(%run_scoped3A_90 : memref<!tpu.dma_semaphore, #tpu.memory_space<semaphore_mem>>)
      %dma_wait3A = arith.constant 0 : i32
      %dma_wait3A_100 = tpu.memref_slice %arg8[%run_scoped3A_70, %dma_wait3A] : memref<16x640xf32, #tpu.memory_space<vmem>> -> memref<1x640xf32, #tpu.memory_space<vmem>>
      %dma_wait3A_101 = tpu.memref_squeeze %dma_wait3A_100 : memref<1x640xf32, #tpu.memory_space<vmem>> -> memref<640xf32, #tpu.memory_space<vmem>>
      %dma_wait3A_102 = tpu.memref_slice %arg4[%run_scoped3A_69, %mul3A_68] : memref<16x10240xf32, #tpu.memory_space<vmem_shared>> -> memref<1x640xf32, #tpu.memory_space<vmem_shared>>
      %dma_wait3A_103 = tpu.memref_squeeze %dma_wait3A_102 : memref<1x640xf32, #tpu.memory_space<vmem_shared>> -> memref<640xf32, #tpu.memory_space<vmem_shared>>
      %dma_wait3A_104 = arith.constant 0 : i32
      %dma_wait3A_105 = tpu.memref_slice %arg8[%run_scoped3A_70, %dma_wait3A_104] : memref<16x640xf32, #tpu.memory_space<vmem>> -> memref<1x640xf32, #tpu.memory_space<vmem>>
      %dma_wait3A_106 = tpu.memref_squeeze %dma_wait3A_105 : memref<1x640xf32, #tpu.memory_space<vmem>> -> memref<640xf32, #tpu.memory_space<vmem>>
      %dma_wait3A_107 = tpu.memref_slice %arg4[%run_scoped3A_69, %mul3A_68] : memref<16x10240xf32, #tpu.memory_space<vmem_shared>> -> memref<1x640xf32, #tpu.memory_space<vmem_shared>>
      %dma_wait3A_108 = tpu.memref_squeeze %dma_wait3A_107 : memref<1x640xf32, #tpu.memory_space<vmem_shared>> -> memref<640xf32, #tpu.memory_space<vmem_shared>>
      tpu.wait_dma2 semaphore(%run_scoped3A_90 : memref<!tpu.dma_semaphore, #tpu.memory_space<semaphore_mem>>) src(%dma_wait3A_108 : memref<640xf32, #tpu.memory_space<vmem_shared>>) dst(%dma_wait3A_106 : memref<640xf32, #tpu.memory_space<vmem>>)
      tpu.yield
    }) : () -> ()
    %mul3A_71 = arith.constant 640 : i32
    %mul3A_72 = arith.muli %arg1, %mul3A_71 : i32
    %run_scoped3A_73 = arith.constant 13 : i32
    %run_scoped3A_74 = arith.constant 13 : i32
    "tpu.region"() ({
      %run_scoped3A_90 = tpu.sem_alloc : memref<!tpu.dma_semaphore, #tpu.memory_space<semaphore_mem>>
      %dma_start3A = arith.constant 0 : i32
      %dma_start3A_91 = tpu.memref_slice %arg8[%run_scoped3A_74, %dma_start3A] : memref<16x640xf32, #tpu.memory_space<vmem>> -> memref<1x640xf32, #tpu.memory_space<vmem>>
      %dma_start3A_92 = tpu.memref_squeeze %dma_start3A_91 : memref<1x640xf32, #tpu.memory_space<vmem>> -> memref<640xf32, #tpu.memory_space<vmem>>
      %dma_start3A_93 = tpu.memref_slice %arg4[%run_scoped3A_73, %mul3A_72] : memref<16x10240xf32, #tpu.memory_space<vmem_shared>> -> memref<1x640xf32, #tpu.memory_space<vmem_shared>>
      %dma_start3A_94 = tpu.memref_squeeze %dma_start3A_93 : memref<1x640xf32, #tpu.memory_space<vmem_shared>> -> memref<640xf32, #tpu.memory_space<vmem_shared>>
      %dma_start3A_95 = arith.constant 0 : i32
      %dma_start3A_96 = tpu.memref_slice %arg8[%run_scoped3A_74, %dma_start3A_95] : memref<16x640xf32, #tpu.memory_space<vmem>> -> memref<1x640xf32, #tpu.memory_space<vmem>>
      %dma_start3A_97 = tpu.memref_squeeze %dma_start3A_96 : memref<1x640xf32, #tpu.memory_space<vmem>> -> memref<640xf32, #tpu.memory_space<vmem>>
      %dma_start3A_98 = tpu.memref_slice %arg4[%run_scoped3A_73, %mul3A_72] : memref<16x10240xf32, #tpu.memory_space<vmem_shared>> -> memref<1x640xf32, #tpu.memory_space<vmem_shared>>
      %dma_start3A_99 = tpu.memref_squeeze %dma_start3A_98 : memref<1x640xf32, #tpu.memory_space<vmem_shared>> -> memref<640xf32, #tpu.memory_space<vmem_shared>>
      tpu.enqueue_dma source(%dma_start3A_99 : memref<640xf32, #tpu.memory_space<vmem_shared>>) target(%dma_start3A_97 : memref<640xf32, #tpu.memory_space<vmem>>) target_semaphore(%run_scoped3A_90 : memref<!tpu.dma_semaphore, #tpu.memory_space<semaphore_mem>>)
      %dma_wait3A = arith.constant 0 : i32
      %dma_wait3A_100 = tpu.memref_slice %arg8[%run_scoped3A_74, %dma_wait3A] : memref<16x640xf32, #tpu.memory_space<vmem>> -> memref<1x640xf32, #tpu.memory_space<vmem>>
      %dma_wait3A_101 = tpu.memref_squeeze %dma_wait3A_100 : memref<1x640xf32, #tpu.memory_space<vmem>> -> memref<640xf32, #tpu.memory_space<vmem>>
      %dma_wait3A_102 = tpu.memref_slice %arg4[%run_scoped3A_73, %mul3A_72] : memref<16x10240xf32, #tpu.memory_space<vmem_shared>> -> memref<1x640xf32, #tpu.memory_space<vmem_shared>>
      %dma_wait3A_103 = tpu.memref_squeeze %dma_wait3A_102 : memref<1x640xf32, #tpu.memory_space<vmem_shared>> -> memref<640xf32, #tpu.memory_space<vmem_shared>>
      %dma_wait3A_104 = arith.constant 0 : i32
      %dma_wait3A_105 = tpu.memref_slice %arg8[%run_scoped3A_74, %dma_wait3A_104] : memref<16x640xf32, #tpu.memory_space<vmem>> -> memref<1x640xf32, #tpu.memory_space<vmem>>
      %dma_wait3A_106 = tpu.memref_squeeze %dma_wait3A_105 : memref<1x640xf32, #tpu.memory_space<vmem>> -> memref<640xf32, #tpu.memory_space<vmem>>
      %dma_wait3A_107 = tpu.memref_slice %arg4[%run_scoped3A_73, %mul3A_72] : memref<16x10240xf32, #tpu.memory_space<vmem_shared>> -> memref<1x640xf32, #tpu.memory_space<vmem_shared>>
      %dma_wait3A_108 = tpu.memref_squeeze %dma_wait3A_107 : memref<1x640xf32, #tpu.memory_space<vmem_shared>> -> memref<640xf32, #tpu.memory_space<vmem_shared>>
      tpu.wait_dma2 semaphore(%run_scoped3A_90 : memref<!tpu.dma_semaphore, #tpu.memory_space<semaphore_mem>>) src(%dma_wait3A_108 : memref<640xf32, #tpu.memory_space<vmem_shared>>) dst(%dma_wait3A_106 : memref<640xf32, #tpu.memory_space<vmem>>)
      tpu.yield
    }) : () -> ()
    %mul3A_75 = arith.constant 640 : i32
    %mul3A_76 = arith.muli %arg1, %mul3A_75 : i32
    %run_scoped3A_77 = arith.constant 14 : i32
    %run_scoped3A_78 = arith.constant 14 : i32
    "tpu.region"() ({
      %run_scoped3A_90 = tpu.sem_alloc : memref<!tpu.dma_semaphore, #tpu.memory_space<semaphore_mem>>
      %dma_start3A = arith.constant 0 : i32
      %dma_start3A_91 = tpu.memref_slice %arg8[%run_scoped3A_78, %dma_start3A] : memref<16x640xf32, #tpu.memory_space<vmem>> -> memref<1x640xf32, #tpu.memory_space<vmem>>
      %dma_start3A_92 = tpu.memref_squeeze %dma_start3A_91 : memref<1x640xf32, #tpu.memory_space<vmem>> -> memref<640xf32, #tpu.memory_space<vmem>>
      %dma_start3A_93 = tpu.memref_slice %arg4[%run_scoped3A_77, %mul3A_76] : memref<16x10240xf32, #tpu.memory_space<vmem_shared>> -> memref<1x640xf32, #tpu.memory_space<vmem_shared>>
      %dma_start3A_94 = tpu.memref_squeeze %dma_start3A_93 : memref<1x640xf32, #tpu.memory_space<vmem_shared>> -> memref<640xf32, #tpu.memory_space<vmem_shared>>
      %dma_start3A_95 = arith.constant 0 : i32
      %dma_start3A_96 = tpu.memref_slice %arg8[%run_scoped3A_78, %dma_start3A_95] : memref<16x640xf32, #tpu.memory_space<vmem>> -> memref<1x640xf32, #tpu.memory_space<vmem>>
      %dma_start3A_97 = tpu.memref_squeeze %dma_start3A_96 : memref<1x640xf32, #tpu.memory_space<vmem>> -> memref<640xf32, #tpu.memory_space<vmem>>
      %dma_start3A_98 = tpu.memref_slice %arg4[%run_scoped3A_77, %mul3A_76] : memref<16x10240xf32, #tpu.memory_space<vmem_shared>> -> memref<1x640xf32, #tpu.memory_space<vmem_shared>>
      %dma_start3A_99 = tpu.memref_squeeze %dma_start3A_98 : memref<1x640xf32, #tpu.memory_space<vmem_shared>> -> memref<640xf32, #tpu.memory_space<vmem_shared>>
      tpu.enqueue_dma source(%dma_start3A_99 : memref<640xf32, #tpu.memory_space<vmem_shared>>) target(%dma_start3A_97 : memref<640xf32, #tpu.memory_space<vmem>>) target_semaphore(%run_scoped3A_90 : memref<!tpu.dma_semaphore, #tpu.memory_space<semaphore_mem>>)
      %dma_wait3A = arith.constant 0 : i32
      %dma_wait3A_100 = tpu.memref_slice %arg8[%run_scoped3A_78, %dma_wait3A] : memref<16x640xf32, #tpu.memory_space<vmem>> -> memref<1x640xf32, #tpu.memory_space<vmem>>
      %dma_wait3A_101 = tpu.memref_squeeze %dma_wait3A_100 : memref<1x640xf32, #tpu.memory_space<vmem>> -> memref<640xf32, #tpu.memory_space<vmem>>
      %dma_wait3A_102 = tpu.memref_slice %arg4[%run_scoped3A_77, %mul3A_76] : memref<16x10240xf32, #tpu.memory_space<vmem_shared>> -> memref<1x640xf32, #tpu.memory_space<vmem_shared>>
      %dma_wait3A_103 = tpu.memref_squeeze %dma_wait3A_102 : memref<1x640xf32, #tpu.memory_space<vmem_shared>> -> memref<640xf32, #tpu.memory_space<vmem_shared>>
      %dma_wait3A_104 = arith.constant 0 : i32
      %dma_wait3A_105 = tpu.memref_slice %arg8[%run_scoped3A_78, %dma_wait3A_104] : memref<16x640xf32, #tpu.memory_space<vmem>> -> memref<1x640xf32, #tpu.memory_space<vmem>>
      %dma_wait3A_106 = tpu.memref_squeeze %dma_wait3A_105 : memref<1x640xf32, #tpu.memory_space<vmem>> -> memref<640xf32, #tpu.memory_space<vmem>>
      %dma_wait3A_107 = tpu.memref_slice %arg4[%run_scoped3A_77, %mul3A_76] : memref<16x10240xf32, #tpu.memory_space<vmem_shared>> -> memref<1x640xf32, #tpu.memory_space<vmem_shared>>
      %dma_wait3A_108 = tpu.memref_squeeze %dma_wait3A_107 : memref<1x640xf32, #tpu.memory_space<vmem_shared>> -> memref<640xf32, #tpu.memory_space<vmem_shared>>
      tpu.wait_dma2 semaphore(%run_scoped3A_90 : memref<!tpu.dma_semaphore, #tpu.memory_space<semaphore_mem>>) src(%dma_wait3A_108 : memref<640xf32, #tpu.memory_space<vmem_shared>>) dst(%dma_wait3A_106 : memref<640xf32, #tpu.memory_space<vmem>>)
      tpu.yield
    }) : () -> ()
    %mul3A_79 = arith.constant 640 : i32
    %mul3A_80 = arith.muli %arg1, %mul3A_79 : i32
    %run_scoped3A_81 = arith.constant 15 : i32
    %run_scoped3A_82 = arith.constant 15 : i32
    "tpu.region"() ({
      %run_scoped3A_90 = tpu.sem_alloc : memref<!tpu.dma_semaphore, #tpu.memory_space<semaphore_mem>>
      %dma_start3A = arith.constant 0 : i32
      %dma_start3A_91 = tpu.memref_slice %arg8[%run_scoped3A_82, %dma_start3A] : memref<16x640xf32, #tpu.memory_space<vmem>> -> memref<1x640xf32, #tpu.memory_space<vmem>>
      %dma_start3A_92 = tpu.memref_squeeze %dma_start3A_91 : memref<1x640xf32, #tpu.memory_space<vmem>> -> memref<640xf32, #tpu.memory_space<vmem>>
      %dma_start3A_93 = tpu.memref_slice %arg4[%run_scoped3A_81, %mul3A_80] : memref<16x10240xf32, #tpu.memory_space<vmem_shared>> -> memref<1x640xf32, #tpu.memory_space<vmem_shared>>
      %dma_start3A_94 = tpu.memref_squeeze %dma_start3A_93 : memref<1x640xf32, #tpu.memory_space<vmem_shared>> -> memref<640xf32, #tpu.memory_space<vmem_shared>>
      %dma_start3A_95 = arith.constant 0 : i32
      %dma_start3A_96 = tpu.memref_slice %arg8[%run_scoped3A_82, %dma_start3A_95] : memref<16x640xf32, #tpu.memory_space<vmem>> -> memref<1x640xf32, #tpu.memory_space<vmem>>
      %dma_start3A_97 = tpu.memref_squeeze %dma_start3A_96 : memref<1x640xf32, #tpu.memory_space<vmem>> -> memref<640xf32, #tpu.memory_space<vmem>>
      %dma_start3A_98 = tpu.memref_slice %arg4[%run_scoped3A_81, %mul3A_80] : memref<16x10240xf32, #tpu.memory_space<vmem_shared>> -> memref<1x640xf32, #tpu.memory_space<vmem_shared>>
      %dma_start3A_99 = tpu.memref_squeeze %dma_start3A_98 : memref<1x640xf32, #tpu.memory_space<vmem_shared>> -> memref<640xf32, #tpu.memory_space<vmem_shared>>
      tpu.enqueue_dma source(%dma_start3A_99 : memref<640xf32, #tpu.memory_space<vmem_shared>>) target(%dma_start3A_97 : memref<640xf32, #tpu.memory_space<vmem>>) target_semaphore(%run_scoped3A_90 : memref<!tpu.dma_semaphore, #tpu.memory_space<semaphore_mem>>)
      %dma_wait3A = arith.constant 0 : i32
      %dma_wait3A_100 = tpu.memref_slice %arg8[%run_scoped3A_82, %dma_wait3A] : memref<16x640xf32, #tpu.memory_space<vmem>> -> memref<1x640xf32, #tpu.memory_space<vmem>>
      %dma_wait3A_101 = tpu.memref_squeeze %dma_wait3A_100 : memref<1x640xf32, #tpu.memory_space<vmem>> -> memref<640xf32, #tpu.memory_space<vmem>>
      %dma_wait3A_102 = tpu.memref_slice %arg4[%run_scoped3A_81, %mul3A_80] : memref<16x10240xf32, #tpu.memory_space<vmem_shared>> -> memref<1x640xf32, #tpu.memory_space<vmem_shared>>
      %dma_wait3A_103 = tpu.memref_squeeze %dma_wait3A_102 : memref<1x640xf32, #tpu.memory_space<vmem_shared>> -> memref<640xf32, #tpu.memory_space<vmem_shared>>
      %dma_wait3A_104 = arith.constant 0 : i32
      %dma_wait3A_105 = tpu.memref_slice %arg8[%run_scoped3A_82, %dma_wait3A_104] : memref<16x640xf32, #tpu.memory_space<vmem>> -> memref<1x640xf32, #tpu.memory_space<vmem>>
      %dma_wait3A_106 = tpu.memref_squeeze %dma_wait3A_105 : memref<1x640xf32, #tpu.memory_space<vmem>> -> memref<640xf32, #tpu.memory_space<vmem>>
      %dma_wait3A_107 = tpu.memref_slice %arg4[%run_scoped3A_81, %mul3A_80] : memref<16x10240xf32, #tpu.memory_space<vmem_shared>> -> memref<1x640xf32, #tpu.memory_space<vmem_shared>>
      %dma_wait3A_108 = tpu.memref_squeeze %dma_wait3A_107 : memref<1x640xf32, #tpu.memory_space<vmem_shared>> -> memref<640xf32, #tpu.memory_space<vmem_shared>>
      tpu.wait_dma2 semaphore(%run_scoped3A_90 : memref<!tpu.dma_semaphore, #tpu.memory_space<semaphore_mem>>) src(%dma_wait3A_108 : memref<640xf32, #tpu.memory_space<vmem_shared>>) dst(%dma_wait3A_106 : memref<640xf32, #tpu.memory_space<vmem>>)
      tpu.yield
    }) : () -> ()
    %scan3A_83 = arith.constant 0 : i32
    %scan3A_84 = arith.constant 40 : i32
    %scan3A_85 = arith.addi %scan3A_83, %scan3A_84 : i32
    %scan3A_86 = arith.constant 1 : i32
    scf.for %scan3A_90 = %scan3A_83 to %scan3A_85 step %scan3A_86  : i32 {
      %mul3A_91 = arith.constant 16 : i32
      %mul3A_92 = arith.muli %scan3A_90, %mul3A_91 : i32
      %add3A_93 = arith.constant 0 : i32
      %add3A_94 = arith.addi %add3A_93, %mul3A_92 : i32
      %get3A = arith.constant 0 : i32
      %get3A_95 = arith.index_cast %get3A : i32 to index
      %get3A_96 = arith.index_cast %add3A_94 : i32 to index
      %get3A_97 = tpu.vector_load %arg8[%get3A_95, %get3A_96] {strides = array<i32>} : memref<16x640xf32, #tpu.memory_space<vmem>>, vector<16xf32>,
      %get3A_98 = arith.constant 1 : i32
      %get3A_99 = arith.index_cast %get3A_98 : i32 to index
      %get3A_100 = arith.index_cast %add3A_94 : i32 to index
      %get3A_101 = tpu.vector_load %arg8[%get3A_99, %get3A_100] {strides = array<i32>} : memref<16x640xf32, #tpu.memory_space<vmem>>, vector<16xf32>,
      %add3A_102 = arith.addf %get3A_97, %get3A_101 : vector<16xf32>
      %get3A_103 = arith.constant 2 : i32
      %get3A_104 = arith.index_cast %get3A_103 : i32 to index
      %get3A_105 = arith.index_cast %add3A_94 : i32 to index
      %get3A_106 = tpu.vector_load %arg8[%get3A_104, %get3A_105] {strides = array<i32>} : memref<16x640xf32, #tpu.memory_space<vmem>>, vector<16xf32>,
      %add3A_107 = arith.addf %add3A_102, %get3A_106 : vector<16xf32>
      %get3A_108 = arith.constant 3 : i32
      %get3A_109 = arith.index_cast %get3A_108 : i32 to index
      %get3A_110 = arith.index_cast %add3A_94 : i32 to index
      %get3A_111 = tpu.vector_load %arg8[%get3A_109, %get3A_110] {strides = array<i32>} : memref<16x640xf32, #tpu.memory_space<vmem>>, vector<16xf32>,
      %add3A_112 = arith.addf %add3A_107, %get3A_111 : vector<16xf32>
      %get3A_113 = arith.constant 4 : i32
      %get3A_114 = arith.index_cast %get3A_113 : i32 to index
      %get3A_115 = arith.index_cast %add3A_94 : i32 to index
      %get3A_116 = tpu.vector_load %arg8[%get3A_114, %get3A_115] {strides = array<i32>} : memref<16x640xf32, #tpu.memory_space<vmem>>, vector<16xf32>,
      %add3A_117 = arith.addf %add3A_112, %get3A_116 : vector<16xf32>
      %get3A_118 = arith.constant 5 : i32
      %get3A_119 = arith.index_cast %get3A_118 : i32 to index
      %get3A_120 = arith.index_cast %add3A_94 : i32 to index
      %get3A_121 = tpu.vector_load %arg8[%get3A_119, %get3A_120] {strides = array<i32>} : memref<16x640xf32, #tpu.memory_space<vmem>>, vector<16xf32>,
      %add3A_122 = arith.addf %add3A_117, %get3A_121 : vector<16xf32>
      %get3A_123 = arith.constant 6 : i32
      %get3A_124 = arith.index_cast %get3A_123 : i32 to index
      %get3A_125 = arith.index_cast %add3A_94 : i32 to index
      %get3A_126 = tpu.vector_load %arg8[%get3A_124, %get3A_125] {strides = array<i32>} : memref<16x640xf32, #tpu.memory_space<vmem>>, vector<16xf32>,
      %add3A_127 = arith.addf %add3A_122, %get3A_126 : vector<16xf32>
      %get3A_128 = arith.constant 7 : i32
      %get3A_129 = arith.index_cast %get3A_128 : i32 to index
      %get3A_130 = arith.index_cast %add3A_94 : i32 to index
      %get3A_131 = tpu.vector_load %arg8[%get3A_129, %get3A_130] {strides = array<i32>} : memref<16x640xf32, #tpu.memory_space<vmem>>, vector<16xf32>,
      %add3A_132 = arith.addf %add3A_127, %get3A_131 : vector<16xf32>
      %get3A_133 = arith.constant 8 : i32
      %get3A_134 = arith.index_cast %get3A_133 : i32 to index
      %get3A_135 = arith.index_cast %add3A_94 : i32 to index
      %get3A_136 = tpu.vector_load %arg8[%get3A_134, %get3A_135] {strides = array<i32>} : memref<16x640xf32, #tpu.memory_space<vmem>>, vector<16xf32>,
      %add3A_137 = arith.addf %add3A_132, %get3A_136 : vector<16xf32>
      %get3A_138 = arith.constant 9 : i32
      %get3A_139 = arith.index_cast %get3A_138 : i32 to index
      %get3A_140 = arith.index_cast %add3A_94 : i32 to index
      %get3A_141 = tpu.vector_load %arg8[%get3A_139, %get3A_140] {strides = array<i32>} : memref<16x640xf32, #tpu.memory_space<vmem>>, vector<16xf32>,
      %add3A_142 = arith.addf %add3A_137, %get3A_141 : vector<16xf32>
      %get3A_143 = arith.constant 10 : i32
      %get3A_144 = arith.index_cast %get3A_143 : i32 to index
      %get3A_145 = arith.index_cast %add3A_94 : i32 to index
      %get3A_146 = tpu.vector_load %arg8[%get3A_144, %get3A_145] {strides = array<i32>} : memref<16x640xf32, #tpu.memory_space<vmem>>, vector<16xf32>,
      %add3A_147 = arith.addf %add3A_142, %get3A_146 : vector<16xf32>
      %get3A_148 = arith.constant 11 : i32
      %get3A_149 = arith.index_cast %get3A_148 : i32 to index
      %get3A_150 = arith.index_cast %add3A_94 : i32 to index
      %get3A_151 = tpu.vector_load %arg8[%get3A_149, %get3A_150] {strides = array<i32>} : memref<16x640xf32, #tpu.memory_space<vmem>>, vector<16xf32>,
      %add3A_152 = arith.addf %add3A_147, %get3A_151 : vector<16xf32>
      %get3A_153 = arith.constant 12 : i32
      %get3A_154 = arith.index_cast %get3A_153 : i32 to index
      %get3A_155 = arith.index_cast %add3A_94 : i32 to index
      %get3A_156 = tpu.vector_load %arg8[%get3A_154, %get3A_155] {strides = array<i32>} : memref<16x640xf32, #tpu.memory_space<vmem>>, vector<16xf32>,
      %add3A_157 = arith.addf %add3A_152, %get3A_156 : vector<16xf32>
      %get3A_158 = arith.constant 13 : i32
      %get3A_159 = arith.index_cast %get3A_158 : i32 to index
      %get3A_160 = arith.index_cast %add3A_94 : i32 to index
      %get3A_161 = tpu.vector_load %arg8[%get3A_159, %get3A_160] {strides = array<i32>} : memref<16x640xf32, #tpu.memory_space<vmem>>, vector<16xf32>,
      %add3A_162 = arith.addf %add3A_157, %get3A_161 : vector<16xf32>
      %get3A_163 = arith.constant 14 : i32
      %get3A_164 = arith.index_cast %get3A_163 : i32 to index
      %get3A_165 = arith.index_cast %add3A_94 : i32 to index
      %get3A_166 = tpu.vector_load %arg8[%get3A_164, %get3A_165] {strides = array<i32>} : memref<16x640xf32, #tpu.memory_space<vmem>>, vector<16xf32>,
      %add3A_167 = arith.addf %add3A_162, %get3A_166 : vector<16xf32>
      %get3A_168 = arith.constant 15 : i32
      %get3A_169 = arith.index_cast %get3A_168 : i32 to index
      %get3A_170 = arith.index_cast %add3A_94 : i32 to index
      %get3A_171 = tpu.vector_load %arg8[%get3A_169, %get3A_170] {strides = array<i32>} : memref<16x640xf32, #tpu.memory_space<vmem>>, vector<16xf32>,
      %add3A_172 = arith.addf %add3A_167, %get3A_171 : vector<16xf32>
      %swap3A = arith.index_cast %add3A_94 : i32 to index
      %swap3A_173 = tpu.vector_load %arg9[%swap3A] {strides = array<i32>} : memref<640xf32, #tpu.memory_space<vmem>>, vector<16xf32>,
      tpu.vector_store %arg9[%swap3A], %add3A_172 {strides = array<i32>} : memref<640xf32, #tpu.memory_space<vmem>>, vector<16xf32>,
    }
    %scan3A_87 = arith.constant 40 : i32
    %mul3A_88 = arith.constant 640 : i32
    %mul3A_89 = arith.muli %arg1, %mul3A_88 : i32
    "tpu.region"() ({
      %run_scoped3A_90 = tpu.sem_alloc : memref<!tpu.dma_semaphore, #tpu.memory_space<semaphore_mem>>
      %dma_start3A = tpu.memref_slice %arg3[%arg0, %mul3A_89] : memref<2x10240xf32, #tpu.memory_space<hbm>> -> memref<1x640xf32, #tpu.memory_space<hbm>>
      %dma_start3A_91 = tpu.memref_squeeze %dma_start3A : memref<1x640xf32, #tpu.memory_space<hbm>> -> memref<640xf32, #tpu.memory_space<hbm>>
      %dma_start3A_92 = tpu.memref_slice %arg3[%arg0, %mul3A_89] : memref<2x10240xf32, #tpu.memory_space<hbm>> -> memref<1x640xf32, #tpu.memory_space<hbm>>
      %dma_start3A_93 = tpu.memref_squeeze %dma_start3A_92 : memref<1x640xf32, #tpu.memory_space<hbm>> -> memref<640xf32, #tpu.memory_space<hbm>>
      tpu.enqueue_dma source(%arg9 : memref<640xf32, #tpu.memory_space<vmem>>) target(%dma_start3A_93 : memref<640xf32, #tpu.memory_space<hbm>>) target_semaphore(%run_scoped3A_90 : memref<!tpu.dma_semaphore, #tpu.memory_space<semaphore_mem>>)
      %dma_wait3A = tpu.memref_slice %arg3[%arg0, %mul3A_89] : memref<2x10240xf32, #tpu.memory_space<hbm>> -> memref<1x640xf32, #tpu.memory_space<hbm>>
      %dma_wait3A_94 = tpu.memref_squeeze %dma_wait3A : memref<1x640xf32, #tpu.memory_space<hbm>> -> memref<640xf32, #tpu.memory_space<hbm>>
      %dma_wait3A_95 = tpu.memref_slice %arg3[%arg0, %mul3A_89] : memref<2x10240xf32, #tpu.memory_space<hbm>> -> memref<1x640xf32, #tpu.memory_space<hbm>>
      %dma_wait3A_96 = tpu.memref_squeeze %dma_wait3A_95 : memref<1x640xf32, #tpu.memory_space<hbm>> -> memref<640xf32, #tpu.memory_space<hbm>>
      tpu.wait_dma2 semaphore(%run_scoped3A_90 : memref<!tpu.dma_semaphore, #tpu.memory_space<semaphore_mem>>) src(%arg9 : memref<640xf32, #tpu.memory_space<vmem>>) dst(%dma_wait3A_96 : memref<640xf32, #tpu.memory_space<hbm>>)
      tpu.yield
    }) : () -> ()
    return
  }
}

#map = affine_map<(d0, d1) -> (0, 0)>
#map1 = affine_map<(d0, d1) -> (0)>
#map2 = affine_map<(d0, d1) -> (0, 0, 0)>
module attributes {stable_mosaic.version = 14 : i64} {
  func.func @_agg_body(%arg0: i32, %arg1: i32, %arg2: memref<10000x128xf32, #tpu.memory_space<hbm>>, %arg3: memref<320000xi32, #tpu.memory_space<hbm>>, %arg4: memref<320000xi32, #tpu.memory_space<hbm>>, %arg5: memref<2x10240x128xf32, #tpu.memory_space<hbm>>, %arg6: memref<10240x128xf32, #tpu.memory_space<vmem_shared>>, %arg7: memref<80xi32, #tpu.memory_space<vmem>>, %arg8: memref<80xi32, #tpu.memory_space<vmem>>, %arg9: memref<80x128xf32, #tpu.memory_space<vmem>>, %arg10: memref<80xi32, #tpu.memory_space<vmem>>, %arg11: memref<80xi32, #tpu.memory_space<vmem>>, %arg12: memref<80x128xf32, #tpu.memory_space<vmem>>, %arg13: memref<80xi32, #tpu.memory_space<vmem>>, %arg14: memref<80xi32, #tpu.memory_space<vmem>>, %arg15: memref<80x128xf32, #tpu.memory_space<vmem>>, %arg16: memref<80xi32, #tpu.memory_space<vmem>>, %arg17: memref<80xi32, #tpu.memory_space<vmem>>, %arg18: memref<80x128xf32, #tpu.memory_space<vmem>>, %arg19: memref<!tpu.dma_semaphore, #tpu.memory_space<semaphore_mem>>, %arg20: memref<!tpu.dma_semaphore, #tpu.memory_space<semaphore_mem>>, %arg21: memref<!tpu.dma_semaphore, #tpu.memory_space<semaphore_mem>>, %arg22: memref<!tpu.dma_semaphore, #tpu.memory_space<semaphore_mem>>) attributes {dimension_semantics = [#tpu.dimension_semantics<core_parallel>, #tpu.dimension_semantics<subcore_parallel>], iteration_bounds = array<i64: 2, 16>, scalar_prefetch = 0 : i64, scratch_operands = 17 : i64, tpu.core_type = #tpu.core_type<sc_vector_subcore>, window_params = [{transform_indices = #map}, {transform_indices = #map1}, {transform_indices = #map1}, {transform_indices = #map2}]} {
    %broadcast_in_dim3A = arith.constant 0.000000e+00 : f32
    %broadcast_in_dim3A_0 = vector.broadcast %broadcast_in_dim3A : f32 to vector<16xf32>
    %scan3A = arith.constant 0 : i32
    %scan3A_1 = arith.constant 80 : i32
    %scan3A_2 = arith.addi %scan3A, %scan3A_1 : i32
    %scan3A_3 = arith.constant 1 : i32
    scf.for %scan3A_102 = %scan3A to %scan3A_2 step %scan3A_3  : i32 {
      %mul3A_103 = arith.constant 1 : i32
      %mul3A_104 = arith.muli %scan3A_102, %mul3A_103 : i32
      %add3A_105 = arith.constant 0 : i32
      %add3A_106 = arith.addi %add3A_105, %mul3A_104 : i32
      %scan3A_107 = arith.constant 0 : i32
      %scan3A_108 = arith.constant 8 : i32
      %scan3A_109 = arith.addi %scan3A_107, %scan3A_108 : i32
      %scan3A_110 = arith.constant 1 : i32
      scf.for %scan3A_112 = %scan3A_107 to %scan3A_109 step %scan3A_110  : i32 {
        %mul3A_113 = arith.constant 16 : i32
        %mul3A_114 = arith.muli %scan3A_112, %mul3A_113 : i32
        %add3A_115 = arith.constant 0 : i32
        %add3A_116 = arith.addi %add3A_115, %mul3A_114 : i32
        %swap3A = arith.index_cast %add3A_106 : i32 to index
        %swap3A_117 = arith.index_cast %add3A_116 : i32 to index
        %swap3A_118 = tpu.vector_load %arg9[%swap3A, %swap3A_117] {strides = array<i32>} : memref<80x128xf32, #tpu.memory_space<vmem>>, vector<16xf32>,
        tpu.vector_store %arg9[%swap3A, %swap3A_117], %broadcast_in_dim3A_0 {strides = array<i32>} : memref<80x128xf32, #tpu.memory_space<vmem>>, vector<16xf32>,
      }
      %scan3A_111 = arith.constant 8 : i32
    }
    %scan3A_4 = arith.constant 80 : i32
    %mul3A = arith.constant 640 : i32
    %mul3A_5 = arith.muli %arg1, %mul3A : i32
    %add3A = arith.constant 0 : i32
    %add3A_6 = arith.addi %mul3A_5, %add3A : i32
    "tpu.region"() ({
      %run_scoped3A = tpu.sem_alloc : memref<!tpu.dma_semaphore, #tpu.memory_space<semaphore_mem>>
      %dma_start3A_102 = arith.constant 0 : i32
      %dma_start3A_103 = tpu.memref_slice %arg6[%add3A_6, %dma_start3A_102] : memref<10240x128xf32, #tpu.memory_space<vmem_shared>> -> memref<80x128xf32, #tpu.memory_space<vmem_shared>>
      %dma_start3A_104 = arith.constant 0 : i32
      %dma_start3A_105 = tpu.memref_slice %arg6[%add3A_6, %dma_start3A_104] : memref<10240x128xf32, #tpu.memory_space<vmem_shared>> -> memref<80x128xf32, #tpu.memory_space<vmem_shared>>
      tpu.enqueue_dma source(%arg9 : memref<80x128xf32, #tpu.memory_space<vmem>>) target(%dma_start3A_105 : memref<80x128xf32, #tpu.memory_space<vmem_shared>>) target_semaphore(%run_scoped3A : memref<!tpu.dma_semaphore, #tpu.memory_space<semaphore_mem>>)
      %dma_wait3A_106 = arith.constant 0 : i32
      %dma_wait3A_107 = tpu.memref_slice %arg6[%add3A_6, %dma_wait3A_106] : memref<10240x128xf32, #tpu.memory_space<vmem_shared>> -> memref<80x128xf32, #tpu.memory_space<vmem_shared>>
      %dma_wait3A_108 = arith.constant 0 : i32
      %dma_wait3A_109 = tpu.memref_slice %arg6[%add3A_6, %dma_wait3A_108] : memref<10240x128xf32, #tpu.memory_space<vmem_shared>> -> memref<80x128xf32, #tpu.memory_space<vmem_shared>>
      tpu.wait_dma2 semaphore(%run_scoped3A : memref<!tpu.dma_semaphore, #tpu.memory_space<semaphore_mem>>) src(%arg9 : memref<80x128xf32, #tpu.memory_space<vmem>>) dst(%dma_wait3A_109 : memref<80x128xf32, #tpu.memory_space<vmem_shared>>)
      tpu.yield
    }) : () -> ()
    %mul3A_7 = arith.constant 640 : i32
    %mul3A_8 = arith.muli %arg1, %mul3A_7 : i32
    %add3A_9 = arith.constant 80 : i32
    %add3A_10 = arith.addi %mul3A_8, %add3A_9 : i32
    "tpu.region"() ({
      %run_scoped3A = tpu.sem_alloc : memref<!tpu.dma_semaphore, #tpu.memory_space<semaphore_mem>>
      %dma_start3A_102 = arith.constant 0 : i32
      %dma_start3A_103 = tpu.memref_slice %arg6[%add3A_10, %dma_start3A_102] : memref<10240x128xf32, #tpu.memory_space<vmem_shared>> -> memref<80x128xf32, #tpu.memory_space<vmem_shared>>
      %dma_start3A_104 = arith.constant 0 : i32
      %dma_start3A_105 = tpu.memref_slice %arg6[%add3A_10, %dma_start3A_104] : memref<10240x128xf32, #tpu.memory_space<vmem_shared>> -> memref<80x128xf32, #tpu.memory_space<vmem_shared>>
      tpu.enqueue_dma source(%arg9 : memref<80x128xf32, #tpu.memory_space<vmem>>) target(%dma_start3A_105 : memref<80x128xf32, #tpu.memory_space<vmem_shared>>) target_semaphore(%run_scoped3A : memref<!tpu.dma_semaphore, #tpu.memory_space<semaphore_mem>>)
      %dma_wait3A_106 = arith.constant 0 : i32
      %dma_wait3A_107 = tpu.memref_slice %arg6[%add3A_10, %dma_wait3A_106] : memref<10240x128xf32, #tpu.memory_space<vmem_shared>> -> memref<80x128xf32, #tpu.memory_space<vmem_shared>>
      %dma_wait3A_108 = arith.constant 0 : i32
      %dma_wait3A_109 = tpu.memref_slice %arg6[%add3A_10, %dma_wait3A_108] : memref<10240x128xf32, #tpu.memory_space<vmem_shared>> -> memref<80x128xf32, #tpu.memory_space<vmem_shared>>
      tpu.wait_dma2 semaphore(%run_scoped3A : memref<!tpu.dma_semaphore, #tpu.memory_space<semaphore_mem>>) src(%arg9 : memref<80x128xf32, #tpu.memory_space<vmem>>) dst(%dma_wait3A_109 : memref<80x128xf32, #tpu.memory_space<vmem_shared>>)
      tpu.yield
    }) : () -> ()
    %mul3A_11 = arith.constant 640 : i32
    %mul3A_12 = arith.muli %arg1, %mul3A_11 : i32
    %add3A_13 = arith.constant 160 : i32
    %add3A_14 = arith.addi %mul3A_12, %add3A_13 : i32
    "tpu.region"() ({
      %run_scoped3A = tpu.sem_alloc : memref<!tpu.dma_semaphore, #tpu.memory_space<semaphore_mem>>
      %dma_start3A_102 = arith.constant 0 : i32
      %dma_start3A_103 = tpu.memref_slice %arg6[%add3A_14, %dma_start3A_102] : memref<10240x128xf32, #tpu.memory_space<vmem_shared>> -> memref<80x128xf32, #tpu.memory_space<vmem_shared>>
      %dma_start3A_104 = arith.constant 0 : i32
      %dma_start3A_105 = tpu.memref_slice %arg6[%add3A_14, %dma_start3A_104] : memref<10240x128xf32, #tpu.memory_space<vmem_shared>> -> memref<80x128xf32, #tpu.memory_space<vmem_shared>>
      tpu.enqueue_dma source(%arg9 : memref<80x128xf32, #tpu.memory_space<vmem>>) target(%dma_start3A_105 : memref<80x128xf32, #tpu.memory_space<vmem_shared>>) target_semaphore(%run_scoped3A : memref<!tpu.dma_semaphore, #tpu.memory_space<semaphore_mem>>)
      %dma_wait3A_106 = arith.constant 0 : i32
      %dma_wait3A_107 = tpu.memref_slice %arg6[%add3A_14, %dma_wait3A_106] : memref<10240x128xf32, #tpu.memory_space<vmem_shared>> -> memref<80x128xf32, #tpu.memory_space<vmem_shared>>
      %dma_wait3A_108 = arith.constant 0 : i32
      %dma_wait3A_109 = tpu.memref_slice %arg6[%add3A_14, %dma_wait3A_108] : memref<10240x128xf32, #tpu.memory_space<vmem_shared>> -> memref<80x128xf32, #tpu.memory_space<vmem_shared>>
      tpu.wait_dma2 semaphore(%run_scoped3A : memref<!tpu.dma_semaphore, #tpu.memory_space<semaphore_mem>>) src(%arg9 : memref<80x128xf32, #tpu.memory_space<vmem>>) dst(%dma_wait3A_109 : memref<80x128xf32, #tpu.memory_space<vmem_shared>>)
      tpu.yield
    }) : () -> ()
    %mul3A_15 = arith.constant 640 : i32
    %mul3A_16 = arith.muli %arg1, %mul3A_15 : i32
    %add3A_17 = arith.constant 240 : i32
    %add3A_18 = arith.addi %mul3A_16, %add3A_17 : i32
    "tpu.region"() ({
      %run_scoped3A = tpu.sem_alloc : memref<!tpu.dma_semaphore, #tpu.memory_space<semaphore_mem>>
      %dma_start3A_102 = arith.constant 0 : i32
      %dma_start3A_103 = tpu.memref_slice %arg6[%add3A_18, %dma_start3A_102] : memref<10240x128xf32, #tpu.memory_space<vmem_shared>> -> memref<80x128xf32, #tpu.memory_space<vmem_shared>>
      %dma_start3A_104 = arith.constant 0 : i32
      %dma_start3A_105 = tpu.memref_slice %arg6[%add3A_18, %dma_start3A_104] : memref<10240x128xf32, #tpu.memory_space<vmem_shared>> -> memref<80x128xf32, #tpu.memory_space<vmem_shared>>
      tpu.enqueue_dma source(%arg9 : memref<80x128xf32, #tpu.memory_space<vmem>>) target(%dma_start3A_105 : memref<80x128xf32, #tpu.memory_space<vmem_shared>>) target_semaphore(%run_scoped3A : memref<!tpu.dma_semaphore, #tpu.memory_space<semaphore_mem>>)
      %dma_wait3A_106 = arith.constant 0 : i32
      %dma_wait3A_107 = tpu.memref_slice %arg6[%add3A_18, %dma_wait3A_106] : memref<10240x128xf32, #tpu.memory_space<vmem_shared>> -> memref<80x128xf32, #tpu.memory_space<vmem_shared>>
      %dma_wait3A_108 = arith.constant 0 : i32
      %dma_wait3A_109 = tpu.memref_slice %arg6[%add3A_18, %dma_wait3A_108] : memref<10240x128xf32, #tpu.memory_space<vmem_shared>> -> memref<80x128xf32, #tpu.memory_space<vmem_shared>>
      tpu.wait_dma2 semaphore(%run_scoped3A : memref<!tpu.dma_semaphore, #tpu.memory_space<semaphore_mem>>) src(%arg9 : memref<80x128xf32, #tpu.memory_space<vmem>>) dst(%dma_wait3A_109 : memref<80x128xf32, #tpu.memory_space<vmem_shared>>)
      tpu.yield
    }) : () -> ()
    %mul3A_19 = arith.constant 640 : i32
    %mul3A_20 = arith.muli %arg1, %mul3A_19 : i32
    %add3A_21 = arith.constant 320 : i32
    %add3A_22 = arith.addi %mul3A_20, %add3A_21 : i32
    "tpu.region"() ({
      %run_scoped3A = tpu.sem_alloc : memref<!tpu.dma_semaphore, #tpu.memory_space<semaphore_mem>>
      %dma_start3A_102 = arith.constant 0 : i32
      %dma_start3A_103 = tpu.memref_slice %arg6[%add3A_22, %dma_start3A_102] : memref<10240x128xf32, #tpu.memory_space<vmem_shared>> -> memref<80x128xf32, #tpu.memory_space<vmem_shared>>
      %dma_start3A_104 = arith.constant 0 : i32
      %dma_start3A_105 = tpu.memref_slice %arg6[%add3A_22, %dma_start3A_104] : memref<10240x128xf32, #tpu.memory_space<vmem_shared>> -> memref<80x128xf32, #tpu.memory_space<vmem_shared>>
      tpu.enqueue_dma source(%arg9 : memref<80x128xf32, #tpu.memory_space<vmem>>) target(%dma_start3A_105 : memref<80x128xf32, #tpu.memory_space<vmem_shared>>) target_semaphore(%run_scoped3A : memref<!tpu.dma_semaphore, #tpu.memory_space<semaphore_mem>>)
      %dma_wait3A_106 = arith.constant 0 : i32
      %dma_wait3A_107 = tpu.memref_slice %arg6[%add3A_22, %dma_wait3A_106] : memref<10240x128xf32, #tpu.memory_space<vmem_shared>> -> memref<80x128xf32, #tpu.memory_space<vmem_shared>>
      %dma_wait3A_108 = arith.constant 0 : i32
      %dma_wait3A_109 = tpu.memref_slice %arg6[%add3A_22, %dma_wait3A_108] : memref<10240x128xf32, #tpu.memory_space<vmem_shared>> -> memref<80x128xf32, #tpu.memory_space<vmem_shared>>
      tpu.wait_dma2 semaphore(%run_scoped3A : memref<!tpu.dma_semaphore, #tpu.memory_space<semaphore_mem>>) src(%arg9 : memref<80x128xf32, #tpu.memory_space<vmem>>) dst(%dma_wait3A_109 : memref<80x128xf32, #tpu.memory_space<vmem_shared>>)
      tpu.yield
    }) : () -> ()
    %mul3A_23 = arith.constant 640 : i32
    %mul3A_24 = arith.muli %arg1, %mul3A_23 : i32
    %add3A_25 = arith.constant 400 : i32
    %add3A_26 = arith.addi %mul3A_24, %add3A_25 : i32
    "tpu.region"() ({
      %run_scoped3A = tpu.sem_alloc : memref<!tpu.dma_semaphore, #tpu.memory_space<semaphore_mem>>
      %dma_start3A_102 = arith.constant 0 : i32
      %dma_start3A_103 = tpu.memref_slice %arg6[%add3A_26, %dma_start3A_102] : memref<10240x128xf32, #tpu.memory_space<vmem_shared>> -> memref<80x128xf32, #tpu.memory_space<vmem_shared>>
      %dma_start3A_104 = arith.constant 0 : i32
      %dma_start3A_105 = tpu.memref_slice %arg6[%add3A_26, %dma_start3A_104] : memref<10240x128xf32, #tpu.memory_space<vmem_shared>> -> memref<80x128xf32, #tpu.memory_space<vmem_shared>>
      tpu.enqueue_dma source(%arg9 : memref<80x128xf32, #tpu.memory_space<vmem>>) target(%dma_start3A_105 : memref<80x128xf32, #tpu.memory_space<vmem_shared>>) target_semaphore(%run_scoped3A : memref<!tpu.dma_semaphore, #tpu.memory_space<semaphore_mem>>)
      %dma_wait3A_106 = arith.constant 0 : i32
      %dma_wait3A_107 = tpu.memref_slice %arg6[%add3A_26, %dma_wait3A_106] : memref<10240x128xf32, #tpu.memory_space<vmem_shared>> -> memref<80x128xf32, #tpu.memory_space<vmem_shared>>
      %dma_wait3A_108 = arith.constant 0 : i32
      %dma_wait3A_109 = tpu.memref_slice %arg6[%add3A_26, %dma_wait3A_108] : memref<10240x128xf32, #tpu.memory_space<vmem_shared>> -> memref<80x128xf32, #tpu.memory_space<vmem_shared>>
      tpu.wait_dma2 semaphore(%run_scoped3A : memref<!tpu.dma_semaphore, #tpu.memory_space<semaphore_mem>>) src(%arg9 : memref<80x128xf32, #tpu.memory_space<vmem>>) dst(%dma_wait3A_109 : memref<80x128xf32, #tpu.memory_space<vmem_shared>>)
      tpu.yield
    }) : () -> ()
    %mul3A_27 = arith.constant 640 : i32
    %mul3A_28 = arith.muli %arg1, %mul3A_27 : i32
    %add3A_29 = arith.constant 480 : i32
    %add3A_30 = arith.addi %mul3A_28, %add3A_29 : i32
    "tpu.region"() ({
      %run_scoped3A = tpu.sem_alloc : memref<!tpu.dma_semaphore, #tpu.memory_space<semaphore_mem>>
      %dma_start3A_102 = arith.constant 0 : i32
      %dma_start3A_103 = tpu.memref_slice %arg6[%add3A_30, %dma_start3A_102] : memref<10240x128xf32, #tpu.memory_space<vmem_shared>> -> memref<80x128xf32, #tpu.memory_space<vmem_shared>>
      %dma_start3A_104 = arith.constant 0 : i32
      %dma_start3A_105 = tpu.memref_slice %arg6[%add3A_30, %dma_start3A_104] : memref<10240x128xf32, #tpu.memory_space<vmem_shared>> -> memref<80x128xf32, #tpu.memory_space<vmem_shared>>
      tpu.enqueue_dma source(%arg9 : memref<80x128xf32, #tpu.memory_space<vmem>>) target(%dma_start3A_105 : memref<80x128xf32, #tpu.memory_space<vmem_shared>>) target_semaphore(%run_scoped3A : memref<!tpu.dma_semaphore, #tpu.memory_space<semaphore_mem>>)
      %dma_wait3A_106 = arith.constant 0 : i32
      %dma_wait3A_107 = tpu.memref_slice %arg6[%add3A_30, %dma_wait3A_106] : memref<10240x128xf32, #tpu.memory_space<vmem_shared>> -> memref<80x128xf32, #tpu.memory_space<vmem_shared>>
      %dma_wait3A_108 = arith.constant 0 : i32
      %dma_wait3A_109 = tpu.memref_slice %arg6[%add3A_30, %dma_wait3A_108] : memref<10240x128xf32, #tpu.memory_space<vmem_shared>> -> memref<80x128xf32, #tpu.memory_space<vmem_shared>>
      tpu.wait_dma2 semaphore(%run_scoped3A : memref<!tpu.dma_semaphore, #tpu.memory_space<semaphore_mem>>) src(%arg9 : memref<80x128xf32, #tpu.memory_space<vmem>>) dst(%dma_wait3A_109 : memref<80x128xf32, #tpu.memory_space<vmem_shared>>)
      tpu.yield
    }) : () -> ()
    %mul3A_31 = arith.constant 640 : i32
    %mul3A_32 = arith.muli %arg1, %mul3A_31 : i32
    %add3A_33 = arith.constant 560 : i32
    %add3A_34 = arith.addi %mul3A_32, %add3A_33 : i32
    "tpu.region"() ({
      %run_scoped3A = tpu.sem_alloc : memref<!tpu.dma_semaphore, #tpu.memory_space<semaphore_mem>>
      %dma_start3A_102 = arith.constant 0 : i32
      %dma_start3A_103 = tpu.memref_slice %arg6[%add3A_34, %dma_start3A_102] : memref<10240x128xf32, #tpu.memory_space<vmem_shared>> -> memref<80x128xf32, #tpu.memory_space<vmem_shared>>
      %dma_start3A_104 = arith.constant 0 : i32
      %dma_start3A_105 = tpu.memref_slice %arg6[%add3A_34, %dma_start3A_104] : memref<10240x128xf32, #tpu.memory_space<vmem_shared>> -> memref<80x128xf32, #tpu.memory_space<vmem_shared>>
      tpu.enqueue_dma source(%arg9 : memref<80x128xf32, #tpu.memory_space<vmem>>) target(%dma_start3A_105 : memref<80x128xf32, #tpu.memory_space<vmem_shared>>) target_semaphore(%run_scoped3A : memref<!tpu.dma_semaphore, #tpu.memory_space<semaphore_mem>>)
      %dma_wait3A_106 = arith.constant 0 : i32
      %dma_wait3A_107 = tpu.memref_slice %arg6[%add3A_34, %dma_wait3A_106] : memref<10240x128xf32, #tpu.memory_space<vmem_shared>> -> memref<80x128xf32, #tpu.memory_space<vmem_shared>>
      %dma_wait3A_108 = arith.constant 0 : i32
      %dma_wait3A_109 = tpu.memref_slice %arg6[%add3A_34, %dma_wait3A_108] : memref<10240x128xf32, #tpu.memory_space<vmem_shared>> -> memref<80x128xf32, #tpu.memory_space<vmem_shared>>
      tpu.wait_dma2 semaphore(%run_scoped3A : memref<!tpu.dma_semaphore, #tpu.memory_space<semaphore_mem>>) src(%arg9 : memref<80x128xf32, #tpu.memory_space<vmem>>) dst(%dma_wait3A_109 : memref<80x128xf32, #tpu.memory_space<vmem_shared>>)
      tpu.yield
    }) : () -> ()
    %barrier3A = arith.constant 0 : index
    tpu.barrier barrier_id(%barrier3A)
    %eq3A = arith.constant 0 : i32
    %eq3A_35 = arith.cmpi eq, %arg0, %eq3A : i32
    %jit3A = arith.constant 125 : i32
    %jit3A_36 = arith.constant 125 : i32
    %select_n3A = arith.select %eq3A_35, %jit3A, %jit3A_36 : i32
    %mul3A_37 = arith.constant 16 : i32
    %mul3A_38 = arith.muli %arg0, %mul3A_37 : i32
    %mul3A_39 = arith.constant 125 : i32
    %mul3A_40 = arith.muli %mul3A_38, %mul3A_39 : i32
    %mul3A_41 = arith.muli %arg1, %select_n3A : i32
    %add3A_42 = arith.addi %mul3A_40, %mul3A_41 : i32
    %mul3A_43 = arith.constant 80 : i32
    %mul3A_44 = arith.muli %add3A_42, %mul3A_43 : i32
    %sub3A = arith.constant 2 : i32
    %sub3A_45 = arith.subi %select_n3A, %sub3A : i32
    %jit3A_46 = arith.constant 3 : i32
    %div3A = arith.divsi %sub3A_45, %jit3A_46 : i32
    %sign3A = arith.constant 0 : i32
    %sign3A_47 = arith.cmpi sgt, %sub3A_45, %sign3A : i32
    %sign3A_48 = arith.extui %sign3A_47 : i1 to i32
    %sign3A_49 = arith.constant 0 : i32
    %sign3A_50 = arith.cmpi slt, %sub3A_45, %sign3A_49 : i32
    %sign3A_51 = arith.extui %sign3A_50 : i1 to i32
    %sign3A_52 = arith.subi %sign3A_48, %sign3A_51 : i32
    %sign3A_53 = arith.constant 0 : i32
    %sign3A_54 = arith.cmpi sgt, %jit3A_46, %sign3A_53 : i32
    %sign3A_55 = arith.extui %sign3A_54 : i1 to i32
    %sign3A_56 = arith.constant 0 : i32
    %sign3A_57 = arith.cmpi slt, %jit3A_46, %sign3A_56 : i32
    %sign3A_58 = arith.extui %sign3A_57 : i1 to i32
    %sign3A_59 = arith.subi %sign3A_55, %sign3A_58 : i32
    %ne3A = arith.cmpi ne, %sign3A_52, %sign3A_59 : i32
    %rem3A = arith.remsi %sub3A_45, %jit3A_46 : i32
    %ne3A_60 = arith.constant 0 : i32
    %ne3A_61 = arith.cmpi ne, %rem3A, %ne3A_60 : i32
    %and3A = arith.andi %ne3A, %ne3A_61 : i1
    %sub3A_62 = arith.constant 1 : i32
    %sub3A_63 = arith.subi %div3A, %sub3A_62 : i32
    %select_n3A_64 = arith.select %and3A, %sub3A_63, %div3A : i32
    %add3A_65 = arith.constant 0 : i32
    %add3A_66 = arith.addi %mul3A_44, %add3A_65 : i32
    "tpu.region"() ({
      %run_scoped3A = tpu.sem_alloc : memref<!tpu.dma_semaphore, #tpu.memory_space<semaphore_mem>>
      %dma_start3A_102 = tpu.memref_slice %arg3[%add3A_66] : memref<320000xi32, #tpu.memory_space<hbm>> -> memref<80xi32, #tpu.memory_space<hbm>>
      %dma_start3A_103 = tpu.memref_slice %arg3[%add3A_66] : memref<320000xi32, #tpu.memory_space<hbm>> -> memref<80xi32, #tpu.memory_space<hbm>>
      tpu.enqueue_dma source(%dma_start3A_103 : memref<80xi32, #tpu.memory_space<hbm>>) target(%arg7 : memref<80xi32, #tpu.memory_space<vmem>>) target_semaphore(%run_scoped3A : memref<!tpu.dma_semaphore, #tpu.memory_space<semaphore_mem>>)
      %dma_wait3A_104 = tpu.memref_slice %arg3[%add3A_66] : memref<320000xi32, #tpu.memory_space<hbm>> -> memref<80xi32, #tpu.memory_space<hbm>>
      %dma_wait3A_105 = tpu.memref_slice %arg3[%add3A_66] : memref<320000xi32, #tpu.memory_space<hbm>> -> memref<80xi32, #tpu.memory_space<hbm>>
      tpu.wait_dma2 semaphore(%run_scoped3A : memref<!tpu.dma_semaphore, #tpu.memory_space<semaphore_mem>>) src(%dma_wait3A_105 : memref<80xi32, #tpu.memory_space<hbm>>) dst(%arg7 : memref<80xi32, #tpu.memory_space<vmem>>)
      tpu.yield
    }) : () -> ()
    "tpu.region"() ({
      %run_scoped3A = tpu.sem_alloc : memref<!tpu.dma_semaphore, #tpu.memory_space<semaphore_mem>>
      %dma_start3A_102 = tpu.memref_slice %arg4[%add3A_66] : memref<320000xi32, #tpu.memory_space<hbm>> -> memref<80xi32, #tpu.memory_space<hbm>>
      %dma_start3A_103 = tpu.memref_slice %arg4[%add3A_66] : memref<320000xi32, #tpu.memory_space<hbm>> -> memref<80xi32, #tpu.memory_space<hbm>>
      tpu.enqueue_dma source(%dma_start3A_103 : memref<80xi32, #tpu.memory_space<hbm>>) target(%arg8 : memref<80xi32, #tpu.memory_space<vmem>>) target_semaphore(%run_scoped3A : memref<!tpu.dma_semaphore, #tpu.memory_space<semaphore_mem>>)
      %dma_wait3A_104 = tpu.memref_slice %arg4[%add3A_66] : memref<320000xi32, #tpu.memory_space<hbm>> -> memref<80xi32, #tpu.memory_space<hbm>>
      %dma_wait3A_105 = tpu.memref_slice %arg4[%add3A_66] : memref<320000xi32, #tpu.memory_space<hbm>> -> memref<80xi32, #tpu.memory_space<hbm>>
      tpu.wait_dma2 semaphore(%run_scoped3A : memref<!tpu.dma_semaphore, #tpu.memory_space<semaphore_mem>>) src(%dma_wait3A_105 : memref<80xi32, #tpu.memory_space<hbm>>) dst(%arg8 : memref<80xi32, #tpu.memory_space<vmem>>)
      tpu.yield
    }) : () -> ()
    %dma_start3A = arith.constant 0 : i32
    %dma_start3A_67 = arith.constant 0 : i32
    %dma_start3A_68 = tpu.memref_slice %arg2[%dma_start3A, %dma_start3A_67] : memref<10000x128xf32, #tpu.memory_space<hbm>> -> memref<10000x128xf32, #tpu.memory_space<hbm>>
    tpu.enqueue_indirect_dma source(%dma_start3A_68 : memref<10000x128xf32, #tpu.memory_space<hbm>>) target(%arg9 : memref<80x128xf32, #tpu.memory_space<vmem>>) offsets(%arg7 : memref<80xi32, #tpu.memory_space<vmem>>) semaphore(%arg19 : memref<!tpu.dma_semaphore, #tpu.memory_space<semaphore_mem>>)
    %add3A_69 = arith.constant 80 : i32
    %add3A_70 = arith.addi %mul3A_44, %add3A_69 : i32
    "tpu.region"() ({
      %run_scoped3A = tpu.sem_alloc : memref<!tpu.dma_semaphore, #tpu.memory_space<semaphore_mem>>
      %dma_start3A_102 = tpu.memref_slice %arg3[%add3A_70] : memref<320000xi32, #tpu.memory_space<hbm>> -> memref<80xi32, #tpu.memory_space<hbm>>
      %dma_start3A_103 = tpu.memref_slice %arg3[%add3A_70] : memref<320000xi32, #tpu.memory_space<hbm>> -> memref<80xi32, #tpu.memory_space<hbm>>
      tpu.enqueue_dma source(%dma_start3A_103 : memref<80xi32, #tpu.memory_space<hbm>>) target(%arg10 : memref<80xi32, #tpu.memory_space<vmem>>) target_semaphore(%run_scoped3A : memref<!tpu.dma_semaphore, #tpu.memory_space<semaphore_mem>>)
      %dma_wait3A_104 = tpu.memref_slice %arg3[%add3A_70] : memref<320000xi32, #tpu.memory_space<hbm>> -> memref<80xi32, #tpu.memory_space<hbm>>
      %dma_wait3A_105 = tpu.memref_slice %arg3[%add3A_70] : memref<320000xi32, #tpu.memory_space<hbm>> -> memref<80xi32, #tpu.memory_space<hbm>>
      tpu.wait_dma2 semaphore(%run_scoped3A : memref<!tpu.dma_semaphore, #tpu.memory_space<semaphore_mem>>) src(%dma_wait3A_105 : memref<80xi32, #tpu.memory_space<hbm>>) dst(%arg10 : memref<80xi32, #tpu.memory_space<vmem>>)
      tpu.yield
    }) : () -> ()
    "tpu.region"() ({
      %run_scoped3A = tpu.sem_alloc : memref<!tpu.dma_semaphore, #tpu.memory_space<semaphore_mem>>
      %dma_start3A_102 = tpu.memref_slice %arg4[%add3A_70] : memref<320000xi32, #tpu.memory_space<hbm>> -> memref<80xi32, #tpu.memory_space<hbm>>
      %dma_start3A_103 = tpu.memref_slice %arg4[%add3A_70] : memref<320000xi32, #tpu.memory_space<hbm>> -> memref<80xi32, #tpu.memory_space<hbm>>
      tpu.enqueue_dma source(%dma_start3A_103 : memref<80xi32, #tpu.memory_space<hbm>>) target(%arg11 : memref<80xi32, #tpu.memory_space<vmem>>) target_semaphore(%run_scoped3A : memref<!tpu.dma_semaphore, #tpu.memory_space<semaphore_mem>>)
      %dma_wait3A_104 = tpu.memref_slice %arg4[%add3A_70] : memref<320000xi32, #tpu.memory_space<hbm>> -> memref<80xi32, #tpu.memory_space<hbm>>
      %dma_wait3A_105 = tpu.memref_slice %arg4[%add3A_70] : memref<320000xi32, #tpu.memory_space<hbm>> -> memref<80xi32, #tpu.memory_space<hbm>>
      tpu.wait_dma2 semaphore(%run_scoped3A : memref<!tpu.dma_semaphore, #tpu.memory_space<semaphore_mem>>) src(%dma_wait3A_105 : memref<80xi32, #tpu.memory_space<hbm>>) dst(%arg11 : memref<80xi32, #tpu.memory_space<vmem>>)
      tpu.yield
    }) : () -> ()
    %dma_start3A_71 = arith.constant 0 : i32
    %dma_start3A_72 = arith.constant 0 : i32
    %dma_start3A_73 = tpu.memref_slice %arg2[%dma_start3A_71, %dma_start3A_72] : memref<10000x128xf32, #tpu.memory_space<hbm>> -> memref<10000x128xf32, #tpu.memory_space<hbm>>
    tpu.enqueue_indirect_dma source(%dma_start3A_73 : memref<10000x128xf32, #tpu.memory_space<hbm>>) target(%arg12 : memref<80x128xf32, #tpu.memory_space<vmem>>) offsets(%arg10 : memref<80xi32, #tpu.memory_space<vmem>>) semaphore(%arg20 : memref<!tpu.dma_semaphore, #tpu.memory_space<semaphore_mem>>)
    %sub3A_74 = arith.constant 0 : i32
    %sub3A_75 = arith.subi %select_n3A_64, %sub3A_74 : i32
    %sub3A_76 = arith.constant 1 : i32
    %sub3A_77 = arith.constant 1 : i32
    %sub3A_78 = arith.subi %sub3A_76, %sub3A_77 : i32
    %add3A_79 = arith.addi %sub3A_75, %sub3A_78 : i32
    %div3A_80 = arith.constant 1 : i32
    %div3A_81 = arith.divsi %add3A_79, %div3A_80 : i32
    %while3A = arith.constant 1 : i32
    %while3A_82 = arith.constant 0 : i32
    %while3A_83 = arith.constant 0 : i32
    %while3A_84 = arith.subi %div3A_81, %while3A_83 : i32
    %while3A_85 = arith.addi %while3A_83, %while3A_84 : i32
    %while3A_86 = arith.constant 1 : i32
    %while3A_87 = arith.divsi %while3A_84, %while3A_86 : i32
    %while3A_88 = arith.muli %while3A_87, %while3A_86 : i32
    %while3A_89 = arith.addi %while3A_83, %while3A_88 : i32
    %while3A_90 = arith.constant 1 : i32
    scf.for %while3A_102 = %while3A_83 to %while3A_89 step %while3A_90  : i32 {
      %mul3A_103 = arith.muli %while3A_102, %while3A : i32
      %add3A_104 = arith.addi %while3A_82, %mul3A_103 : i32
      %mul3A_105 = arith.constant 3 : i32
      %mul3A_106 = arith.muli %mul3A_105, %add3A_104 : i32
      %add3A_107 = arith.constant 0 : i32
      %add3A_108 = arith.addi %mul3A_106, %add3A_107 : i32
      %add3A_109 = arith.constant 3 : i32
      %add3A_110 = arith.addi %add3A_108, %add3A_109 : i32
      %sub3A_111 = arith.constant 1 : i32
      %sub3A_112 = arith.subi %add3A_110, %sub3A_111 : i32
      %mul3A_113 = arith.constant 80 : i32
      %mul3A_114 = arith.muli %sub3A_112, %mul3A_113 : i32
      %add3A_115 = arith.addi %mul3A_44, %mul3A_114 : i32
      "tpu.region"() ({
        %run_scoped3A = tpu.sem_alloc : memref<!tpu.dma_semaphore, #tpu.memory_space<semaphore_mem>>
        %dma_start3A_156 = tpu.memref_slice %arg3[%add3A_115] : memref<320000xi32, #tpu.memory_space<hbm>> -> memref<80xi32, #tpu.memory_space<hbm>>
        %dma_start3A_157 = tpu.memref_slice %arg3[%add3A_115] : memref<320000xi32, #tpu.memory_space<hbm>> -> memref<80xi32, #tpu.memory_space<hbm>>
        tpu.enqueue_dma source(%dma_start3A_157 : memref<80xi32, #tpu.memory_space<hbm>>) target(%arg13 : memref<80xi32, #tpu.memory_space<vmem>>) target_semaphore(%run_scoped3A : memref<!tpu.dma_semaphore, #tpu.memory_space<semaphore_mem>>)
        %dma_wait3A_158 = tpu.memref_slice %arg3[%add3A_115] : memref<320000xi32, #tpu.memory_space<hbm>> -> memref<80xi32, #tpu.memory_space<hbm>>
        %dma_wait3A_159 = tpu.memref_slice %arg3[%add3A_115] : memref<320000xi32, #tpu.memory_space<hbm>> -> memref<80xi32, #tpu.memory_space<hbm>>
        tpu.wait_dma2 semaphore(%run_scoped3A : memref<!tpu.dma_semaphore, #tpu.memory_space<semaphore_mem>>) src(%dma_wait3A_159 : memref<80xi32, #tpu.memory_space<hbm>>) dst(%arg13 : memref<80xi32, #tpu.memory_space<vmem>>)
        tpu.yield
      }) : () -> ()
      "tpu.region"() ({
        %run_scoped3A = tpu.sem_alloc : memref<!tpu.dma_semaphore, #tpu.memory_space<semaphore_mem>>
        %dma_start3A_156 = tpu.memref_slice %arg4[%add3A_115] : memref<320000xi32, #tpu.memory_space<hbm>> -> memref<80xi32, #tpu.memory_space<hbm>>
        %dma_start3A_157 = tpu.memref_slice %arg4[%add3A_115] : memref<320000xi32, #tpu.memory_space<hbm>> -> memref<80xi32, #tpu.memory_space<hbm>>
        tpu.enqueue_dma source(%dma_start3A_157 : memref<80xi32, #tpu.memory_space<hbm>>) target(%arg14 : memref<80xi32, #tpu.memory_space<vmem>>) target_semaphore(%run_scoped3A : memref<!tpu.dma_semaphore, #tpu.memory_space<semaphore_mem>>)
        %dma_wait3A_158 = tpu.memref_slice %arg4[%add3A_115] : memref<320000xi32, #tpu.memory_space<hbm>> -> memref<80xi32, #tpu.memory_space<hbm>>
        %dma_wait3A_159 = tpu.memref_slice %arg4[%add3A_115] : memref<320000xi32, #tpu.memory_space<hbm>> -> memref<80xi32, #tpu.memory_space<hbm>>
        tpu.wait_dma2 semaphore(%run_scoped3A : memref<!tpu.dma_semaphore, #tpu.memory_space<semaphore_mem>>) src(%dma_wait3A_159 : memref<80xi32, #tpu.memory_space<hbm>>) dst(%arg14 : memref<80xi32, #tpu.memory_space<vmem>>)
        tpu.yield
      }) : () -> ()
      %dma_start3A_116 = arith.constant 0 : i32
      %dma_start3A_117 = arith.constant 0 : i32
      %dma_start3A_118 = tpu.memref_slice %arg2[%dma_start3A_116, %dma_start3A_117] : memref<10000x128xf32, #tpu.memory_space<hbm>> -> memref<10000x128xf32, #tpu.memory_space<hbm>>
      tpu.enqueue_indirect_dma source(%dma_start3A_118 : memref<10000x128xf32, #tpu.memory_space<hbm>>) target(%arg15 : memref<80x128xf32, #tpu.memory_space<vmem>>) offsets(%arg13 : memref<80xi32, #tpu.memory_space<vmem>>) semaphore(%arg21 : memref<!tpu.dma_semaphore, #tpu.memory_space<semaphore_mem>>)
      %dma_wait3A_119 = arith.constant 0 : i32
      %dma_wait3A_120 = arith.constant 0 : i32
      %dma_wait3A_121 = tpu.memref_slice %arg2[%dma_wait3A_119, %dma_wait3A_120] : memref<10000x128xf32, #tpu.memory_space<hbm>> -> memref<10000x128xf32, #tpu.memory_space<hbm>>
      tpu.wait_indirect_dma semaphore(%arg19 : memref<!tpu.dma_semaphore, #tpu.memory_space<semaphore_mem>>) src(%dma_wait3A_121 : memref<10000x128xf32, #tpu.memory_space<hbm>>) dst(%arg9 : memref<80x128xf32, #tpu.memory_space<vmem>>)
      "tpu.region"() ({
        %run_scoped3A = tpu.sem_alloc : memref<!tpu.dma_semaphore, #tpu.memory_space<semaphore_mem>>
        %dma_start3A_156 = arith.constant 0 : i32
        %dma_start3A_157 = arith.constant 0 : i32
        %dma_start3A_158 = tpu.memref_slice %arg6[%dma_start3A_156, %dma_start3A_157] : memref<10240x128xf32, #tpu.memory_space<vmem_shared>> -> memref<10240x128xf32, #tpu.memory_space<vmem_shared>>
        tpu.enqueue_indirect_dma source(%arg9 : memref<80x128xf32, #tpu.memory_space<vmem>>) target(%dma_start3A_158 : memref<10240x128xf32, #tpu.memory_space<vmem_shared>>) offsets(%arg8 : memref<80xi32, #tpu.memory_space<vmem>>) semaphore(%run_scoped3A : memref<!tpu.dma_semaphore, #tpu.memory_space<semaphore_mem>>) {add = true}
        %dma_wait3A_159 = arith.constant 0 : i32
        %dma_wait3A_160 = arith.constant 0 : i32
        %dma_wait3A_161 = tpu.memref_slice %arg6[%dma_wait3A_159, %dma_wait3A_160] : memref<10240x128xf32, #tpu.memory_space<vmem_shared>> -> memref<10240x128xf32, #tpu.memory_space<vmem_shared>>
        tpu.wait_indirect_dma semaphore(%run_scoped3A : memref<!tpu.dma_semaphore, #tpu.memory_space<semaphore_mem>>) src(%arg9 : memref<80x128xf32, #tpu.memory_space<vmem>>) dst(%dma_wait3A_161 : memref<10240x128xf32, #tpu.memory_space<vmem_shared>>)
        tpu.yield
      }) : () -> ()
      %mul3A_122 = arith.constant 3 : i32
      %mul3A_123 = arith.muli %mul3A_122, %add3A_104 : i32
      %add3A_124 = arith.constant 1 : i32
      %add3A_125 = arith.addi %mul3A_123, %add3A_124 : i32
      %add3A_126 = arith.constant 3 : i32
      %add3A_127 = arith.addi %add3A_125, %add3A_126 : i32
      %sub3A_128 = arith.constant 1 : i32
      %sub3A_129 = arith.subi %add3A_127, %sub3A_128 : i32
      %mul3A_130 = arith.constant 80 : i32
      %mul3A_131 = arith.muli %sub3A_129, %mul3A_130 : i32
      %add3A_132 = arith.addi %mul3A_44, %mul3A_131 : i32
      "tpu.region"() ({
        %run_scoped3A = tpu.sem_alloc : memref<!tpu.dma_semaphore, #tpu.memory_space<semaphore_mem>>
        %dma_start3A_156 = tpu.memref_slice %arg3[%add3A_132] : memref<320000xi32, #tpu.memory_space<hbm>> -> memref<80xi32, #tpu.memory_space<hbm>>
        %dma_start3A_157 = tpu.memref_slice %arg3[%add3A_132] : memref<320000xi32, #tpu.memory_space<hbm>> -> memref<80xi32, #tpu.memory_space<hbm>>
        tpu.enqueue_dma source(%dma_start3A_157 : memref<80xi32, #tpu.memory_space<hbm>>) target(%arg7 : memref<80xi32, #tpu.memory_space<vmem>>) target_semaphore(%run_scoped3A : memref<!tpu.dma_semaphore, #tpu.memory_space<semaphore_mem>>)
        %dma_wait3A_158 = tpu.memref_slice %arg3[%add3A_132] : memref<320000xi32, #tpu.memory_space<hbm>> -> memref<80xi32, #tpu.memory_space<hbm>>
        %dma_wait3A_159 = tpu.memref_slice %arg3[%add3A_132] : memref<320000xi32, #tpu.memory_space<hbm>> -> memref<80xi32, #tpu.memory_space<hbm>>
        tpu.wait_dma2 semaphore(%run_scoped3A : memref<!tpu.dma_semaphore, #tpu.memory_space<semaphore_mem>>) src(%dma_wait3A_159 : memref<80xi32, #tpu.memory_space<hbm>>) dst(%arg7 : memref<80xi32, #tpu.memory_space<vmem>>)
        tpu.yield
      }) : () -> ()
      "tpu.region"() ({
        %run_scoped3A = tpu.sem_alloc : memref<!tpu.dma_semaphore, #tpu.memory_space<semaphore_mem>>
        %dma_start3A_156 = tpu.memref_slice %arg4[%add3A_132] : memref<320000xi32, #tpu.memory_space<hbm>> -> memref<80xi32, #tpu.memory_space<hbm>>
        %dma_start3A_157 = tpu.memref_slice %arg4[%add3A_132] : memref<320000xi32, #tpu.memory_space<hbm>> -> memref<80xi32, #tpu.memory_space<hbm>>
        tpu.enqueue_dma source(%dma_start3A_157 : memref<80xi32, #tpu.memory_space<hbm>>) target(%arg8 : memref<80xi32, #tpu.memory_space<vmem>>) target_semaphore(%run_scoped3A : memref<!tpu.dma_semaphore, #tpu.memory_space<semaphore_mem>>)
        %dma_wait3A_158 = tpu.memref_slice %arg4[%add3A_132] : memref<320000xi32, #tpu.memory_space<hbm>> -> memref<80xi32, #tpu.memory_space<hbm>>
        %dma_wait3A_159 = tpu.memref_slice %arg4[%add3A_132] : memref<320000xi32, #tpu.memory_space<hbm>> -> memref<80xi32, #tpu.memory_space<hbm>>
        tpu.wait_dma2 semaphore(%run_scoped3A : memref<!tpu.dma_semaphore, #tpu.memory_space<semaphore_mem>>) src(%dma_wait3A_159 : memref<80xi32, #tpu.memory_space<hbm>>) dst(%arg8 : memref<80xi32, #tpu.memory_space<vmem>>)
        tpu.yield
      }) : () -> ()
      %dma_start3A_133 = arith.constant 0 : i32
      %dma_start3A_134 = arith.constant 0 : i32
      %dma_start3A_135 = tpu.memref_slice %arg2[%dma_start3A_133, %dma_start3A_134] : memref<10000x128xf32, #tpu.memory_space<hbm>> -> memref<10000x128xf32, #tpu.memory_space<hbm>>
      tpu.enqueue_indirect_dma source(%dma_start3A_135 : memref<10000x128xf32, #tpu.memory_space<hbm>>) target(%arg9 : memref<80x128xf32, #tpu.memory_space<vmem>>) offsets(%arg7 : memref<80xi32, #tpu.memory_space<vmem>>) semaphore(%arg19 : memref<!tpu.dma_semaphore, #tpu.memory_space<semaphore_mem>>)
      %dma_wait3A_136 = arith.constant 0 : i32
      %dma_wait3A_137 = arith.constant 0 : i32
      %dma_wait3A_138 = tpu.memref_slice %arg2[%dma_wait3A_136, %dma_wait3A_137] : memref<10000x128xf32, #tpu.memory_space<hbm>> -> memref<10000x128xf32, #tpu.memory_space<hbm>>
      tpu.wait_indirect_dma semaphore(%arg20 : memref<!tpu.dma_semaphore, #tpu.memory_space<semaphore_mem>>) src(%dma_wait3A_138 : memref<10000x128xf32, #tpu.memory_space<hbm>>) dst(%arg12 : memref<80x128xf32, #tpu.memory_space<vmem>>)
      "tpu.region"() ({
        %run_scoped3A = tpu.sem_alloc : memref<!tpu.dma_semaphore, #tpu.memory_space<semaphore_mem>>
        %dma_start3A_156 = arith.constant 0 : i32
        %dma_start3A_157 = arith.constant 0 : i32
        %dma_start3A_158 = tpu.memref_slice %arg6[%dma_start3A_156, %dma_start3A_157] : memref<10240x128xf32, #tpu.memory_space<vmem_shared>> -> memref<10240x128xf32, #tpu.memory_space<vmem_shared>>
        tpu.enqueue_indirect_dma source(%arg12 : memref<80x128xf32, #tpu.memory_space<vmem>>) target(%dma_start3A_158 : memref<10240x128xf32, #tpu.memory_space<vmem_shared>>) offsets(%arg11 : memref<80xi32, #tpu.memory_space<vmem>>) semaphore(%run_scoped3A : memref<!tpu.dma_semaphore, #tpu.memory_space<semaphore_mem>>) {add = true}
        %dma_wait3A_159 = arith.constant 0 : i32
        %dma_wait3A_160 = arith.constant 0 : i32
        %dma_wait3A_161 = tpu.memref_slice %arg6[%dma_wait3A_159, %dma_wait3A_160] : memref<10240x128xf32, #tpu.memory_space<vmem_shared>> -> memref<10240x128xf32, #tpu.memory_space<vmem_shared>>
        tpu.wait_indirect_dma semaphore(%run_scoped3A : memref<!tpu.dma_semaphore, #tpu.memory_space<semaphore_mem>>) src(%arg12 : memref<80x128xf32, #tpu.memory_space<vmem>>) dst(%dma_wait3A_161 : memref<10240x128xf32, #tpu.memory_space<vmem_shared>>)
        tpu.yield
      }) : () -> ()
      %mul3A_139 = arith.constant 3 : i32
      %mul3A_140 = arith.muli %mul3A_139, %add3A_104 : i32
      %add3A_141 = arith.constant 2 : i32
      %add3A_142 = arith.addi %mul3A_140, %add3A_141 : i32
      %add3A_143 = arith.constant 3 : i32
      %add3A_144 = arith.addi %add3A_142, %add3A_143 : i32
      %sub3A_145 = arith.constant 1 : i32
      %sub3A_146 = arith.subi %add3A_144, %sub3A_145 : i32
      %mul3A_147 = arith.constant 80 : i32
      %mul3A_148 = arith.muli %sub3A_146, %mul3A_147 : i32
      %add3A_149 = arith.addi %mul3A_44, %mul3A_148 : i32
      "tpu.region"() ({
        %run_scoped3A = tpu.sem_alloc : memref<!tpu.dma_semaphore, #tpu.memory_space<semaphore_mem>>
        %dma_start3A_156 = tpu.memref_slice %arg3[%add3A_149] : memref<320000xi32, #tpu.memory_space<hbm>> -> memref<80xi32, #tpu.memory_space<hbm>>
        %dma_start3A_157 = tpu.memref_slice %arg3[%add3A_149] : memref<320000xi32, #tpu.memory_space<hbm>> -> memref<80xi32, #tpu.memory_space<hbm>>
        tpu.enqueue_dma source(%dma_start3A_157 : memref<80xi32, #tpu.memory_space<hbm>>) target(%arg10 : memref<80xi32, #tpu.memory_space<vmem>>) target_semaphore(%run_scoped3A : memref<!tpu.dma_semaphore, #tpu.memory_space<semaphore_mem>>)
        %dma_wait3A_158 = tpu.memref_slice %arg3[%add3A_149] : memref<320000xi32, #tpu.memory_space<hbm>> -> memref<80xi32, #tpu.memory_space<hbm>>
        %dma_wait3A_159 = tpu.memref_slice %arg3[%add3A_149] : memref<320000xi32, #tpu.memory_space<hbm>> -> memref<80xi32, #tpu.memory_space<hbm>>
        tpu.wait_dma2 semaphore(%run_scoped3A : memref<!tpu.dma_semaphore, #tpu.memory_space<semaphore_mem>>) src(%dma_wait3A_159 : memref<80xi32, #tpu.memory_space<hbm>>) dst(%arg10 : memref<80xi32, #tpu.memory_space<vmem>>)
        tpu.yield
      }) : () -> ()
      "tpu.region"() ({
        %run_scoped3A = tpu.sem_alloc : memref<!tpu.dma_semaphore, #tpu.memory_space<semaphore_mem>>
        %dma_start3A_156 = tpu.memref_slice %arg4[%add3A_149] : memref<320000xi32, #tpu.memory_space<hbm>> -> memref<80xi32, #tpu.memory_space<hbm>>
        %dma_start3A_157 = tpu.memref_slice %arg4[%add3A_149] : memref<320000xi32, #tpu.memory_space<hbm>> -> memref<80xi32, #tpu.memory_space<hbm>>
        tpu.enqueue_dma source(%dma_start3A_157 : memref<80xi32, #tpu.memory_space<hbm>>) target(%arg11 : memref<80xi32, #tpu.memory_space<vmem>>) target_semaphore(%run_scoped3A : memref<!tpu.dma_semaphore, #tpu.memory_space<semaphore_mem>>)
        %dma_wait3A_158 = tpu.memref_slice %arg4[%add3A_149] : memref<320000xi32, #tpu.memory_space<hbm>> -> memref<80xi32, #tpu.memory_space<hbm>>
        %dma_wait3A_159 = tpu.memref_slice %arg4[%add3A_149] : memref<320000xi32, #tpu.memory_space<hbm>> -> memref<80xi32, #tpu.memory_space<hbm>>
        tpu.wait_dma2 semaphore(%run_scoped3A : memref<!tpu.dma_semaphore, #tpu.memory_space<semaphore_mem>>) src(%dma_wait3A_159 : memref<80xi32, #tpu.memory_space<hbm>>) dst(%arg11 : memref<80xi32, #tpu.memory_space<vmem>>)
        tpu.yield
      }) : () -> ()
      %dma_start3A_150 = arith.constant 0 : i32
      %dma_start3A_151 = arith.constant 0 : i32
      %dma_start3A_152 = tpu.memref_slice %arg2[%dma_start3A_150, %dma_start3A_151] : memref<10000x128xf32, #tpu.memory_space<hbm>> -> memref<10000x128xf32, #tpu.memory_space<hbm>>
      tpu.enqueue_indirect_dma source(%dma_start3A_152 : memref<10000x128xf32, #tpu.memory_space<hbm>>) target(%arg12 : memref<80x128xf32, #tpu.memory_space<vmem>>) offsets(%arg10 : memref<80xi32, #tpu.memory_space<vmem>>) semaphore(%arg20 : memref<!tpu.dma_semaphore, #tpu.memory_space<semaphore_mem>>)
      %dma_wait3A_153 = arith.constant 0 : i32
      %dma_wait3A_154 = arith.constant 0 : i32
      %dma_wait3A_155 = tpu.memref_slice %arg2[%dma_wait3A_153, %dma_wait3A_154] : memref<10000x128xf32, #tpu.memory_space<hbm>> -> memref<10000x128xf32, #tpu.memory_space<hbm>>
      tpu.wait_indirect_dma semaphore(%arg21 : memref<!tpu.dma_semaphore, #tpu.memory_space<semaphore_mem>>) src(%dma_wait3A_155 : memref<10000x128xf32, #tpu.memory_space<hbm>>) dst(%arg15 : memref<80x128xf32, #tpu.memory_space<vmem>>)
      "tpu.region"() ({
        %run_scoped3A = tpu.sem_alloc : memref<!tpu.dma_semaphore, #tpu.memory_space<semaphore_mem>>
        %dma_start3A_156 = arith.constant 0 : i32
        %dma_start3A_157 = arith.constant 0 : i32
        %dma_start3A_158 = tpu.memref_slice %arg6[%dma_start3A_156, %dma_start3A_157] : memref<10240x128xf32, #tpu.memory_space<vmem_shared>> -> memref<10240x128xf32, #tpu.memory_space<vmem_shared>>
        tpu.enqueue_indirect_dma source(%arg15 : memref<80x128xf32, #tpu.memory_space<vmem>>) target(%dma_start3A_158 : memref<10240x128xf32, #tpu.memory_space<vmem_shared>>) offsets(%arg14 : memref<80xi32, #tpu.memory_space<vmem>>) semaphore(%run_scoped3A : memref<!tpu.dma_semaphore, #tpu.memory_space<semaphore_mem>>) {add = true}
        %dma_wait3A_159 = arith.constant 0 : i32
        %dma_wait3A_160 = arith.constant 0 : i32
        %dma_wait3A_161 = tpu.memref_slice %arg6[%dma_wait3A_159, %dma_wait3A_160] : memref<10240x128xf32, #tpu.memory_space<vmem_shared>> -> memref<10240x128xf32, #tpu.memory_space<vmem_shared>>
        tpu.wait_indirect_dma semaphore(%run_scoped3A : memref<!tpu.dma_semaphore, #tpu.memory_space<semaphore_mem>>) src(%arg15 : memref<80x128xf32, #tpu.memory_space<vmem>>) dst(%dma_wait3A_161 : memref<10240x128xf32, #tpu.memory_space<vmem_shared>>)
        tpu.yield
      }) : () -> ()
    }
    %while3A_91 = arith.constant 1 : i32
    scf.for %while3A_102 = %while3A_89 to %while3A_85 step %while3A_91  : i32 {
      %mul3A_103 = arith.muli %while3A_102, %while3A : i32
      %add3A_104 = arith.addi %while3A_82, %mul3A_103 : i32
      %mul3A_105 = arith.constant 3 : i32
      %mul3A_106 = arith.muli %mul3A_105, %add3A_104 : i32
      %add3A_107 = arith.constant 0 : i32
      %add3A_108 = arith.addi %mul3A_106, %add3A_107 : i32
      %add3A_109 = arith.constant 3 : i32
      %add3A_110 = arith.addi %add3A_108, %add3A_109 : i32
      %sub3A_111 = arith.constant 1 : i32
      %sub3A_112 = arith.subi %add3A_110, %sub3A_111 : i32
      %mul3A_113 = arith.constant 80 : i32
      %mul3A_114 = arith.muli %sub3A_112, %mul3A_113 : i32
      %add3A_115 = arith.addi %mul3A_44, %mul3A_114 : i32
      "tpu.region"() ({
        %run_scoped3A = tpu.sem_alloc : memref<!tpu.dma_semaphore, #tpu.memory_space<semaphore_mem>>
        %dma_start3A_156 = tpu.memref_slice %arg3[%add3A_115] : memref<320000xi32, #tpu.memory_space<hbm>> -> memref<80xi32, #tpu.memory_space<hbm>>
        %dma_start3A_157 = tpu.memref_slice %arg3[%add3A_115] : memref<320000xi32, #tpu.memory_space<hbm>> -> memref<80xi32, #tpu.memory_space<hbm>>
        tpu.enqueue_dma source(%dma_start3A_157 : memref<80xi32, #tpu.memory_space<hbm>>) target(%arg13 : memref<80xi32, #tpu.memory_space<vmem>>) target_semaphore(%run_scoped3A : memref<!tpu.dma_semaphore, #tpu.memory_space<semaphore_mem>>)
        %dma_wait3A_158 = tpu.memref_slice %arg3[%add3A_115] : memref<320000xi32, #tpu.memory_space<hbm>> -> memref<80xi32, #tpu.memory_space<hbm>>
        %dma_wait3A_159 = tpu.memref_slice %arg3[%add3A_115] : memref<320000xi32, #tpu.memory_space<hbm>> -> memref<80xi32, #tpu.memory_space<hbm>>
        tpu.wait_dma2 semaphore(%run_scoped3A : memref<!tpu.dma_semaphore, #tpu.memory_space<semaphore_mem>>) src(%dma_wait3A_159 : memref<80xi32, #tpu.memory_space<hbm>>) dst(%arg13 : memref<80xi32, #tpu.memory_space<vmem>>)
        tpu.yield
      }) : () -> ()
      "tpu.region"() ({
        %run_scoped3A = tpu.sem_alloc : memref<!tpu.dma_semaphore, #tpu.memory_space<semaphore_mem>>
        %dma_start3A_156 = tpu.memref_slice %arg4[%add3A_115] : memref<320000xi32, #tpu.memory_space<hbm>> -> memref<80xi32, #tpu.memory_space<hbm>>
        %dma_start3A_157 = tpu.memref_slice %arg4[%add3A_115] : memref<320000xi32, #tpu.memory_space<hbm>> -> memref<80xi32, #tpu.memory_space<hbm>>
        tpu.enqueue_dma source(%dma_start3A_157 : memref<80xi32, #tpu.memory_space<hbm>>) target(%arg14 : memref<80xi32, #tpu.memory_space<vmem>>) target_semaphore(%run_scoped3A : memref<!tpu.dma_semaphore, #tpu.memory_space<semaphore_mem>>)
        %dma_wait3A_158 = tpu.memref_slice %arg4[%add3A_115] : memref<320000xi32, #tpu.memory_space<hbm>> -> memref<80xi32, #tpu.memory_space<hbm>>
        %dma_wait3A_159 = tpu.memref_slice %arg4[%add3A_115] : memref<320000xi32, #tpu.memory_space<hbm>> -> memref<80xi32, #tpu.memory_space<hbm>>
        tpu.wait_dma2 semaphore(%run_scoped3A : memref<!tpu.dma_semaphore, #tpu.memory_space<semaphore_mem>>) src(%dma_wait3A_159 : memref<80xi32, #tpu.memory_space<hbm>>) dst(%arg14 : memref<80xi32, #tpu.memory_space<vmem>>)
        tpu.yield
      }) : () -> ()
      %dma_start3A_116 = arith.constant 0 : i32
      %dma_start3A_117 = arith.constant 0 : i32
      %dma_start3A_118 = tpu.memref_slice %arg2[%dma_start3A_116, %dma_start3A_117] : memref<10000x128xf32, #tpu.memory_space<hbm>> -> memref<10000x128xf32, #tpu.memory_space<hbm>>
      tpu.enqueue_indirect_dma source(%dma_start3A_118 : memref<10000x128xf32, #tpu.memory_space<hbm>>) target(%arg15 : memref<80x128xf32, #tpu.memory_space<vmem>>) offsets(%arg13 : memref<80xi32, #tpu.memory_space<vmem>>) semaphore(%arg21 : memref<!tpu.dma_semaphore, #tpu.memory_space<semaphore_mem>>)
      %dma_wait3A_119 = arith.constant 0 : i32
      %dma_wait3A_120 = arith.constant 0 : i32
      %dma_wait3A_121 = tpu.memref_slice %arg2[%dma_wait3A_119, %dma_wait3A_120] : memref<10000x128xf32, #tpu.memory_space<hbm>> -> memref<10000x128xf32, #tpu.memory_space<hbm>>
      tpu.wait_indirect_dma semaphore(%arg19 : memref<!tpu.dma_semaphore, #tpu.memory_space<semaphore_mem>>) src(%dma_wait3A_121 : memref<10000x128xf32, #tpu.memory_space<hbm>>) dst(%arg9 : memref<80x128xf32, #tpu.memory_space<vmem>>)
      "tpu.region"() ({
        %run_scoped3A = tpu.sem_alloc : memref<!tpu.dma_semaphore, #tpu.memory_space<semaphore_mem>>
        %dma_start3A_156 = arith.constant 0 : i32
        %dma_start3A_157 = arith.constant 0 : i32
        %dma_start3A_158 = tpu.memref_slice %arg6[%dma_start3A_156, %dma_start3A_157] : memref<10240x128xf32, #tpu.memory_space<vmem_shared>> -> memref<10240x128xf32, #tpu.memory_space<vmem_shared>>
        tpu.enqueue_indirect_dma source(%arg9 : memref<80x128xf32, #tpu.memory_space<vmem>>) target(%dma_start3A_158 : memref<10240x128xf32, #tpu.memory_space<vmem_shared>>) offsets(%arg8 : memref<80xi32, #tpu.memory_space<vmem>>) semaphore(%run_scoped3A : memref<!tpu.dma_semaphore, #tpu.memory_space<semaphore_mem>>) {add = true}
        %dma_wait3A_159 = arith.constant 0 : i32
        %dma_wait3A_160 = arith.constant 0 : i32
        %dma_wait3A_161 = tpu.memref_slice %arg6[%dma_wait3A_159, %dma_wait3A_160] : memref<10240x128xf32, #tpu.memory_space<vmem_shared>> -> memref<10240x128xf32, #tpu.memory_space<vmem_shared>>
        tpu.wait_indirect_dma semaphore(%run_scoped3A : memref<!tpu.dma_semaphore, #tpu.memory_space<semaphore_mem>>) src(%arg9 : memref<80x128xf32, #tpu.memory_space<vmem>>) dst(%dma_wait3A_161 : memref<10240x128xf32, #tpu.memory_space<vmem_shared>>)
        tpu.yield
      }) : () -> ()
      %mul3A_122 = arith.constant 3 : i32
      %mul3A_123 = arith.muli %mul3A_122, %add3A_104 : i32
      %add3A_124 = arith.constant 1 : i32
      %add3A_125 = arith.addi %mul3A_123, %add3A_124 : i32
      %add3A_126 = arith.constant 3 : i32
      %add3A_127 = arith.addi %add3A_125, %add3A_126 : i32
      %sub3A_128 = arith.constant 1 : i32
      %sub3A_129 = arith.subi %add3A_127, %sub3A_128 : i32
      %mul3A_130 = arith.constant 80 : i32
      %mul3A_131 = arith.muli %sub3A_129, %mul3A_130 : i32
      %add3A_132 = arith.addi %mul3A_44, %mul3A_131 : i32
      "tpu.region"() ({
        %run_scoped3A = tpu.sem_alloc : memref<!tpu.dma_semaphore, #tpu.memory_space<semaphore_mem>>
        %dma_start3A_156 = tpu.memref_slice %arg3[%add3A_132] : memref<320000xi32, #tpu.memory_space<hbm>> -> memref<80xi32, #tpu.memory_space<hbm>>
        %dma_start3A_157 = tpu.memref_slice %arg3[%add3A_132] : memref<320000xi32, #tpu.memory_space<hbm>> -> memref<80xi32, #tpu.memory_space<hbm>>
        tpu.enqueue_dma source(%dma_start3A_157 : memref<80xi32, #tpu.memory_space<hbm>>) target(%arg7 : memref<80xi32, #tpu.memory_space<vmem>>) target_semaphore(%run_scoped3A : memref<!tpu.dma_semaphore, #tpu.memory_space<semaphore_mem>>)
        %dma_wait3A_158 = tpu.memref_slice %arg3[%add3A_132] : memref<320000xi32, #tpu.memory_space<hbm>> -> memref<80xi32, #tpu.memory_space<hbm>>
        %dma_wait3A_159 = tpu.memref_slice %arg3[%add3A_132] : memref<320000xi32, #tpu.memory_space<hbm>> -> memref<80xi32, #tpu.memory_space<hbm>>
        tpu.wait_dma2 semaphore(%run_scoped3A : memref<!tpu.dma_semaphore, #tpu.memory_space<semaphore_mem>>) src(%dma_wait3A_159 : memref<80xi32, #tpu.memory_space<hbm>>) dst(%arg7 : memref<80xi32, #tpu.memory_space<vmem>>)
        tpu.yield
      }) : () -> ()
      "tpu.region"() ({
        %run_scoped3A = tpu.sem_alloc : memref<!tpu.dma_semaphore, #tpu.memory_space<semaphore_mem>>
        %dma_start3A_156 = tpu.memref_slice %arg4[%add3A_132] : memref<320000xi32, #tpu.memory_space<hbm>> -> memref<80xi32, #tpu.memory_space<hbm>>
        %dma_start3A_157 = tpu.memref_slice %arg4[%add3A_132] : memref<320000xi32, #tpu.memory_space<hbm>> -> memref<80xi32, #tpu.memory_space<hbm>>
        tpu.enqueue_dma source(%dma_start3A_157 : memref<80xi32, #tpu.memory_space<hbm>>) target(%arg8 : memref<80xi32, #tpu.memory_space<vmem>>) target_semaphore(%run_scoped3A : memref<!tpu.dma_semaphore, #tpu.memory_space<semaphore_mem>>)
        %dma_wait3A_158 = tpu.memref_slice %arg4[%add3A_132] : memref<320000xi32, #tpu.memory_space<hbm>> -> memref<80xi32, #tpu.memory_space<hbm>>
        %dma_wait3A_159 = tpu.memref_slice %arg4[%add3A_132] : memref<320000xi32, #tpu.memory_space<hbm>> -> memref<80xi32, #tpu.memory_space<hbm>>
        tpu.wait_dma2 semaphore(%run_scoped3A : memref<!tpu.dma_semaphore, #tpu.memory_space<semaphore_mem>>) src(%dma_wait3A_159 : memref<80xi32, #tpu.memory_space<hbm>>) dst(%arg8 : memref<80xi32, #tpu.memory_space<vmem>>)
        tpu.yield
      }) : () -> ()
      %dma_start3A_133 = arith.constant 0 : i32
      %dma_start3A_134 = arith.constant 0 : i32
      %dma_start3A_135 = tpu.memref_slice %arg2[%dma_start3A_133, %dma_start3A_134] : memref<10000x128xf32, #tpu.memory_space<hbm>> -> memref<10000x128xf32, #tpu.memory_space<hbm>>
      tpu.enqueue_indirect_dma source(%dma_start3A_135 : memref<10000x128xf32, #tpu.memory_space<hbm>>) target(%arg9 : memref<80x128xf32, #tpu.memory_space<vmem>>) offsets(%arg7 : memref<80xi32, #tpu.memory_space<vmem>>) semaphore(%arg19 : memref<!tpu.dma_semaphore, #tpu.memory_space<semaphore_mem>>)
      %dma_wait3A_136 = arith.constant 0 : i32
      %dma_wait3A_137 = arith.constant 0 : i32
      %dma_wait3A_138 = tpu.memref_slice %arg2[%dma_wait3A_136, %dma_wait3A_137] : memref<10000x128xf32, #tpu.memory_space<hbm>> -> memref<10000x128xf32, #tpu.memory_space<hbm>>
      tpu.wait_indirect_dma semaphore(%arg20 : memref<!tpu.dma_semaphore, #tpu.memory_space<semaphore_mem>>) src(%dma_wait3A_138 : memref<10000x128xf32, #tpu.memory_space<hbm>>) dst(%arg12 : memref<80x128xf32, #tpu.memory_space<vmem>>)
      "tpu.region"() ({
        %run_scoped3A = tpu.sem_alloc : memref<!tpu.dma_semaphore, #tpu.memory_space<semaphore_mem>>
        %dma_start3A_156 = arith.constant 0 : i32
        %dma_start3A_157 = arith.constant 0 : i32
        %dma_start3A_158 = tpu.memref_slice %arg6[%dma_start3A_156, %dma_start3A_157] : memref<10240x128xf32, #tpu.memory_space<vmem_shared>> -> memref<10240x128xf32, #tpu.memory_space<vmem_shared>>
        tpu.enqueue_indirect_dma source(%arg12 : memref<80x128xf32, #tpu.memory_space<vmem>>) target(%dma_start3A_158 : memref<10240x128xf32, #tpu.memory_space<vmem_shared>>) offsets(%arg11 : memref<80xi32, #tpu.memory_space<vmem>>) semaphore(%run_scoped3A : memref<!tpu.dma_semaphore, #tpu.memory_space<semaphore_mem>>) {add = true}
        %dma_wait3A_159 = arith.constant 0 : i32
        %dma_wait3A_160 = arith.constant 0 : i32
        %dma_wait3A_161 = tpu.memref_slice %arg6[%dma_wait3A_159, %dma_wait3A_160] : memref<10240x128xf32, #tpu.memory_space<vmem_shared>> -> memref<10240x128xf32, #tpu.memory_space<vmem_shared>>
        tpu.wait_indirect_dma semaphore(%run_scoped3A : memref<!tpu.dma_semaphore, #tpu.memory_space<semaphore_mem>>) src(%arg12 : memref<80x128xf32, #tpu.memory_space<vmem>>) dst(%dma_wait3A_161 : memref<10240x128xf32, #tpu.memory_space<vmem_shared>>)
        tpu.yield
      }) : () -> ()
      %mul3A_139 = arith.constant 3 : i32
      %mul3A_140 = arith.muli %mul3A_139, %add3A_104 : i32
      %add3A_141 = arith.constant 2 : i32
      %add3A_142 = arith.addi %mul3A_140, %add3A_141 : i32
      %add3A_143 = arith.constant 3 : i32
      %add3A_144 = arith.addi %add3A_142, %add3A_143 : i32
      %sub3A_145 = arith.constant 1 : i32
      %sub3A_146 = arith.subi %add3A_144, %sub3A_145 : i32
      %mul3A_147 = arith.constant 80 : i32
      %mul3A_148 = arith.muli %sub3A_146, %mul3A_147 : i32
      %add3A_149 = arith.addi %mul3A_44, %mul3A_148 : i32
      "tpu.region"() ({
        %run_scoped3A = tpu.sem_alloc : memref<!tpu.dma_semaphore, #tpu.memory_space<semaphore_mem>>
        %dma_start3A_156 = tpu.memref_slice %arg3[%add3A_149] : memref<320000xi32, #tpu.memory_space<hbm>> -> memref<80xi32, #tpu.memory_space<hbm>>
        %dma_start3A_157 = tpu.memref_slice %arg3[%add3A_149] : memref<320000xi32, #tpu.memory_space<hbm>> -> memref<80xi32, #tpu.memory_space<hbm>>
        tpu.enqueue_dma source(%dma_start3A_157 : memref<80xi32, #tpu.memory_space<hbm>>) target(%arg10 : memref<80xi32, #tpu.memory_space<vmem>>) target_semaphore(%run_scoped3A : memref<!tpu.dma_semaphore, #tpu.memory_space<semaphore_mem>>)
        %dma_wait3A_158 = tpu.memref_slice %arg3[%add3A_149] : memref<320000xi32, #tpu.memory_space<hbm>> -> memref<80xi32, #tpu.memory_space<hbm>>
        %dma_wait3A_159 = tpu.memref_slice %arg3[%add3A_149] : memref<320000xi32, #tpu.memory_space<hbm>> -> memref<80xi32, #tpu.memory_space<hbm>>
        tpu.wait_dma2 semaphore(%run_scoped3A : memref<!tpu.dma_semaphore, #tpu.memory_space<semaphore_mem>>) src(%dma_wait3A_159 : memref<80xi32, #tpu.memory_space<hbm>>) dst(%arg10 : memref<80xi32, #tpu.memory_space<vmem>>)
        tpu.yield
      }) : () -> ()
      "tpu.region"() ({
        %run_scoped3A = tpu.sem_alloc : memref<!tpu.dma_semaphore, #tpu.memory_space<semaphore_mem>>
        %dma_start3A_156 = tpu.memref_slice %arg4[%add3A_149] : memref<320000xi32, #tpu.memory_space<hbm>> -> memref<80xi32, #tpu.memory_space<hbm>>
        %dma_start3A_157 = tpu.memref_slice %arg4[%add3A_149] : memref<320000xi32, #tpu.memory_space<hbm>> -> memref<80xi32, #tpu.memory_space<hbm>>
        tpu.enqueue_dma source(%dma_start3A_157 : memref<80xi32, #tpu.memory_space<hbm>>) target(%arg11 : memref<80xi32, #tpu.memory_space<vmem>>) target_semaphore(%run_scoped3A : memref<!tpu.dma_semaphore, #tpu.memory_space<semaphore_mem>>)
        %dma_wait3A_158 = tpu.memref_slice %arg4[%add3A_149] : memref<320000xi32, #tpu.memory_space<hbm>> -> memref<80xi32, #tpu.memory_space<hbm>>
        %dma_wait3A_159 = tpu.memref_slice %arg4[%add3A_149] : memref<320000xi32, #tpu.memory_space<hbm>> -> memref<80xi32, #tpu.memory_space<hbm>>
        tpu.wait_dma2 semaphore(%run_scoped3A : memref<!tpu.dma_semaphore, #tpu.memory_space<semaphore_mem>>) src(%dma_wait3A_159 : memref<80xi32, #tpu.memory_space<hbm>>) dst(%arg11 : memref<80xi32, #tpu.memory_space<vmem>>)
        tpu.yield
      }) : () -> ()
      %dma_start3A_150 = arith.constant 0 : i32
      %dma_start3A_151 = arith.constant 0 : i32
      %dma_start3A_152 = tpu.memref_slice %arg2[%dma_start3A_150, %dma_start3A_151] : memref<10000x128xf32, #tpu.memory_space<hbm>> -> memref<10000x128xf32, #tpu.memory_space<hbm>>
      tpu.enqueue_indirect_dma source(%dma_start3A_152 : memref<10000x128xf32, #tpu.memory_space<hbm>>) target(%arg12 : memref<80x128xf32, #tpu.memory_space<vmem>>) offsets(%arg10 : memref<80xi32, #tpu.memory_space<vmem>>) semaphore(%arg20 : memref<!tpu.dma_semaphore, #tpu.memory_space<semaphore_mem>>)
      %dma_wait3A_153 = arith.constant 0 : i32
      %dma_wait3A_154 = arith.constant 0 : i32
      %dma_wait3A_155 = tpu.memref_slice %arg2[%dma_wait3A_153, %dma_wait3A_154] : memref<10000x128xf32, #tpu.memory_space<hbm>> -> memref<10000x128xf32, #tpu.memory_space<hbm>>
      tpu.wait_indirect_dma semaphore(%arg21 : memref<!tpu.dma_semaphore, #tpu.memory_space<semaphore_mem>>) src(%dma_wait3A_155 : memref<10000x128xf32, #tpu.memory_space<hbm>>) dst(%arg15 : memref<80x128xf32, #tpu.memory_space<vmem>>)
      "tpu.region"() ({
        %run_scoped3A = tpu.sem_alloc : memref<!tpu.dma_semaphore, #tpu.memory_space<semaphore_mem>>
        %dma_start3A_156 = arith.constant 0 : i32
        %dma_start3A_157 = arith.constant 0 : i32
        %dma_start3A_158 = tpu.memref_slice %arg6[%dma_start3A_156, %dma_start3A_157] : memref<10240x128xf32, #tpu.memory_space<vmem_shared>> -> memref<10240x128xf32, #tpu.memory_space<vmem_shared>>
        tpu.enqueue_indirect_dma source(%arg15 : memref<80x128xf32, #tpu.memory_space<vmem>>) target(%dma_start3A_158 : memref<10240x128xf32, #tpu.memory_space<vmem_shared>>) offsets(%arg14 : memref<80xi32, #tpu.memory_space<vmem>>) semaphore(%run_scoped3A : memref<!tpu.dma_semaphore, #tpu.memory_space<semaphore_mem>>) {add = true}
        %dma_wait3A_159 = arith.constant 0 : i32
        %dma_wait3A_160 = arith.constant 0 : i32
        %dma_wait3A_161 = tpu.memref_slice %arg6[%dma_wait3A_159, %dma_wait3A_160] : memref<10240x128xf32, #tpu.memory_space<vmem_shared>> -> memref<10240x128xf32, #tpu.memory_space<vmem_shared>>
        tpu.wait_indirect_dma semaphore(%run_scoped3A : memref<!tpu.dma_semaphore, #tpu.memory_space<semaphore_mem>>) src(%arg15 : memref<80x128xf32, #tpu.memory_space<vmem>>) dst(%dma_wait3A_161 : memref<10240x128xf32, #tpu.memory_space<vmem_shared>>)
        tpu.yield
      }) : () -> ()
    }
    %dma_wait3A = arith.constant 0 : i32
    %dma_wait3A_92 = arith.constant 0 : i32
    %dma_wait3A_93 = tpu.memref_slice %arg2[%dma_wait3A, %dma_wait3A_92] : memref<10000x128xf32, #tpu.memory_space<hbm>> -> memref<10000x128xf32, #tpu.memory_space<hbm>>
    tpu.wait_indirect_dma semaphore(%arg19 : memref<!tpu.dma_semaphore, #tpu.memory_space<semaphore_mem>>) src(%dma_wait3A_93 : memref<10000x128xf32, #tpu.memory_space<hbm>>) dst(%arg9 : memref<80x128xf32, #tpu.memory_space<vmem>>)
    "tpu.region"() ({
      %run_scoped3A = tpu.sem_alloc : memref<!tpu.dma_semaphore, #tpu.memory_space<semaphore_mem>>
      %dma_start3A_102 = arith.constant 0 : i32
      %dma_start3A_103 = arith.constant 0 : i32
      %dma_start3A_104 = tpu.memref_slice %arg6[%dma_start3A_102, %dma_start3A_103] : memref<10240x128xf32, #tpu.memory_space<vmem_shared>> -> memref<10240x128xf32, #tpu.memory_space<vmem_shared>>
      tpu.enqueue_indirect_dma source(%arg9 : memref<80x128xf32, #tpu.memory_space<vmem>>) target(%dma_start3A_104 : memref<10240x128xf32, #tpu.memory_space<vmem_shared>>) offsets(%arg8 : memref<80xi32, #tpu.memory_space<vmem>>) semaphore(%run_scoped3A : memref<!tpu.dma_semaphore, #tpu.memory_space<semaphore_mem>>) {add = true}
      %dma_wait3A_105 = arith.constant 0 : i32
      %dma_wait3A_106 = arith.constant 0 : i32
      %dma_wait3A_107 = tpu.memref_slice %arg6[%dma_wait3A_105, %dma_wait3A_106] : memref<10240x128xf32, #tpu.memory_space<vmem_shared>> -> memref<10240x128xf32, #tpu.memory_space<vmem_shared>>
      tpu.wait_indirect_dma semaphore(%run_scoped3A : memref<!tpu.dma_semaphore, #tpu.memory_space<semaphore_mem>>) src(%arg9 : memref<80x128xf32, #tpu.memory_space<vmem>>) dst(%dma_wait3A_107 : memref<10240x128xf32, #tpu.memory_space<vmem_shared>>)
      tpu.yield
    }) : () -> ()
    %dma_wait3A_94 = arith.constant 0 : i32
    %dma_wait3A_95 = arith.constant 0 : i32
    %dma_wait3A_96 = tpu.memref_slice %arg2[%dma_wait3A_94, %dma_wait3A_95] : memref<10000x128xf32, #tpu.memory_space<hbm>> -> memref<10000x128xf32, #tpu.memory_space<hbm>>
    tpu.wait_indirect_dma semaphore(%arg20 : memref<!tpu.dma_semaphore, #tpu.memory_space<semaphore_mem>>) src(%dma_wait3A_96 : memref<10000x128xf32, #tpu.memory_space<hbm>>) dst(%arg12 : memref<80x128xf32, #tpu.memory_space<vmem>>)
    "tpu.region"() ({
      %run_scoped3A = tpu.sem_alloc : memref<!tpu.dma_semaphore, #tpu.memory_space<semaphore_mem>>
      %dma_start3A_102 = arith.constant 0 : i32
      %dma_start3A_103 = arith.constant 0 : i32
      %dma_start3A_104 = tpu.memref_slice %arg6[%dma_start3A_102, %dma_start3A_103] : memref<10240x128xf32, #tpu.memory_space<vmem_shared>> -> memref<10240x128xf32, #tpu.memory_space<vmem_shared>>
      tpu.enqueue_indirect_dma source(%arg12 : memref<80x128xf32, #tpu.memory_space<vmem>>) target(%dma_start3A_104 : memref<10240x128xf32, #tpu.memory_space<vmem_shared>>) offsets(%arg11 : memref<80xi32, #tpu.memory_space<vmem>>) semaphore(%run_scoped3A : memref<!tpu.dma_semaphore, #tpu.memory_space<semaphore_mem>>) {add = true}
      %dma_wait3A_105 = arith.constant 0 : i32
      %dma_wait3A_106 = arith.constant 0 : i32
      %dma_wait3A_107 = tpu.memref_slice %arg6[%dma_wait3A_105, %dma_wait3A_106] : memref<10240x128xf32, #tpu.memory_space<vmem_shared>> -> memref<10240x128xf32, #tpu.memory_space<vmem_shared>>
      tpu.wait_indirect_dma semaphore(%run_scoped3A : memref<!tpu.dma_semaphore, #tpu.memory_space<semaphore_mem>>) src(%arg12 : memref<80x128xf32, #tpu.memory_space<vmem>>) dst(%dma_wait3A_107 : memref<10240x128xf32, #tpu.memory_space<vmem_shared>>)
      tpu.yield
    }) : () -> ()
    %barrier3A_97 = arith.constant 0 : index
    tpu.barrier barrier_id(%barrier3A_97)
    %mul3A_98 = arith.constant 640 : i32
    %mul3A_99 = arith.muli %arg1, %mul3A_98 : i32
    %mul3A_100 = arith.constant 640 : i32
    %mul3A_101 = arith.muli %arg1, %mul3A_100 : i32
    "tpu.region"() ({
      %run_scoped3A = tpu.sem_alloc : memref<!tpu.dma_semaphore, #tpu.memory_space<semaphore_mem>>
      %dma_start3A_102 = arith.constant 0 : i32
      %dma_start3A_103 = tpu.memref_slice %arg5[%arg0, %mul3A_101, %dma_start3A_102] : memref<2x10240x128xf32, #tpu.memory_space<hbm>> -> memref<1x640x128xf32, #tpu.memory_space<hbm>>
      %dma_start3A_104 = tpu.memref_squeeze %dma_start3A_103 : memref<1x640x128xf32, #tpu.memory_space<hbm>> -> memref<640x128xf32, #tpu.memory_space<hbm>>
      %dma_start3A_105 = arith.constant 0 : i32
      %dma_start3A_106 = tpu.memref_slice %arg6[%mul3A_99, %dma_start3A_105] : memref<10240x128xf32, #tpu.memory_space<vmem_shared>> -> memref<640x128xf32, #tpu.memory_space<vmem_shared>>
      tpu.enqueue_dma source(%dma_start3A_106 : memref<640x128xf32, #tpu.memory_space<vmem_shared>>) target(%dma_start3A_104 : memref<640x128xf32, #tpu.memory_space<hbm>>) target_semaphore(%run_scoped3A : memref<!tpu.dma_semaphore, #tpu.memory_space<semaphore_mem>>)
      %dma_wait3A_107 = arith.constant 0 : i32
      %dma_wait3A_108 = tpu.memref_slice %arg5[%arg0, %mul3A_101, %dma_wait3A_107] : memref<2x10240x128xf32, #tpu.memory_space<hbm>> -> memref<1x640x128xf32, #tpu.memory_space<hbm>>
      %dma_wait3A_109 = tpu.memref_squeeze %dma_wait3A_108 : memref<1x640x128xf32, #tpu.memory_space<hbm>> -> memref<640x128xf32, #tpu.memory_space<hbm>>
      %dma_wait3A_110 = arith.constant 0 : i32
      %dma_wait3A_111 = tpu.memref_slice %arg6[%mul3A_99, %dma_wait3A_110] : memref<10240x128xf32, #tpu.memory_space<vmem_shared>> -> memref<640x128xf32, #tpu.memory_space<vmem_shared>>
      tpu.wait_dma2 semaphore(%run_scoped3A : memref<!tpu.dma_semaphore, #tpu.memory_space<semaphore_mem>>) src(%dma_wait3A_111 : memref<640x128xf32, #tpu.memory_space<vmem_shared>>) dst(%dma_wait3A_109 : memref<640x128xf32, #tpu.memory_space<hbm>>)
      tpu.yield
    }) : () -> ()
    return
  }
}

module attributes {stable_mosaic.version = 14 : i64} {
  func.func @_mm_body(%arg0: i32, %arg1: memref<1000x128xf32, #tpu.memory_space<vmem>>, %arg2: memref<128x128xf32, #tpu.memory_space<vmem>>, %arg3: memref<2x1000x1xf32, #tpu.memory_space<vmem>>, %arg4: memref<1000x128xf32, #tpu.memory_space<vmem>>) attributes {dimension_semantics = [#tpu.dimension_semantics<arbitrary>], iteration_bounds = array<i64: 10>, scalar_prefetch = 0 : i64, scratch_operands = 0 : i64, tpu.core_type = #tpu.core_type<tc>, window_params = [{transform_indices = @transform_0, window_bounds = array<i64: 1000, 128>}, {pipeline_mode = #tpu.pipeline_mode<synchronous>, transform_indices = @transform_1, window_bounds = array<i64: 128, 128>}, {transform_indices = @transform_2, window_bounds = array<i64: 2, 1000, 1>}, {transform_indices = @transform_3, window_bounds = array<i64: 1000, 128>}]} {
    %get3A = arith.constant 0 : index
    %get3A_0 = arith.constant 0 : index
    %get3A_1 = vector.load %arg1[%get3A, %get3A_0] : memref<1000x128xf32, #tpu.memory_space<vmem>>, vector<1000x128xf32>
    %get3A_2 = arith.constant 0 : index
    %get3A_3 = arith.constant 0 : index
    %get3A_4 = vector.load %arg2[%get3A_2, %get3A_3] : memref<128x128xf32, #tpu.memory_space<vmem>>, vector<128x128xf32>
    %dot_general3A = arith.constant dense<0.000000e+00> : vector<1000x128xf32>
    %dot_general3A_5 = tpu.matmul %get3A_1, %get3A_4, %dot_general3A {dimension_numbers = #tpu.dot_dimension_numbers<[1], [0], [0], [1], [0, 0, 1, 1], [], []>, transpose_lhs_hint = false} : vector<1000x128xf32>, vector<128x128xf32>, vector<1000x128xf32> -> vector<1000x128xf32>
    %get3A_6 = arith.constant 0 : index
    %get3A_7 = arith.constant 0 : index
    %get3A_8 = arith.constant 0 : index
    %get3A_9 = vector.load %arg3[%get3A_6, %get3A_7, %get3A_8] : memref<2x1000x1xf32, #tpu.memory_space<vmem>>, vector<1x1000x1xf32>
    %get3A_10 = vector.shape_cast %get3A_9 : vector<1x1000x1xf32> to vector<1000x1xf32>
    %get3A_11 = arith.constant 1 : index
    %get3A_12 = arith.constant 0 : index
    %get3A_13 = arith.constant 0 : index
    %get3A_14 = vector.load %arg3[%get3A_11, %get3A_12, %get3A_13] : memref<2x1000x1xf32, #tpu.memory_space<vmem>>, vector<1x1000x1xf32>
    %get3A_15 = vector.shape_cast %get3A_14 : vector<1x1000x1xf32> to vector<1000x1xf32>
    %add3A = arith.addf %get3A_10, %get3A_15 : vector<1000x1xf32>
    %add3A_16 = arith.constant 1.000000e+00 : f32
    %add3A_17 = vector.broadcast %add3A_16 : f32 to vector<1000x1xf32>
    %add3A_18 = arith.addf %add3A, %add3A_17 : vector<1000x1xf32>
    %max3A = arith.constant 9.99999996E-13 : f32
    %max3A_19 = vector.broadcast %max3A : f32 to vector<1000x1xf32>
    %max3A_20 = arith.maximumf %add3A_18, %max3A_19 : vector<1000x1xf32>
    %rsqrt3A = math.rsqrt %max3A_20 : vector<1000x1xf32>
    %mul3A = vector.broadcast %rsqrt3A : vector<1000x1xf32> to vector<1000x128xf32>
    %mul3A_21 = arith.mulf %dot_general3A_5, %mul3A : vector<1000x128xf32>
    %swap3A = arith.constant 0 : index
    %swap3A_22 = arith.constant 0 : index
    %swap3A_23 = vector.load %arg4[%swap3A, %swap3A_22] : memref<1000x128xf32, #tpu.memory_space<vmem>>, vector<1000x128xf32>
    tpu.vector_store %arg4[%swap3A, %swap3A_22], %mul3A_21 {strides = array<i32>} : memref<1000x128xf32, #tpu.memory_space<vmem>>, vector<1000x128xf32>,
    return
  }
  func.func @transform_0(%arg0: i32) -> (i32, i32) {
    %c0_i32 = arith.constant 0 : i32
    %c0_i32_0 = arith.constant 0 : i32
    return %arg0, %c0_i32 : i32, i32
  }
  func.func @transform_1(%arg0: i32) -> (i32, i32) {
    %c0_i32 = arith.constant 0 : i32
    %c0_i32_0 = arith.constant 0 : i32
    %c0_i32_1 = arith.constant 0 : i32
    return %c0_i32, %c0_i32_0 : i32, i32
  }
  func.func @transform_2(%arg0: i32) -> (i32, i32, i32) {
    %c0_i32 = arith.constant 0 : i32
    %c0_i32_0 = arith.constant 0 : i32
    %c0_i32_1 = arith.constant 0 : i32
    return %c0_i32, %arg0, %c0_i32_0 : i32, i32, i32
  }
  func.func @transform_3(%arg0: i32) -> (i32, i32) {
    %c0_i32 = arith.constant 0 : i32
    %c0_i32_0 = arith.constant 0 : i32
    return %arg0, %c0_i32 : i32, i32
  }
}

module attributes {stable_mosaic.version = 14 : i64} {
  func.func @_epi_body(%arg0: i32, %arg1: memref<2x1000x128xf32, #tpu.memory_space<vmem>>, %arg2: memref<1000x128xf32, #tpu.memory_space<vmem>>, %arg3: memref<2x1000x1xf32, #tpu.memory_space<vmem>>, %arg4: memref<1x128xf32, #tpu.memory_space<vmem>>, %arg5: memref<1000x128xf32, #tpu.memory_space<vmem>>) attributes {dimension_semantics = [#tpu.dimension_semantics<arbitrary>], iteration_bounds = array<i64: 10>, scalar_prefetch = 0 : i64, scratch_operands = 0 : i64, tpu.core_type = #tpu.core_type<tc>, window_params = [{transform_indices = @transform_0, window_bounds = array<i64: 2, 1000, 128>}, {transform_indices = @transform_1, window_bounds = array<i64: 1000, 128>}, {transform_indices = @transform_2, window_bounds = array<i64: 2, 1000, 1>}, {pipeline_mode = #tpu.pipeline_mode<synchronous>, transform_indices = @transform_3, window_bounds = array<i64: 1, 128>}, {transform_indices = @transform_4, window_bounds = array<i64: 1000, 128>}]} {
    %get3A = arith.constant 0 : index
    %get3A_0 = arith.constant 0 : index
    %get3A_1 = arith.constant 0 : index
    %get3A_2 = vector.load %arg3[%get3A, %get3A_0, %get3A_1] : memref<2x1000x1xf32, #tpu.memory_space<vmem>>, vector<1x1000x1xf32>
    %get3A_3 = vector.shape_cast %get3A_2 : vector<1x1000x1xf32> to vector<1000x1xf32>
    %get3A_4 = arith.constant 1 : index
    %get3A_5 = arith.constant 0 : index
    %get3A_6 = arith.constant 0 : index
    %get3A_7 = vector.load %arg3[%get3A_4, %get3A_5, %get3A_6] : memref<2x1000x1xf32, #tpu.memory_space<vmem>>, vector<1x1000x1xf32>
    %get3A_8 = vector.shape_cast %get3A_7 : vector<1x1000x1xf32> to vector<1000x1xf32>
    %add3A = arith.addf %get3A_3, %get3A_8 : vector<1000x1xf32>
    %add3A_9 = arith.constant 1.000000e+00 : f32
    %add3A_10 = vector.broadcast %add3A_9 : f32 to vector<1000x1xf32>
    %add3A_11 = arith.addf %add3A, %add3A_10 : vector<1000x1xf32>
    %max3A = arith.constant 9.99999996E-13 : f32
    %max3A_12 = vector.broadcast %max3A : f32 to vector<1000x1xf32>
    %max3A_13 = arith.maximumf %add3A_11, %max3A_12 : vector<1000x1xf32>
    %rsqrt3A = math.rsqrt %max3A_13 : vector<1000x1xf32>
    %get3A_14 = arith.constant 0 : index
    %get3A_15 = arith.constant 0 : index
    %get3A_16 = arith.constant 0 : index
    %get3A_17 = vector.load %arg1[%get3A_14, %get3A_15, %get3A_16] : memref<2x1000x128xf32, #tpu.memory_space<vmem>>, vector<1x1000x128xf32>
    %get3A_18 = vector.shape_cast %get3A_17 : vector<1x1000x128xf32> to vector<1000x128xf32>
    %get3A_19 = arith.constant 1 : index
    %get3A_20 = arith.constant 0 : index
    %get3A_21 = arith.constant 0 : index
    %get3A_22 = vector.load %arg1[%get3A_19, %get3A_20, %get3A_21] : memref<2x1000x128xf32, #tpu.memory_space<vmem>>, vector<1x1000x128xf32>
    %get3A_23 = vector.shape_cast %get3A_22 : vector<1x1000x128xf32> to vector<1000x128xf32>
    %add3A_24 = arith.addf %get3A_18, %get3A_23 : vector<1000x128xf32>
    %get3A_25 = arith.constant 0 : index
    %get3A_26 = arith.constant 0 : index
    %get3A_27 = vector.load %arg2[%get3A_25, %get3A_26] : memref<1000x128xf32, #tpu.memory_space<vmem>>, vector<1000x128xf32>
    %add3A_28 = arith.addf %add3A_24, %get3A_27 : vector<1000x128xf32>
    %mul3A = vector.broadcast %rsqrt3A : vector<1000x1xf32> to vector<1000x128xf32>
    %mul3A_29 = arith.mulf %add3A_28, %mul3A : vector<1000x128xf32>
    %get3A_30 = arith.constant 0 : index
    %get3A_31 = arith.constant 0 : index
    %get3A_32 = vector.load %arg4[%get3A_30, %get3A_31] : memref<1x128xf32, #tpu.memory_space<vmem>>, vector<1x128xf32>
    %add3A_33 = vector.broadcast %get3A_32 : vector<1x128xf32> to vector<1000x128xf32>
    %add3A_34 = arith.addf %mul3A_29, %add3A_33 : vector<1000x128xf32>
    %swap3A = arith.constant 0 : index
    %swap3A_35 = arith.constant 0 : index
    %swap3A_36 = vector.load %arg5[%swap3A, %swap3A_35] : memref<1000x128xf32, #tpu.memory_space<vmem>>, vector<1000x128xf32>
    tpu.vector_store %arg5[%swap3A, %swap3A_35], %add3A_34 {strides = array<i32>} : memref<1000x128xf32, #tpu.memory_space<vmem>>, vector<1000x128xf32>,
    return
  }
  func.func @transform_0(%arg0: i32) -> (i32, i32, i32) {
    %c0_i32 = arith.constant 0 : i32
    %c0_i32_0 = arith.constant 0 : i32
    %c0_i32_1 = arith.constant 0 : i32
    return %c0_i32, %arg0, %c0_i32_0 : i32, i32, i32
  }
  func.func @transform_1(%arg0: i32) -> (i32, i32) {
    %c0_i32 = arith.constant 0 : i32
    %c0_i32_0 = arith.constant 0 : i32
    return %arg0, %c0_i32 : i32, i32
  }
  func.func @transform_2(%arg0: i32) -> (i32, i32, i32) {
    %c0_i32 = arith.constant 0 : i32
    %c0_i32_0 = arith.constant 0 : i32
    %c0_i32_1 = arith.constant 0 : i32
    return %c0_i32, %arg0, %c0_i32_0 : i32, i32, i32
  }
  func.func @transform_3(%arg0: i32) -> (i32, i32) {
    %c0_i32 = arith.constant 0 : i32
    %c0_i32_0 = arith.constant 0 : i32
    %c0_i32_1 = arith.constant 0 : i32
    return %c0_i32, %c0_i32_0 : i32, i32
  }
  func.func @transform_4(%arg0: i32) -> (i32, i32) {
    %c0_i32 = arith.constant 0 : i32
    %c0_i32_0 = arith.constant 0 : i32
    return %arg0, %c0_i32 : i32, i32
  }
}

</mosaic_0001>

<sc_bundles>
// kernel: kernel.6.cloned.1.call-start
scs
__scs_entry_jumppad:
0x0: {  	(pc) =	sbr.rel $0x88, $3  }
0x1: {  	(tag) =	ssettag $0x0;
	lr =	simm.s32 $0x1  }
0x2: {  	[smem:$0x3F9D] =	sst lr;
	_ =	strace $0xD0000000  }
0x3: {  	_ = 	snop  }
0x4: {  	_ = 	snop  }
0x5: {  	_ = 	snop  }
0x6: {  	_ = 	snop  }
0x7: {  	_ = 	snop  }
__scs_overlays_trampoline_lowered:
0x8: {  	[smem:$0x3FAC] =	sst s0  }
0x9: {  	[smem:$0x3FAD] =	sst s1  }
0xa: {  	[smem:$0x3FAE] =	sst s2  }
0xb: {  	[smem:$0x3FAF] =	sst s3  }
0xc: {  	[smem:$0x3FB0] =	sst s4  }
0xd: {  	[smem:$0x3FB1] =	sst s5  }
0xe: {  	[smem:$0x3FB2] =	sst s6  }
0xf: {  	[smem:$0x3FB3] =	sst s7  }
0x10: {  	[smem:$0x3FB4] =	sst s8  }
0x11: {  	[smem:$0x3FB5] =	sst s9;
	s0 =	simm.s32 @!p0 $0x0  }
0x12: {  	s1 =	sld [smem:$0x3F9B];
	s0 =	simm.s32 @p0 $0x1  }
0x13: {  	[smem:$0x3FB6] =	sst s0;
	s0 =	simm.s32 @!p1 $0x0  }
0x14: {  	s2 =	sld [smem:$0x3F9A];
	s0 =	simm.s32 @p1 $0x1  }
0x15: {  	[smem:$0x3FB7] =	sst s0;
	s0 =	simm.s32 @!p2 $0x0  }
0x16: {  	s3 =	sld [smem:$0x3FDB];
	s0 =	simm.s32 @p2 $0x1  }
0x17: {  	s4 =	simm.s32 $0x1BF5;
	[smem:$0x3FB9] =	sst s0  }
0x18: {  	s0 =	sld [smem:$0x3F9C];
	_ =	swait.ge [sflag:s4], $0x0  }
0x19: {  	s7 =	sld [smem:$0x3F9D]  }
0x1a: {  	s8 =	sadd.s32 $0xFFFFE003, lr  }
0x1b: {  	s9 =	sadd.s32 $0xFFFFFEF7, lr;
	s5 =	simm.s32 $0xFFFFFFFF;
	p2 =	slt.u32 s8, $0xFFFFF086  }
0x1c: {  	p1 =	slt.u32 s9, $0xF7A;
	s5 =	simm.s32 @!p2 $0x0  }
0x1d: {  	s5 =	simm.s32 @p1 $0x1;
	p0 =	seq.s32 s7, s2  }
0x1e: {  	s7 =	smul.u32 @!p0 $0xF7A, s2;
	p2 =	seq.s32 @!p0 s5, $0x0  }
0x1f: {  	s9 =	smul.u32 $0xF7A, s1;
	s8 =	simm.s32 @!p0 $0x1BF5;
	p2 =	por !p2, p0  }
0x20: {  	[sflag:s8] =	ssyncset.s32 @!p0 $0xFFFFF086;
	s6 =	sadd.s32 @!p0 s3, s7;
	s7 =	simm.s32 @!p0 $0x108  }
0x21: {  	s3 =	sadd.s32 s3, s9;
	s6 =	sadd.s32 @!p0 $0x88, s6;
	s7 =	simm.s32 @p2 $0x1082  }
0x22: {  	[simem:s7], [sflag:s8] =	dma.local @!p0 [hbm:s6], $0xF7A  }
0x23: {  	s9 =	sor.u32 $0xD0000000, s2;
	s6 =	simm.s32 $0x108;
	_ =	swait.ge @!p0 [sflag:s8], $0x0  }
0x24: {  	s3 =	sadd.s32 $0x88, s3;
	s6 =	simm.s32 @!p1 $0x1082;
	[sflag:s4] =	ssyncset.s32 $0xFFFFF086  }
0x25: {  	[simem:s6], [sflag:s4] =	dma.local [hbm:s3], $0xF7A  }
0x26: {  	[smem:$0x3F9D] =	sst s1;
	(tag) =	ssettag s2;
	_ =	strace s9  }
0x27: {  	s1 =	sld [smem:$0x3FAD]  }
0x28: {  	s2 =	sld [smem:$0x3FAE]  }
0x29: {  	s4 =	sld [smem:$0x3FB0]  }
0x2a: {  	p0 =	seq.s32 s5, $0x0;
	s5 =	sld [smem:$0x3FB1]  }
0x2b: {  	s6 =	sld [smem:$0x3FB2]  }
0x2c: {  	s7 =	sld [smem:$0x3FB3]  }
0x2d: {  	s3 =	simm.s32 $0x108;
	s8 =	sld [smem:$0x3FB4]  }
0x2e: {  	s3 =	simm.s32 @!p0 $0x1082;
	s9 =	sld [smem:$0x3FB5]  }
0x2f: {  	lr =	sadd.s32 s0, s3;
	s0 =	sld [smem:$0x3FAC]  }
0x30: {  	s3 =	sld [smem:$0x3FAF]  }
0x31: {  	[smem:$0x3FB8] =	sst s10  }
0x32: {  	s10 =	sld [smem:$0x3FB6];
	_ =	sdelay $0x3  }
0x33: {  	p0 =	seq.s32 s10, $0x1;
	s10 =	sld [smem:$0x3FB8];
	_ =	sdelay $0x3  }
0x34: {  	[smem:$0x3FB8] =	sst s10  }
0x35: {  	s10 =	sld [smem:$0x3FB7];
	_ =	sdelay $0x3  }
0x36: {  	p1 =	seq.s32 s10, $0x1;
	s10 =	sld [smem:$0x3FB8];
	_ =	sdelay $0x3  }
0x37: {  	[smem:$0x3FB8] =	sst s10  }
0x38: {  	s10 =	sld [smem:$0x3FB9]  }
0x39: {  	_ = 	snop;
	(pc) =	sbr.ind lr, $3  }
0x3a: {  	_ = 	snop  }
0x3b: {  	_ = 	snop  }
0x3c: {  	p2 =	seq.s32 s10, $0x1;
	s10 =	sld [smem:$0x3FB8]  }
0x3d: {  	_ =	shalt  }
0x3e: {  	_ =	shalt  }
0x3f: {  	_ =	shalt  }
0x40: {  	_ =	shalt  }
0x41: {  	_ =	shalt  }
0x42: {  	_ =	shalt  }
0x43: {  	_ =	shalt  }
0x44: {  	_ =	shalt  }
0x45: {  	_ =	shalt  }
0x46: {  	_ =	shalt  }
0x47: {  	_ =	shalt  }
0x48: {  	_ =	shalt  }
0x49: {  	_ =	shalt  }
0x4a: {  	_ =	shalt  }
0x4b: {  	_ =	shalt  }
0x4c: {  	_ =	shalt  }
0x4d: {  	_ =	shalt  }
0x4e: {  	_ =	shalt  }
0x4f: {  	_ =	shalt  }
0x50: {  	_ =	shalt  }
0x51: {  	_ =	shalt  }
0x52: {  	_ =	shalt  }
0x53: {  	_ =	shalt  }
0x54: {  	_ =	shalt  }
0x55: {  	_ =	shalt  }
0x56: {  	_ =	shalt  }
0x57: {  	_ =	shalt  }
0x58: {  	_ =	shalt  }
0x59: {  	_ =	shalt  }
0x5a: {  	_ =	shalt  }
0x5b: {  	_ =	shalt  }
0x5c: {  	_ =	shalt  }
0x5d: {  	_ =	shalt  }
0x5e: {  	_ =	shalt  }
0x5f: {  	_ =	shalt  }
0x60: {  	_ =	shalt  }
0x61: {  	_ =	shalt  }
0x62: {  	_ =	shalt  }
0x63: {  	_ =	shalt  }
0x64: {  	_ =	shalt  }
0x65: {  	_ =	shalt  }
0x66: {  	_ =	shalt  }
0x67: {  	_ =	shalt  }
0x68: {  	_ =	shalt  }
0x69: {  	_ =	shalt  }
0x6a: {  	_ =	shalt  }
0x6b: {  	_ =	shalt  }
0x6c: {  	_ =	shalt  }
0x6d: {  	_ =	shalt  }
0x6e: {  	_ =	shalt  }
0x6f: {  	_ =	shalt  }
0x70: {  	_ =	shalt  }
0x71: {  	_ =	shalt  }
0x72: {  	_ =	shalt  }
0x73: {  	_ =	shalt  }
0x74: {  	_ =	shalt  }
0x75: {  	_ =	shalt  }
0x76: {  	_ =	shalt  }
0x77: {  	_ =	shalt  }
0x78: {  	_ =	shalt  }
0x79: {  	_ =	shalt  }
0x7a: {  	_ =	shalt  }
0x7b: {  	_ =	shalt  }
0x7c: {  	_ =	shalt  }
0x7d: {  	_ =	shalt  }
0x7e: {  	_ =	shalt  }
0x7f: {  	_ =	shalt  }
0x80: {  	_ =	shalt  }
0x81: {  	_ =	shalt  }
0x82: {  	_ =	shalt  }
0x83: {  	_ =	shalt  }
0x84: {  	_ =	shalt  }
0x85: {  	_ =	shalt  }
0x86: {  	_ =	shalt  }
0x87: {  	_ =	shalt  }
.Lfunc_end0:
.L_simem_size_0:
called_computation_lowered:
.L_overlay_start_0:
0x88: {  	s2 =	sld [smem:$0x3FD9]  }
0x89: {  	s3 =	sld [smem:$0x3FFE];
	_ =	sdelay $0x1  }
0x8a: {  	s1 =	srdreg.scid  }
0x8b: {  	s0 =	sand.u32 $0x1, s1  }
0x8c: {  	s17 =	sshll.u32 s0, $0xA;
	s2 =	sadd.s32 s3, s2  }
0x8d: {  	s2 =	sadd.s32 s2, s17  }
0x8e: {  	[smem:$0x3FC4] =	sst s2  }
0x8f: {  	_ = 	snop  }
0x90: {  	s2 =	sld [smem:$0x3FD0];
	(tm) =	ssettm $0x1  }
0x91: {  	s18 =	sld [smem:$0x3FFB];
	_ =	sdelay $0x3  }
0x92: {  	_ =	strace s18  }
0x93: {  	s3 =	sld [smem:$0x3FFC];
	_ =	sdelay $0x3  }
0x94: {  	_ =	strace s3  }
0x95: {  	s3 =	sld [smem:$0x3FFD];
	_ =	sdelay $0x3  }
0x96: {  	_ =	strace s3  }
0x97: {  	_ =	strace $0x8FFFFFFF  }
0x98: {  	s19 =	sld [smem:$0x3FDB];
	_ =	sdelay $0x1  }
0x99: {  	s4 =	simm.s32 $_scs_section_size  }
0x9a: {  	s5 =	simm.s32 $_size__tile_overlayer_lowered;
	s6 =	simm.s32 $_tile_overlayer_lowered  }
0x9b: {  	s22 =	simm.s32 $0x1BFF;
	s21 =	sshll.u32 s6, $0x1;
	s3 =	sadd.s32 s4, s19  }
0x9c: {  	s7 =	simm.s32 $0x0;
	s20 =	sshll.u32 s5, $0x1;
	s5 =	sadd.s32 s21, s3  }
0x9d: {  	[timem:s7], [sflag:s22] =	dma.local [hbm:s5], s20  }
0x9e: {  	_ =	swait.ge [sflag:s22], s20  }
0x9f: {  	s4 =	ssub.s32 $0x0, s20;
	[sflag:s22] =	ssyncset.done $0x0  }
0xa0: {  	[sflag:s22] =	ssyncadd.s32 s4;
	_ =	sdelay $0x1  }
0xa1: {  	s23 =	simm.s32 $0x1B8B  }
0xa2: {  	_ =	swait.ge [sflag:s23], $0x1  }
0xa3: {  	[sflag:s23] =	ssyncset.done $0x0  }
0xa4: {  	s25 =	simm.s32 $0x1B8E;
	s24 =	sld [smem:$0x3FFE];
	[sflag:s23] =	ssyncadd.s32 $0xFFFFFFFF  }
0xa5: {  	s26 =	simm.s32 $execute0_lowered;
	[smem:$0x3FD2] =	sst s25  }
0xa6: {  	s5 =	sshll.u32 s26, $0x1;
	_ =	strace $0x80000046;
	[dreg:$0x1] =	wrdreg $0xFFFFFFFF  }
0xa7: {  	s28 =	simm.s32 $_size_execute0_lowered;
	s3 =	sadd.s32 s3, s5;
	[dreg:$0x0] =	wrdreg $0x0  }
0xa8: {  	s5 =	sshll.u32 s28, $0x1;
	[dreg:$0x2] =	wrdreg s3  }
0xa9: {  	[dreg:$0x3] =	wrdreg s5  }
0xaa: {  	[dreg:$0x4] =	wrdreg $0xC0  }
0xab: {  	_ =	task [dreg:s7], $0x5FFFF  }
0xac: {  	[dreg:$0x1] =	wrdreg $0xFFFFFFFF  }
0xad: {  	[dreg:$0x0] =	wrdreg $0x60  }
0xae: {  	[dreg:$0x2] =	wrdreg s24  }
0xaf: {  	[dreg:$0x3] =	wrdreg s2  }
0xb0: {  	[dreg:$0x4] =	wrdreg $0x0  }
0xb1: {  	[dreg:$0x5] =	wrdreg $0x9  }
0xb2: {  	_ =	task.clear_ibuf [dreg:s7], $0x6FFFF;
	_ =	strace $0x90000046  }
0xb3: {  	s29 =	simm.s32 $0x9;
	_ =	strace $0x80000048  }
0xb4: {  	_ =	swait.ge [sflag:s29], $0x1  }
0xb5: {  	[sflag:s29] =	ssyncadd.s32 $0xFFFFFFFF  }
0xb6: {  	_ =	strace $0x90000048  }
0xb7: {  	_ =	sfence  }
0xb8: {  	s30 =	sld [smem:$0x0];
	_ =	sdelay $0x2  }
0xb9: {  	s31 =	sshll.u32 s1, $0xD;
	s1 =	sshrl.u32 s1, $0x2  }
0xba: {  	s3 =	sand.u32 $0x4000, s31;
	s1 =	sadd.s32 s1, s30  }
0xbb: {  	s0 =	sor.u32 s3, s0;
	s1 =	sshll.u32 s1, $0x11  }
0xbc: {  	s0 =	sor.u32 s1, s0  }
0xbd: {  	s0 =	sadd.s32 $0x8F2B, s0  }
0xbe: {  	[sflag:s0] =	ssyncadd.remote.s32 $0x1  }
0xbf: {  	_ =	sfence.sel $0xFFFF  }
0xc0: {  	[dreg:$0x0] =	wrdreg $0xFFFFFFFF;
	(pc) =	sbr.abs _section_cstart, $3  }
0xc1: {  	[dreg:$0x1] =	wrdreg $0xFFFFFFFF  }
0xc2: {  	_ =	task.clear_ibuf [dreg:s7], $0x2FFFF;
	_ =	strace $0x9FFFFFFF  }
0xc3: {  	(tm) =	ssettm $0x7FFFFFFF  }
tec
execute0_lowered:
.L_overlay_start_1:
0x0: {  	(tag) =	ssettag $0x1  }
0x1: {  	s0 =	rddreg [dreg:$0x0]  }
0x2: {  	s1 =	srdreg.scid;
	s4 =	rddreg [dreg:$0x1]  }
0x3: {  	s3 =	rddreg [dreg:$0x2];
	s10 =	stileid.u32  }
0x4: {  	s1 =	sand.u32 $0x1, s1;
	s6 =	sshrl.u32 s10, $0x3;
	s9 =	smul.u32 $0x5000, s10  }
0x5: {  	s24 =	sshll.u32 s10, $0x7;
	s14 =	smul.u32 $0x500, s10;
	s2 =	sshll.u32 s1, $0x4  }
0x6: {  	s7 =	ssub.s32 $0x2, s1;
	s6 =	smul.u32 $0x50000, s6;
	s1 =	sshll.u32 s1, $0x7  }
0x7: {  	s5 =	sor.u32 s10, s2;
	s2 =	simm.s32 $0x0;
	s8 =	sshrl.u32 s7, $0x1  }
0x8: {  	s25 =	sshrl.u32 s9, $0x2;
	s1 =	sor.u32 s1, s14;
	[smem:$0x7FF] =	sst s2  }
0x9: {  	s23 =	ssub.s32 s7, s8;
	s6 =	sshrl.u32 s6, $0x2;
	s1 =	sshrl.u32 s1, $0x3  }
0xa: {  	s7 =	sand.u32 $0x380, s24;
	_ =	strace $0x80000047;
	s1 =	sadd.s32 s4, s1  }
0xb: {  	s6 =	sadd.s32 s6, s3;
	s23 =	smax.u32 s23, $0x1;
	[dreg:$0x14] =	wrdreg s1  }
0xc: {  	s3 =	sadd.s32 s25, s3;
	s6 =	sadd.s32 s7, s6;
	[dreg:$0x15] =	wrdreg s23  }
0xd: {  	s7 =	sadd.s32 $0x80, s3;
	[dreg:$0x5] =	wrdreg s6  }
0xe: {  	s8 =	sadd.s32 $0x100, s3;
	[dreg:$0x6] =	wrdreg s7  }
0xf: {  	s9 =	sadd.s32 $0x180, s3;
	[dreg:$0x7] =	wrdreg s8  }
0x10: {  	s11 =	sadd.s32 $0x200, s3;
	[dreg:$0x8] =	wrdreg s9  }
0x11: {  	s12 =	sadd.s32 $0x280, s3;
	[dreg:$0x9] =	wrdreg s11  }
0x12: {  	s13 =	sadd.s32 $0x300, s3;
	[dreg:$0xa] =	wrdreg s12  }
0x13: {  	s15 =	sadd.s32 $0x380, s3;
	[dreg:$0xb] =	wrdreg s13  }
0x14: {  	s16 =	sadd.s32 $0x14000, s3;
	[dreg:$0xc] =	wrdreg s15  }
0x15: {  	s17 =	sadd.s32 $0x14080, s3;
	[dreg:$0xd] =	wrdreg s16  }
0x16: {  	s18 =	sadd.s32 $0x14100, s3;
	[dreg:$0xe] =	wrdreg s17  }
0x17: {  	s19 =	sadd.s32 $0x14180, s3;
	[dreg:$0xf] =	wrdreg s18  }
0x18: {  	s20 =	sadd.s32 $0x14200, s3;
	[dreg:$0x10] =	wrdreg s19  }
0x19: {  	s21 =	sadd.s32 $0x14280, s3;
	[dreg:$0x11] =	wrdreg s20  }
0x1a: {  	s22 =	sadd.s32 $0x14300, s3;
	[dreg:$0x12] =	wrdreg s21  }
0x1b: {  	s4 =	sadd.s32 $0x14380, s3;
	[dreg:$0x13] =	wrdreg s22  }
0x1c: {  	s10 =	sadd.s32 $0x880, s3;
	[dreg:$0x1a] =	wrdreg s4  }
0x1d: {  	s5 =	smul.u32 $0x2710, s5;
	s14 =	sadd.s32 $0x900, s3;
	[smem:$0x7D5] =	sst s10  }
0x1e: {  	s23 =	sadd.s32 $0xE00, s3;
	[smem:$0x7D9] =	sst s14  }
0x1f: {  	s5 =	sshrl.u32 s5, $0x3;
	s1 =	sadd.s32 $0xE80, s3;
	[smem:$0x7E2] =	sst s23  }
0x20: {  	s0 =	sadd.s32 s5, s0;
	s5 =	sadd.s32 $0x400, s3;
	[smem:$0x7E6] =	sst s1  }
0x21: {  	s6 =	sadd.s32 $0x800, s3;
	[dreg:$0x1b] =	wrdreg s5  }
0x22: {  	s7 =	sadd.s32 $0xC00, s3;
	[dreg:$0x1c] =	wrdreg s6  }
0x23: {  	s8 =	sadd.s32 $0x1000, s3;
	[dreg:$0x1d] =	wrdreg s7  }
0x24: {  	s9 =	sadd.s32 $0x480, s3;
	[dreg:$0x1e] =	wrdreg s8  }
0x25: {  	s11 =	sadd.s32 $0xC80, s3;
	[dreg:$0x1f] =	wrdreg s9  }
0x26: {  	s12 =	sadd.s32 $0x1080, s3;
	[smem:$0x7D6] =	sst s11  }
0x27: {  	s13 =	sadd.s32 $0x500, s3;
	[smem:$0x7D7] =	sst s12  }
0x28: {  	s15 =	sadd.s32 $0xD00, s3;
	[smem:$0x7D8] =	sst s13  }
0x29: {  	s16 =	sadd.s32 $0x1100, s3;
	[smem:$0x7DA] =	sst s15  }
0x2a: {  	s17 =	sadd.s32 $0x580, s3;
	[smem:$0x7DB] =	sst s16  }
0x2b: {  	s18 =	sadd.s32 $0x980, s3;
	[smem:$0x7DC] =	sst s17  }
0x2c: {  	s19 =	sadd.s32 $0xD80, s3;
	[smem:$0x7DD] =	sst s18  }
0x2d: {  	s20 =	sadd.s32 $0x1180, s3;
	[smem:$0x7DE] =	sst s19  }
0x2e: {  	s21 =	sadd.s32 $0x600, s3;
	[smem:$0x7DF] =	sst s20  }
0x2f: {  	s22 =	sadd.s32 $0xA00, s3;
	[smem:$0x7E0] =	sst s21  }
0x30: {  	s4 =	sadd.s32 $0x1280, s3;
	[smem:$0x7E1] =	sst s22  }
0x31: {  	s10 =	sadd.s32 $0xB80, s3;
	[smem:$0x7E7] =	sst s4  }
0x32: {  	s14 =	sadd.s32 $0x14800, s3;
	[smem:$0x7ED] =	sst s10  }
0x33: {  	s23 =	sadd.s32 $0x14D00, s3;
	[smem:$0x7F1] =	sst s14  }
0x34: {  	s26 =	sadd.s32 $0xB800, s0;
	[smem:$0x7FA] =	sst s23  }
0x35: {  	s24 =	sadd.s32 $0xB8FA, s0;
	[dreg:$0x4] =	wrdreg s26  }
0x36: {  	s25 =	sadd.s32 $0xB9F4, s0;
	[dreg:$0x16] =	wrdreg s24  }
0x37: {  	s5 =	sadd.s32 $0x700, s3;
	[dreg:$0x17] =	wrdreg s25  }
0x38: {  	s6 =	sadd.s32 $0xB00, s3;
	[smem:$0x7E8] =	sst s5  }
0x39: {  	s7 =	sadd.s32 $0xF00, s3;
	[smem:$0x7E9] =	sst s6  }
0x3a: {  	s8 =	sadd.s32 $0x1300, s3;
	[smem:$0x7EA] =	sst s7  }
0x3b: {  	s9 =	sadd.s32 $0x780, s3;
	[smem:$0x7EB] =	sst s8  }
0x3c: {  	s28 =	sadd.s32 $0x14F00, s3;
	s11 =	sadd.s32 $0xF80, s3;
	[smem:$0x7EC] =	sst s9  }
0x3d: {  	s29 =	sadd.s32 $0x15300, s3;
	s12 =	sadd.s32 $0x1380, s3;
	[smem:$0x7EE] =	sst s11  }
0x3e: {  	s30 =	sadd.s32 $0x14780, s3;
	s13 =	sadd.s32 $0x14400, s3;
	[smem:$0x7EF] =	sst s12  }
0x3f: {  	s31 =	sadd.s32 $0x14B80, s3;
	s15 =	sadd.s32 $0x14C00, s3;
	[smem:$0x7F0] =	sst s13  }
0x40: {  	s1 =	sadd.s32 $0x15380, s3;
	s16 =	sadd.s32 $0x15000, s3;
	[smem:$0x7F2] =	sst s15  }
0x41: {  	s17 =	sadd.s32 $0x14480, s3;
	s18 =	sadd.s32 $0x14880, s3;
	[smem:$0x7F3] =	sst s16  }
0x42: {  	s19 =	sadd.s32 $0x14C80, s3;
	s20 =	sadd.s32 $0x15080, s3;
	[smem:$0x7F4] =	sst s17  }
0x43: {  	s21 =	sadd.s32 $0x14500, s3;
	s22 =	sadd.s32 $0x14900, s3;
	[smem:$0x7F5] =	sst s18  }
0x44: {  	s23 =	sadd.s32 $0x14E80, s3;
	s4 =	simm.s32 $0x5000;
	[smem:$0x7F6] =	sst s19  }
0x45: {  	s26 =	sadd.s32 $0xBAEE, s0;
	s0 =	sadd.s32 $0xBBE8, s0;
	[smem:$0x7F7] =	sst s20  }
0x46: {  	s24 =	sadd.s32 $0x1200, s3;
	s25 =	sadd.s32 $0x680, s3;
	[smem:$0x7F8] =	sst s21  }
0x47: {  	[smem:$0x7F9] =	sst s22;
	s15 =	sadd.s32 $0x14D80, s3;
	s16 =	sadd.s32 $0x15180, s3  }
0x48: {  	s17 =	sadd.s32 $0x14600, s3;
	s18 =	sadd.s32 $0x14A00, s3;
	s19 =	sadd.s32 $0x14E00, s3  }
0x49: {  	s20 =	sadd.s32 $0x15200, s3;
	s21 =	sadd.s32 $0x14680, s3;
	[dreg:$0x18] =	wrdreg s26  }
0x4a: {  	s22 =	sadd.s32 $0x14A80, s3;
	s5 =	simm.s32 $0x2;
	[dreg:$0x19] =	wrdreg s0  }
0x4b: {  	s6 =	simm.s32 $0x5800;
	s7 =	simm.s32 $0x2800;
	[smem:$0x7E3] =	sst s24  }
0x4c: {  	s8 =	simm.s32 $0x1;
	[smem:$0x7E4] =	sst s25;
	s26 =	sadd.s32 $0xA80, s3  }
0x4d: {  	s9 =	simm.s32 $0x80;
	s24 =	sadd.s32 $0x15100, s3;
	[smem:$0x7E5] =	sst s26  }
0x4e: {  	s25 =	sadd.s32 $0x14580, s3;
	s0 =	sadd.s32 $0x14F80, s3;
	[smem:$0x7FB] =	sst s24  }
0x4f: {  	[smem:$0x7FC] =	sst s25;
	s26 =	sadd.s32 $0x14980, s3;
	s24 =	sadd.s32 $0x15280, s3  }
0x50: {  	v0 =	vimm.f32 $0.0e+00;
	v1 =	vimm.f32 $1.000000000e+00;
	s25 =	sadd.s32 $0x14700, s3;
	[smem:$0x7FD] =	sst s26;
	s26 =	sadd.s32 $0x14B00, s3  }
.LBB2_1:
0x51: {  	s10 =	simm.s32 $0x40;
	s11 =	simm.s32 $0x0  }
.LBB2_2:
0x52: {  	p0 =	sne.s32 s10, $0x9FC0;
	[tilespmem:s11+$0x2800] =	vst v0;
	s11 =	smov.u32 s10;
	s10 =	sadd.s32 $0x40, s10  }
.Ltmp0:
0x53: {  	(pc) =	sbr.rel @p0 .LBB2_2-.Ltmp0, $2  }
0x54: {  	_ =	sdelay $0x2  }
0x55: {  	s11 =	sshra.s32 s11, $0x2  }
0x56: {  	[tilespmem:s11+$0x2800] =	vst v0;
	s10 =	simm.s32 $0x0;
	s13 =	rddreg [dreg:$0x4]  }
0x57: {  	[tilespmem:s4], [sflag:$0x2] =	stream.linear.gather [hbm4b:s13+s10], $0x7D0, $0x38;
	[tilespmem:$0x8A80] =	vst v63  }
0x58: {  	_ =	swait.ge [sflag:s5], $0x7D0  }
0x59: {  	[sflag:s5] =	ssyncset.done $0x0  }
0x5a: {  	s14 =	rddreg [dreg:$0x16];
	[sflag:s5] =	ssyncadd.s32 $0xFFFFF830  }
0x5b: {  	[tilespmem:s6], [sflag:$0x1] =	stream.linear.gather [hbm4b:s14+s10], $0x7D0, $0x38;
	[tilespmem:$0x8A80] =	vst v63  }
0x5c: {  	s11 =	simm.s32 $0x0;
	s10 =	simm.s32 $0x40  }
.LBB2_4:
0x5d: {  	p0 =	sne.s32 s10, $0x1F00;
	v2 =	vld [tilespmem:s11+$0x5000];
	_ =	sdelay $0x3  }
.Ltmp1:
0x5e: {  	(pc) =	sbr.rel @p0 .LBB2_4-.Ltmp1, $2  }
0x5f: {  	_ =	sdelay $0x2  }
0x60: {  	s11 =	sshra.s32 s10, $0x2;
	s10 =	sadd.s32 $0x40, s10;
	[tilespmem:v2+s7+$0x0] =	vst.idx.add.f32.msk $0xffff, v1  }
0x61: {  	v2 =	vld [tilespmem:s11+$0x5000];
	_ =	sdelay $0x7  }
0x62: {  	[tilespmem:v2+s7+$0x0] =	vst.idx.add.f32.msk $0xffff, v1  }
0x63: {  	_ =	swait.ge [sflag:s8], $0x7D0  }
0x64: {  	[sflag:s8] =	ssyncset.done $0x0  }
0x65: {  	s10 =	simm.s32 $0x0;
	s14 =	rddreg [dreg:$0x17];
	[sflag:s8] =	ssyncadd.s32 $0xFFFFF830  }
0x66: {  	[tilespmem:s4], [sflag:$0x1] =	stream.linear.gather [hbm4b:s14+s10], $0x7D0, $0x38;
	[tilespmem:$0x8A80] =	vst v63  }
0x67: {  	s11 =	simm.s32 $0x0;
	s10 =	simm.s32 $0x40  }
.LBB2_6:
0x68: {  	p0 =	sne.s32 s10, $0x1F00;
	v2 =	vld [tilespmem:s11+$0x5800];
	_ =	sdelay $0x3  }
.Ltmp2:
0x69: {  	(pc) =	sbr.rel @p0 .LBB2_6-.Ltmp2, $2  }
0x6a: {  	_ =	sdelay $0x2  }
0x6b: {  	s11 =	sshra.s32 s10, $0x2;
	s10 =	sadd.s32 $0x40, s10;
	[tilespmem:v2+s7+$0x0] =	vst.idx.add.f32.msk $0xffff, v1  }
0x6c: {  	v2 =	vld [tilespmem:s11+$0x5800];
	_ =	sdelay $0x7  }
0x6d: {  	[tilespmem:v2+s7+$0x0] =	vst.idx.add.f32.msk $0xffff, v1  }
0x6e: {  	_ =	swait.ge [sflag:s8], $0x7D0  }
0x6f: {  	[sflag:s8] =	ssyncset.done $0x0  }
0x70: {  	s10 =	simm.s32 $0x0;
	s14 =	rddreg [dreg:$0x18];
	[sflag:s8] =	ssyncadd.s32 $0xFFFFF830  }
0x71: {  	[tilespmem:s6], [sflag:$0x1] =	stream.linear.gather [hbm4b:s14+s10], $0x7D0, $0x38;
	[tilespmem:$0x8A80] =	vst v63  }
0x72: {  	s11 =	simm.s32 $0x0;
	s10 =	simm.s32 $0x40  }
.LBB2_8:
0x73: {  	p0 =	sne.s32 s10, $0x1F00;
	v2 =	vld [tilespmem:s11+$0x5000];
	_ =	sdelay $0x3  }
.Ltmp3:
0x74: {  	(pc) =	sbr.rel @p0 .LBB2_8-.Ltmp3, $2  }
0x75: {  	_ =	sdelay $0x2  }
0x76: {  	s11 =	sshra.s32 s10, $0x2;
	s10 =	sadd.s32 $0x40, s10;
	[tilespmem:v2+s7+$0x0] =	vst.idx.add.f32.msk $0xffff, v1  }
0x77: {  	v2 =	vld [tilespmem:s11+$0x5000];
	_ =	sdelay $0x7  }
0x78: {  	[tilespmem:v2+s7+$0x0] =	vst.idx.add.f32.msk $0xffff, v1  }
0x79: {  	_ =	swait.ge [sflag:s8], $0x7D0  }
0x7a: {  	[sflag:s8] =	ssyncset.done $0x0  }
0x7b: {  	s10 =	simm.s32 $0x0;
	s14 =	rddreg [dreg:$0x19];
	[sflag:s8] =	ssyncadd.s32 $0xFFFFF830  }
0x7c: {  	[tilespmem:s4], [sflag:$0x1] =	stream.linear.gather [hbm4b:s14+s10], $0x7D0, $0x38;
	[tilespmem:$0x8A80] =	vst v63  }
0x7d: {  	s11 =	simm.s32 $0x0;
	s10 =	simm.s32 $0x40  }
.LBB2_10:
0x7e: {  	p0 =	sne.s32 s10, $0x1F00;
	v2 =	vld [tilespmem:s11+$0x5800];
	_ =	sdelay $0x3  }
.Ltmp4:
0x7f: {  	(pc) =	sbr.rel @p0 .LBB2_10-.Ltmp4, $2  }
0x80: {  	_ =	sdelay $0x2  }
0x81: {  	s11 =	sshra.s32 s10, $0x2;
	s10 =	sadd.s32 $0x40, s10;
	[tilespmem:v2+s7+$0x0] =	vst.idx.add.f32.msk $0xffff, v1  }
0x82: {  	v2 =	vld [tilespmem:s11+$0x5800];
	_ =	sdelay $0x7  }
0x83: {  	[tilespmem:v2+s7+$0x0] =	vst.idx.add.f32.msk $0xffff, v1  }
0x84: {  	_ =	swait.ge [sflag:s8], $0x7D0  }
0x85: {  	[sflag:s8] =	ssyncset.done $0x0  }
0x86: {  	s11 =	simm.s32 $0x0;
	s10 =	simm.s32 $0x40;
	[sflag:s8] =	ssyncadd.s32 $0xFFFFF830  }
.LBB2_12:
0x87: {  	p0 =	sne.s32 s10, $0x1F00;
	v2 =	vld [tilespmem:s11+$0x5000];
	_ =	sdelay $0x3  }
.Ltmp5:
0x88: {  	(pc) =	sbr.rel @p0 .LBB2_12-.Ltmp5, $2  }
0x89: {  	_ =	sdelay $0x2  }
0x8a: {  	s11 =	sshra.s32 s10, $0x2;
	s10 =	sadd.s32 $0x40, s10;
	[tilespmem:v2+s7+$0x0] =	vst.idx.add.f32.msk $0xffff, v1  }
0x8b: {  	v2 =	vld [tilespmem:s11+$0x5000];
	_ =	sdelay $0x7  }
0x8c: {  	s10 =	rddreg [dreg:$0x5];
	s13 =	simm.s32 $0x400;
	[tilespmem:v2+s7+$0x0] =	vst.idx.add.f32.msk $0xffff, v1  }
0x8d: {  	[spmem:s10] =	stream.strided.scatter [tilespmem:s7], [sflag:$0x2], $0x2800, s13, s9, $0x38;
	[tilespmem:$0x8A80] =	vst v63  }
0x8e: {  	_ =	swait.ge [sflag:s5], $0x2800  }
0x8f: {  	[sflag:s5] =	ssyncset.done $0x0  }
0x90: {  	[sflag:s5] =	ssyncadd.s32 $0xFFFFD800  }
0x91: {  	s14 =	simm.s32 $0x6000;
	[bflag:$0x0] =	sbarrier.arrive $0xFFFF  }
0x92: {  	[tilespmem:s14], [sflag:$0x2] =	stream.linear.gather [spmem:s3], $0x80, $0x38;
	[tilespmem:$0x8A80] =	vst v63  }
0x93: {  	s12 =	simm.s32 $0x6400;
	s11 =	rddreg [dreg:$0x1b]  }
0x94: {  	[tilespmem:s12], [sflag:$0x2] =	stream.linear.gather [spmem:s11], $0x80, $0x38;
	[tilespmem:$0x8A80] =	vst v63  }
0x95: {  	s13 =	rddreg [dreg:$0x1c];
	s14 =	simm.s32 $0x6800  }
0x96: {  	[tilespmem:s14], [sflag:$0x2] =	stream.linear.gather [spmem:s13], $0x80, $0x38;
	[tilespmem:$0x8A80] =	vst v63  }
0x97: {  	s11 =	rddreg [dreg:$0x1d];
	s12 =	simm.s32 $0x6C00  }
0x98: {  	[tilespmem:s12], [sflag:$0x2] =	stream.linear.gather [spmem:s11], $0x80, $0x38;
	[tilespmem:$0x8A80] =	vst v63  }
0x99: {  	s13 =	rddreg [dreg:$0x1e];
	s14 =	simm.s32 $0x7000  }
0x9a: {  	[tilespmem:s14], [sflag:$0x2] =	stream.linear.gather [spmem:s13], $0x80, $0x38;
	[tilespmem:$0x8A80] =	vst v63  }
0x9b: {  	_ =	swait.ge [sflag:s5], $0x280  }
0x9c: {  	[sflag:s5] =	ssyncset.done $0x0;
	s11 =	rddreg [dreg:$0x6]  }
0x9d: {  	s12 =	simm.s32 $0x6080;
	s13 =	rddreg [dreg:$0x1f];
	[sflag:s5] =	ssyncadd.s32 $0xFFFFFD80  }
0x9e: {  	[tilespmem:s12], [sflag:$0x2] =	stream.linear.gather [spmem:s11], $0x80, $0x38;
	[tilespmem:$0x8A80] =	vst v63  }
0x9f: {  	s14 =	simm.s32 $0x6480;
	s11 =	sld [smem:$0x7D5]  }
0xa0: {  	[tilespmem:s14], [sflag:$0x2] =	stream.linear.gather [spmem:s13], $0x80, $0x38;
	[tilespmem:$0x8A80] =	vst v63  }
0xa1: {  	s12 =	simm.s32 $0x6880;
	s13 =	sld [smem:$0x7D6]  }
0xa2: {  	[tilespmem:s12], [sflag:$0x2] =	stream.linear.gather [spmem:s11], $0x80, $0x38;
	[tilespmem:$0x8A80] =	vst v63  }
0xa3: {  	s14 =	simm.s32 $0x6C80;
	s11 =	sld [smem:$0x7D7]  }
0xa4: {  	[tilespmem:s14], [sflag:$0x2] =	stream.linear.gather [spmem:s13], $0x80, $0x38;
	[tilespmem:$0x8A80] =	vst v63  }
0xa5: {  	s12 =	simm.s32 $0x7080  }
0xa6: {  	[tilespmem:s12], [sflag:$0x2] =	stream.linear.gather [spmem:s11], $0x80, $0x38;
	[tilespmem:$0x8A80] =	vst v63  }
0xa7: {  	_ =	swait.ge [sflag:s5], $0x280  }
0xa8: {  	[sflag:s5] =	ssyncset.done $0x0;
	s13 =	rddreg [dreg:$0x7]  }
0xa9: {  	s14 =	simm.s32 $0x6100;
	s11 =	sld [smem:$0x7D8];
	[sflag:s5] =	ssyncadd.s32 $0xFFFFFD80  }
0xaa: {  	[tilespmem:s14], [sflag:$0x2] =	stream.linear.gather [spmem:s13], $0x80, $0x38;
	[tilespmem:$0x8A80] =	vst v63  }
0xab: {  	s12 =	simm.s32 $0x6500;
	s13 =	sld [smem:$0x7D9]  }
0xac: {  	[tilespmem:s12], [sflag:$0x2] =	stream.linear.gather [spmem:s11], $0x80, $0x38;
	[tilespmem:$0x8A80] =	vst v63  }
0xad: {  	s14 =	simm.s32 $0x6900;
	s11 =	sld [smem:$0x7DA]  }
0xae: {  	[tilespmem:s14], [sflag:$0x2] =	stream.linear.gather [spmem:s13], $0x80, $0x38;
	[tilespmem:$0x8A80] =	vst v63  }
0xaf: {  	s12 =	simm.s32 $0x6D00;
	s13 =	sld [smem:$0x7DB]  }
0xb0: {  	[tilespmem:s12], [sflag:$0x2] =	stream.linear.gather [spmem:s11], $0x80, $0x38;
	[tilespmem:$0x8A80] =	vst v63  }
0xb1: {  	s14 =	simm.s32 $0x7100  }
0xb2: {  	[tilespmem:s14], [sflag:$0x2] =	stream.linear.gather [spmem:s13], $0x80, $0x38;
	[tilespmem:$0x8A80] =	vst v63  }
0xb3: {  	_ =	swait.ge [sflag:s5], $0x280  }
0xb4: {  	[sflag:s5] =	ssyncset.done $0x0;
	s11 =	rddreg [dreg:$0x8]  }
0xb5: {  	s12 =	simm.s32 $0x6180;
	s13 =	sld [smem:$0x7DC];
	[sflag:s5] =	ssyncadd.s32 $0xFFFFFD80  }
0xb6: {  	[tilespmem:s12], [sflag:$0x2] =	stream.linear.gather [spmem:s11], $0x80, $0x38;
	[tilespmem:$0x8A80] =	vst v63  }
0xb7: {  	s14 =	simm.s32 $0x6580;
	s11 =	sld [smem:$0x7DD]  }
0xb8: {  	[tilespmem:s14], [sflag:$0x2] =	stream.linear.gather [spmem:s13], $0x80, $0x38;
	[tilespmem:$0x8A80] =	vst v63  }
0xb9: {  	s12 =	simm.s32 $0x6980;
	s13 =	sld [smem:$0x7DE]  }
0xba: {  	[tilespmem:s12], [sflag:$0x2] =	stream.linear.gather [spmem:s11], $0x80, $0x38;
	[tilespmem:$0x8A80] =	vst v63  }
0xbb: {  	s14 =	simm.s32 $0x6D80;
	s11 =	sld [smem:$0x7DF]  }
0xbc: {  	[tilespmem:s14], [sflag:$0x2] =	stream.linear.gather [spmem:s13], $0x80, $0x38;
	[tilespmem:$0x8A80] =	vst v63  }
0xbd: {  	s12 =	simm.s32 $0x7180  }
0xbe: {  	[tilespmem:s12], [sflag:$0x2] =	stream.linear.gather [spmem:s11], $0x80, $0x38;
	[tilespmem:$0x8A80] =	vst v63  }
0xbf: {  	_ =	swait.ge [sflag:s5], $0x280  }
0xc0: {  	[sflag:s5] =	ssyncset.done $0x0;
	s13 =	rddreg [dreg:$0x9]  }
0xc1: {  	s14 =	simm.s32 $0x6200;
	s11 =	sld [smem:$0x7E0];
	[sflag:s5] =	ssyncadd.s32 $0xFFFFFD80  }
0xc2: {  	[tilespmem:s14], [sflag:$0x2] =	stream.linear.gather [spmem:s13], $0x80, $0x38;
	[tilespmem:$0x8A80] =	vst v63  }
0xc3: {  	s12 =	simm.s32 $0x6600;
	s13 =	sld [smem:$0x7E1]  }
0xc4: {  	[tilespmem:s12], [sflag:$0x2] =	stream.linear.gather [spmem:s11], $0x80, $0x38;
	[tilespmem:$0x8A80] =	vst v63  }
0xc5: {  	s14 =	simm.s32 $0x6A00;
	s11 =	sld [smem:$0x7E2]  }
0xc6: {  	[tilespmem:s14], [sflag:$0x2] =	stream.linear.gather [spmem:s13], $0x80, $0x38;
	[tilespmem:$0x8A80] =	vst v63  }
0xc7: {  	s12 =	simm.s32 $0x6E00;
	s13 =	sld [smem:$0x7E3]  }
0xc8: {  	[tilespmem:s12], [sflag:$0x2] =	stream.linear.gather [spmem:s11], $0x80, $0x38;
	[tilespmem:$0x8A80] =	vst v63  }
0xc9: {  	s14 =	simm.s32 $0x7200  }
0xca: {  	[tilespmem:s14], [sflag:$0x2] =	stream.linear.gather [spmem:s13], $0x80, $0x38;
	[tilespmem:$0x8A80] =	vst v63  }
0xcb: {  	_ =	swait.ge [sflag:s5], $0x280  }
0xcc: {  	[sflag:s5] =	ssyncset.done $0x0;
	s11 =	rddreg [dreg:$0xa]  }
0xcd: {  	s12 =	simm.s32 $0x6280;
	s13 =	sld [smem:$0x7E4];
	[sflag:s5] =	ssyncadd.s32 $0xFFFFFD80  }
0xce: {  	[tilespmem:s12], [sflag:$0x2] =	stream.linear.gather [spmem:s11], $0x80, $0x38;
	[tilespmem:$0x8A80] =	vst v63  }
0xcf: {  	s14 =	simm.s32 $0x6680;
	s11 =	sld [smem:$0x7E5]  }
0xd0: {  	[tilespmem:s14], [sflag:$0x2] =	stream.linear.gather [spmem:s13], $0x80, $0x38;
	[tilespmem:$0x8A80] =	vst v63  }
0xd1: {  	s12 =	simm.s32 $0x6A80;
	s13 =	sld [smem:$0x7E6]  }
0xd2: {  	[tilespmem:s12], [sflag:$0x2] =	stream.linear.gather [spmem:s11], $0x80, $0x38;
	[tilespmem:$0x8A80] =	vst v63  }
0xd3: {  	s14 =	simm.s32 $0x6E80;
	s11 =	sld [smem:$0x7E7]  }
0xd4: {  	[tilespmem:s14], [sflag:$0x2] =	stream.linear.gather [spmem:s13], $0x80, $0x38;
	[tilespmem:$0x8A80] =	vst v63  }
0xd5: {  	s12 =	simm.s32 $0x7280  }
0xd6: {  	[tilespmem:s12], [sflag:$0x2] =	stream.linear.gather [spmem:s11], $0x80, $0x38;
	[tilespmem:$0x8A80] =	vst v63  }
0xd7: {  	_ =	swait.ge [sflag:s5], $0x280  }
0xd8: {  	[sflag:s5] =	ssyncset.done $0x0;
	s13 =	rddreg [dreg:$0xb]  }
0xd9: {  	s14 =	simm.s32 $0x6300;
	s11 =	sld [smem:$0x7E8];
	[sflag:s5] =	ssyncadd.s32 $0xFFFFFD80  }
0xda: {  	[tilespmem:s14], [sflag:$0x2] =	stream.linear.gather [spmem:s13], $0x80, $0x38;
	[tilespmem:$0x8A80] =	vst v63  }
0xdb: {  	s12 =	simm.s32 $0x6700;
	s13 =	sld [smem:$0x7E9]  }
0xdc: {  	[tilespmem:s12], [sflag:$0x2] =	stream.linear.gather [spmem:s11], $0x80, $0x38;
	[tilespmem:$0x8A80] =	vst v63  }
0xdd: {  	s14 =	simm.s32 $0x6B00;
	s11 =	sld [smem:$0x7EA]  }
0xde: {  	[tilespmem:s14], [sflag:$0x2] =	stream.linear.gather [spmem:s13], $0x80, $0x38;
	[tilespmem:$0x8A80] =	vst v63  }
0xdf: {  	s12 =	simm.s32 $0x6F00;
	s13 =	sld [smem:$0x7EB]  }
0xe0: {  	[tilespmem:s12], [sflag:$0x2] =	stream.linear.gather [spmem:s11], $0x80, $0x38;
	[tilespmem:$0x8A80] =	vst v63  }
0xe1: {  	s14 =	simm.s32 $0x7300  }
0xe2: {  	[tilespmem:s14], [sflag:$0x2] =	stream.linear.gather [spmem:s13], $0x80, $0x38;
	[tilespmem:$0x8A80] =	vst v63  }
0xe3: {  	_ =	swait.ge [sflag:s5], $0x280  }
0xe4: {  	[sflag:s5] =	ssyncset.done $0x0;
	s11 =	rddreg [dreg:$0xc]  }
0xe5: {  	s12 =	simm.s32 $0x6380;
	s13 =	sld [smem:$0x7EC];
	[sflag:s5] =	ssyncadd.s32 $0xFFFFFD80  }
0xe6: {  	[tilespmem:s12], [sflag:$0x2] =	stream.linear.gather [spmem:s11], $0x80, $0x38;
	[tilespmem:$0x8A80] =	vst v63  }
0xe7: {  	s14 =	simm.s32 $0x6780;
	s11 =	sld [smem:$0x7ED]  }
0xe8: {  	[tilespmem:s14], [sflag:$0x2] =	stream.linear.gather [spmem:s13], $0x80, $0x38;
	[tilespmem:$0x8A80] =	vst v63  }
0xe9: {  	s12 =	simm.s32 $0x6B80;
	s13 =	sld [smem:$0x7EE]  }
0xea: {  	[tilespmem:s12], [sflag:$0x2] =	stream.linear.gather [spmem:s11], $0x80, $0x38;
	[tilespmem:$0x8A80] =	vst v63  }
0xeb: {  	s14 =	simm.s32 $0x6F80;
	s11 =	sld [smem:$0x7EF]  }
0xec: {  	[tilespmem:s14], [sflag:$0x2] =	stream.linear.gather [spmem:s13], $0x80, $0x38;
	[tilespmem:$0x8A80] =	vst v63  }
0xed: {  	s12 =	simm.s32 $0x7380  }
0xee: {  	[tilespmem:s12], [sflag:$0x2] =	stream.linear.gather [spmem:s11], $0x80, $0x38;
	[tilespmem:$0x8A80] =	vst v63  }
0xef: {  	_ =	swait.ge [sflag:s5], $0x280  }
0xf0: {  	[sflag:s5] =	ssyncset.done $0x0;
	s13 =	rddreg [dreg:$0xd]  }
0xf1: {  	s14 =	simm.s32 $0x7400;
	s11 =	sld [smem:$0x7F0];
	[sflag:s5] =	ssyncadd.s32 $0xFFFFFD80  }
0xf2: {  	[tilespmem:s14], [sflag:$0x2] =	stream.linear.gather [spmem:s13], $0x80, $0x38;
	[tilespmem:$0x8A80] =	vst v63  }
0xf3: {  	s12 =	simm.s32 $0x7800;
	s13 =	sld [smem:$0x7F1]  }
0xf4: {  	[tilespmem:s12], [sflag:$0x2] =	stream.linear.gather [spmem:s11], $0x80, $0x38;
	[tilespmem:$0x8A80] =	vst v63  }
0xf5: {  	s14 =	simm.s32 $0x7C00;
	s11 =	sld [smem:$0x7F2]  }
0xf6: {  	[tilespmem:s14], [sflag:$0x2] =	stream.linear.gather [spmem:s13], $0x80, $0x38;
	[tilespmem:$0x8A80] =	vst v63  }
0xf7: {  	s12 =	simm.s32 $0x8000;
	s13 =	sld [smem:$0x7F3]  }
0xf8: {  	[tilespmem:s12], [sflag:$0x2] =	stream.linear.gather [spmem:s11], $0x80, $0x38;
	[tilespmem:$0x8A80] =	vst v63  }
0xf9: {  	s14 =	simm.s32 $0x8400  }
0xfa: {  	[tilespmem:s14], [sflag:$0x2] =	stream.linear.gather [spmem:s13], $0x80, $0x38;
	[tilespmem:$0x8A80] =	vst v63  }
0xfb: {  	_ =	swait.ge [sflag:s5], $0x280  }
0xfc: {  	[sflag:s5] =	ssyncset.done $0x0;
	s11 =	rddreg [dreg:$0xe]  }
0xfd: {  	s12 =	simm.s32 $0x7480;
	s13 =	sld [smem:$0x7F4];
	[sflag:s5] =	ssyncadd.s32 $0xFFFFFD80  }
0xfe: {  	[tilespmem:s12], [sflag:$0x2] =	stream.linear.gather [spmem:s11], $0x80, $0x38;
	[tilespmem:$0x8A80] =	vst v63  }
0xff: {  	s14 =	simm.s32 $0x7880;
	s11 =	sld [smem:$0x7F5]  }
0x100: {  	[tilespmem:s14], [sflag:$0x2] =	stream.linear.gather [spmem:s13], $0x80, $0x38;
	[tilespmem:$0x8A80] =	vst v63  }
0x101: {  	s12 =	simm.s32 $0x7C80;
	s13 =	sld [smem:$0x7F6]  }
0x102: {  	[tilespmem:s12], [sflag:$0x2] =	stream.linear.gather [spmem:s11], $0x80, $0x38;
	[tilespmem:$0x8A80] =	vst v63  }
0x103: {  	s14 =	simm.s32 $0x8080;
	s11 =	sld [smem:$0x7F7]  }
0x104: {  	[tilespmem:s14], [sflag:$0x2] =	stream.linear.gather [spmem:s13], $0x80, $0x38;
	[tilespmem:$0x8A80] =	vst v63  }
0x105: {  	s12 =	simm.s32 $0x8480  }
0x106: {  	[tilespmem:s12], [sflag:$0x2] =	stream.linear.gather [spmem:s11], $0x80, $0x38;
	[tilespmem:$0x8A80] =	vst v63  }
0x107: {  	_ =	swait.ge [sflag:s5], $0x280  }
0x108: {  	[sflag:s5] =	ssyncset.done $0x0;
	s13 =	rddreg [dreg:$0xf]  }
0x109: {  	s14 =	simm.s32 $0x7500;
	s11 =	sld [smem:$0x7F8];
	[sflag:s5] =	ssyncadd.s32 $0xFFFFFD80  }
0x10a: {  	[tilespmem:s14], [sflag:$0x2] =	stream.linear.gather [spmem:s13], $0x80, $0x38;
	[tilespmem:$0x8A80] =	vst v63  }
0x10b: {  	s12 =	simm.s32 $0x7900;
	s13 =	sld [smem:$0x7F9]  }
0x10c: {  	[tilespmem:s12], [sflag:$0x2] =	stream.linear.gather [spmem:s11], $0x80, $0x38;
	[tilespmem:$0x8A80] =	vst v63  }
0x10d: {  	s14 =	simm.s32 $0x7D00;
	s11 =	sld [smem:$0x7FA]  }
0x10e: {  	[tilespmem:s14], [sflag:$0x2] =	stream.linear.gather [spmem:s13], $0x80, $0x38;
	[tilespmem:$0x8A80] =	vst v63  }
0x10f: {  	s12 =	simm.s32 $0x8100;
	s13 =	sld [smem:$0x7FB]  }
0x110: {  	[tilespmem:s12], [sflag:$0x2] =	stream.linear.gather [spmem:s11], $0x80, $0x38;
	[tilespmem:$0x8A80] =	vst v63  }
0x111: {  	s14 =	simm.s32 $0x8500  }
0x112: {  	[tilespmem:s14], [sflag:$0x2] =	stream.linear.gather [spmem:s13], $0x80, $0x38;
	[tilespmem:$0x8A80] =	vst v63  }
0x113: {  	_ =	swait.ge [sflag:s5], $0x280  }
0x114: {  	[sflag:s5] =	ssyncset.done $0x0;
	s11 =	rddreg [dreg:$0x10]  }
0x115: {  	s12 =	simm.s32 $0x7580;
	s13 =	sld [smem:$0x7FC];
	[sflag:s5] =	ssyncadd.s32 $0xFFFFFD80  }
0x116: {  	[tilespmem:s12], [sflag:$0x2] =	stream.linear.gather [spmem:s11], $0x80, $0x38;
	[tilespmem:$0x8A80] =	vst v63  }
0x117: {  	s14 =	simm.s32 $0x7980;
	s11 =	sld [smem:$0x7FD]  }
0x118: {  	[tilespmem:s14], [sflag:$0x2] =	stream.linear.gather [spmem:s13], $0x80, $0x38;
	[tilespmem:$0x8A80] =	vst v63  }
0x119: {  	s12 =	simm.s32 $0x7D80  }
0x11a: {  	[tilespmem:s12], [sflag:$0x2] =	stream.linear.gather [spmem:s11], $0x80, $0x38;
	[tilespmem:$0x8A80] =	vst v63  }
0x11b: {  	s13 =	simm.s32 $0x8180  }
0x11c: {  	[tilespmem:s13], [sflag:$0x2] =	stream.linear.gather [spmem:s15], $0x80, $0x38;
	[tilespmem:$0x8A80] =	vst v63  }
0x11d: {  	s14 =	simm.s32 $0x8580  }
0x11e: {  	[tilespmem:s14], [sflag:$0x2] =	stream.linear.gather [spmem:s16], $0x80, $0x38;
	[tilespmem:$0x8A80] =	vst v63  }
0x11f: {  	_ =	swait.ge [sflag:s5], $0x280  }
0x120: {  	[sflag:s5] =	ssyncset.done $0x0  }
0x121: {  	s12 =	simm.s32 $0x7600;
	s11 =	rddreg [dreg:$0x11];
	[sflag:s5] =	ssyncadd.s32 $0xFFFFFD80  }
0x122: {  	[tilespmem:s12], [sflag:$0x2] =	stream.linear.gather [spmem:s11], $0x80, $0x38;
	[tilespmem:$0x8A80] =	vst v63  }
0x123: {  	s13 =	simm.s32 $0x7A00  }
0x124: {  	[tilespmem:s13], [sflag:$0x2] =	stream.linear.gather [spmem:s17], $0x80, $0x38;
	[tilespmem:$0x8A80] =	vst v63  }
0x125: {  	s14 =	simm.s32 $0x7E00  }
0x126: {  	[tilespmem:s14], [sflag:$0x2] =	stream.linear.gather [spmem:s18], $0x80, $0x38;
	[tilespmem:$0x8A80] =	vst v63  }
0x127: {  	s11 =	simm.s32 $0x8200  }
0x128: {  	[tilespmem:s11], [sflag:$0x2] =	stream.linear.gather [spmem:s19], $0x80, $0x38;
	[tilespmem:$0x8A80] =	vst v63  }
0x129: {  	s12 =	simm.s32 $0x8600  }
0x12a: {  	[tilespmem:s12], [sflag:$0x2] =	stream.linear.gather [spmem:s20], $0x80, $0x38;
	[tilespmem:$0x8A80] =	vst v63  }
0x12b: {  	_ =	swait.ge [sflag:s5], $0x280  }
0x12c: {  	[sflag:s5] =	ssyncset.done $0x0  }
0x12d: {  	s14 =	simm.s32 $0x7680;
	s13 =	rddreg [dreg:$0x12];
	[sflag:s5] =	ssyncadd.s32 $0xFFFFFD80  }
0x12e: {  	[tilespmem:s14], [sflag:$0x2] =	stream.linear.gather [spmem:s13], $0x80, $0x38;
	[tilespmem:$0x8A80] =	vst v63  }
0x12f: {  	s11 =	simm.s32 $0x7A80  }
0x130: {  	[tilespmem:s11], [sflag:$0x2] =	stream.linear.gather [spmem:s21], $0x80, $0x38;
	[tilespmem:$0x8A80] =	vst v63  }
0x131: {  	s12 =	simm.s32 $0x7E80  }
0x132: {  	[tilespmem:s12], [sflag:$0x2] =	stream.linear.gather [spmem:s22], $0x80, $0x38;
	[tilespmem:$0x8A80] =	vst v63  }
0x133: {  	s13 =	simm.s32 $0x8280  }
0x134: {  	[tilespmem:s13], [sflag:$0x2] =	stream.linear.gather [spmem:s23], $0x80, $0x38;
	[tilespmem:$0x8A80] =	vst v63  }
0x135: {  	s14 =	simm.s32 $0x8680  }
0x136: {  	[tilespmem:s14], [sflag:$0x2] =	stream.linear.gather [spmem:s24], $0x80, $0x38;
	[tilespmem:$0x8A80] =	vst v63  }
0x137: {  	_ =	swait.ge [sflag:s5], $0x280  }
0x138: {  	[sflag:s5] =	ssyncset.done $0x0  }
0x139: {  	s12 =	simm.s32 $0x7700;
	s11 =	rddreg [dreg:$0x13];
	[sflag:s5] =	ssyncadd.s32 $0xFFFFFD80  }
0x13a: {  	[tilespmem:s12], [sflag:$0x2] =	stream.linear.gather [spmem:s11], $0x80, $0x38;
	[tilespmem:$0x8A80] =	vst v63  }
0x13b: {  	s13 =	simm.s32 $0x7B00  }
0x13c: {  	[tilespmem:s13], [sflag:$0x2] =	stream.linear.gather [spmem:s25], $0x80, $0x38;
	[tilespmem:$0x8A80] =	vst v63  }
0x13d: {  	s14 =	simm.s32 $0x7F00  }
0x13e: {  	[tilespmem:s14], [sflag:$0x2] =	stream.linear.gather [spmem:s26], $0x80, $0x38;
	[tilespmem:$0x8A80] =	vst v63  }
0x13f: {  	s11 =	simm.s32 $0x8300  }
0x140: {  	[tilespmem:s11], [sflag:$0x2] =	stream.linear.gather [spmem:s28], $0x80, $0x38;
	[tilespmem:$0x8A80] =	vst v63  }
0x141: {  	s12 =	simm.s32 $0x8700  }
0x142: {  	[tilespmem:s12], [sflag:$0x2] =	stream.linear.gather [spmem:s29], $0x80, $0x38;
	[tilespmem:$0x8A80] =	vst v63  }
0x143: {  	_ =	swait.ge [sflag:s5], $0x280  }
0x144: {  	[sflag:s5] =	ssyncset.done $0x0  }
0x145: {  	s14 =	simm.s32 $0x7780;
	s13 =	rddreg [dreg:$0x1a];
	[sflag:s5] =	ssyncadd.s32 $0xFFFFFD80  }
0x146: {  	[tilespmem:s14], [sflag:$0x2] =	stream.linear.gather [spmem:s13], $0x80, $0x38;
	[tilespmem:$0x8A80] =	vst v63  }
0x147: {  	s12 =	simm.s32 $0x7B80  }
0x148: {  	[tilespmem:s12], [sflag:$0x2] =	stream.linear.gather [spmem:s30], $0x80, $0x38;
	[tilespmem:$0x8A80] =	vst v63  }
0x149: {  	s13 =	simm.s32 $0x7F80  }
0x14a: {  	[tilespmem:s13], [sflag:$0x2] =	stream.linear.gather [spmem:s31], $0x80, $0x38;
	[tilespmem:$0x8A80] =	vst v63  }
0x14b: {  	s14 =	simm.s32 $0x8380  }
0x14c: {  	[tilespmem:s14], [sflag:$0x2] =	stream.linear.gather [spmem:s0], $0x80, $0x38;
	[tilespmem:$0x8A80] =	vst v63  }
0x14d: {  	s11 =	simm.s32 $0x8780  }
0x14e: {  	[tilespmem:s11], [sflag:$0x2] =	stream.linear.gather [spmem:s1], $0x80, $0x38;
	[tilespmem:$0x8A80] =	vst v63  }
0x14f: {  	s12 =	simm.s32 $0x0;
	_ =	swait.ge [sflag:s5], $0x280  }
0x150: {  	s10 =	sand.u32 $0x1C00, s12;
	s13 =	sand.u32 $0x70, s12;
	[sflag:s5] =	ssyncset.done $0x0  }
0x151: {  	s10 =	sor.u32 s13, s10;
	[sflag:s5] =	ssyncadd.s32 $0xFFFFFD80  }
0x152: {  	v2 =	vld [tilespmem:s10+$0x6080]  }
0x153: {  	v3 =	vld [tilespmem:s10+$0x6000];
	_ =	sdelay $0x1  }
0x154: {  	v4 =	vld [tilespmem:s10+$0x6100];
	_ =	sdelay $0x1  }
0x155: {  	v5 =	vld [tilespmem:s10+$0x6180]  }
0x156: {  	v2 =	vadd.f32 v2, v3  }
0x157: {  	v3 =	vld [tilespmem:s10+$0x6200]  }
0x158: {  	v2 =	vadd.f32 v4, v2  }
0x159: {  	v56 =	vld [tilespmem:s10+$0x6280]  }
0x15a: {  	v2 =	vadd.f32 v5, v2  }
0x15b: {  	v57 =	vld [tilespmem:s10+$0x6300]  }
0x15c: {  	v2 =	vadd.f32 v3, v2  }
0x15d: {  	v3 =	vld [tilespmem:s10+$0x6380]  }
0x15e: {  	v2 =	vadd.f32 v56, v2  }
0x15f: {  	v58 =	vld [tilespmem:s10+$0x7400]  }
0x160: {  	v2 =	vadd.f32 v57, v2  }
0x161: {  	v59 =	vld [tilespmem:s10+$0x7480]  }
0x162: {  	v2 =	vadd.f32 v3, v2  }
0x163: {  	v3 =	vld [tilespmem:s10+$0x7500]  }
0x164: {  	v2 =	vadd.f32 v58, v2  }
0x165: {  	v60 =	vld [tilespmem:s10+$0x7580]  }
0x166: {  	v2 =	vadd.f32 v59, v2  }
0x167: {  	v61 =	vld [tilespmem:s10+$0x7600]  }
0x168: {  	v2 =	vadd.f32 v3, v2  }
0x169: {  	v3 =	vld [tilespmem:s10+$0x7680]  }
0x16a: {  	v2 =	vadd.f32 v60, v2  }
0x16b: {  	v62 =	vld [tilespmem:s10+$0x7700]  }
0x16c: {  	v2 =	vadd.f32 v61, v2  }
0x16d: {  	v63 =	vld [tilespmem:s10+$0x7780]  }
0x16e: {  	v2 =	vadd.f32 v3, v2;
	_ =	sdelay $0x1  }
0x16f: {  	v2 =	vadd.f32 v62, v2;
	_ =	sdelay $0x1  }
0x170: {  	s12 =	simm.s32 $0x80;
	s14 =	simm.s32 $0x10;
	v2 =	vadd.f32 v63, v2  }
0x171: {  	s13 =	sand.u32 $0x1C00, s12;
	s11 =	sand.u32 $0x70, s14;
	s10 =	simm.s32 $0x8800  }
0x172: {  	s11 =	sor.u32 s11, s13;
	s13 =	simm.s32 $0x20;
	[tilespmem:s10+$0x0] =	vst v2  }
.LBB2_14:
0x173: {  	p0 =	sne.s32 s13, $0x270;
	v2 =	vld [tilespmem:s11+$0x6080]  }
0x174: {  	v3 =	vld [tilespmem:s11+$0x6000];
	_ =	sdelay $0x1  }
0x175: {  	v4 =	vld [tilespmem:s11+$0x6100];
	_ =	sdelay $0x1  }
0x176: {  	v5 =	vld [tilespmem:s11+$0x6180]  }
0x177: {  	v2 =	vadd.f32 v2, v3  }
0x178: {  	v3 =	vld [tilespmem:s11+$0x6200]  }
0x179: {  	v2 =	vadd.f32 v4, v2  }
0x17a: {  	v4 =	vld [tilespmem:s11+$0x6280]  }
0x17b: {  	v2 =	vadd.f32 v5, v2  }
0x17c: {  	v5 =	vld [tilespmem:s11+$0x6300]  }
0x17d: {  	v2 =	vadd.f32 v3, v2  }
0x17e: {  	v3 =	vld [tilespmem:s11+$0x6380]  }
0x17f: {  	v2 =	vadd.f32 v4, v2  }
0x180: {  	v4 =	vld [tilespmem:s11+$0x7400]  }
0x181: {  	v2 =	vadd.f32 v5, v2  }
0x182: {  	v5 =	vld [tilespmem:s11+$0x7480]  }
0x183: {  	v2 =	vadd.f32 v3, v2  }
0x184: {  	v3 =	vld [tilespmem:s11+$0x7500]  }
0x185: {  	v2 =	vadd.f32 v4, v2  }
0x186: {  	v4 =	vld [tilespmem:s11+$0x7580]  }
0x187: {  	v2 =	vadd.f32 v5, v2  }
0x188: {  	v5 =	vld [tilespmem:s11+$0x7600]  }
0x189: {  	v2 =	vadd.f32 v3, v2  }
0x18a: {  	v3 =	vld [tilespmem:s11+$0x7680]  }
0x18b: {  	v2 =	vadd.f32 v4, v2  }
0x18c: {  	v4 =	vld [tilespmem:s11+$0x7700]  }
0x18d: {  	v2 =	vadd.f32 v5, v2  }
0x18e: {  	v5 =	vld [tilespmem:s11+$0x7780]  }
0x18f: {  	v2 =	vadd.f32 v3, v2;
	_ =	sdelay $0x1  }
.Ltmp6:
0x190: {  	v2 =	vadd.f32 v4, v2;
	(pc) =	sbr.rel @p0 .LBB2_14-.Ltmp6, $4  }
0x191: {  	_ = 	snop  }
0x192: {  	s12 =	sadd.s32 $0x80, s12;
	v2 =	vadd.f32 v5, v2  }
0x193: {  	s10 =	sadd.s32 $0x10, s10;
	s14 =	sand.u32 $0x1C00, s12;
	s11 =	sand.u32 $0x70, s13  }
0x194: {  	s13 =	sadd.s32 $0x10, s13;
	s11 =	sor.u32 s11, s14;
	[tilespmem:s10+$0x0] =	vst v2  }
0x195: {  	v2 =	vld [tilespmem:s11+$0x6080]  }
0x196: {  	v3 =	vld [tilespmem:s11+$0x6000];
	_ =	sdelay $0x1  }
0x197: {  	v4 =	vld [tilespmem:s11+$0x6100];
	_ =	sdelay $0x1  }
0x198: {  	v5 =	vld [tilespmem:s11+$0x6180]  }
0x199: {  	v2 =	vadd.f32 v2, v3  }
0x19a: {  	v3 =	vld [tilespmem:s11+$0x6200]  }
0x19b: {  	v2 =	vadd.f32 v4, v2  }
0x19c: {  	v56 =	vld [tilespmem:s11+$0x6280]  }
0x19d: {  	v2 =	vadd.f32 v5, v2  }
0x19e: {  	v57 =	vld [tilespmem:s11+$0x6300]  }
0x19f: {  	v2 =	vadd.f32 v3, v2  }
0x1a0: {  	v3 =	vld [tilespmem:s11+$0x6380]  }
0x1a1: {  	v2 =	vadd.f32 v56, v2  }
0x1a2: {  	v58 =	vld [tilespmem:s11+$0x7400]  }
0x1a3: {  	v2 =	vadd.f32 v57, v2  }
0x1a4: {  	v59 =	vld [tilespmem:s11+$0x7480]  }
0x1a5: {  	v2 =	vadd.f32 v3, v2  }
0x1a6: {  	v3 =	vld [tilespmem:s11+$0x7500]  }
0x1a7: {  	v2 =	vadd.f32 v58, v2  }
0x1a8: {  	v60 =	vld [tilespmem:s11+$0x7580]  }
0x1a9: {  	v2 =	vadd.f32 v59, v2  }
0x1aa: {  	v61 =	vld [tilespmem:s11+$0x7600]  }
0x1ab: {  	v2 =	vadd.f32 v3, v2  }
0x1ac: {  	v3 =	vld [tilespmem:s11+$0x7680]  }
0x1ad: {  	v2 =	vadd.f32 v60, v2  }
0x1ae: {  	v62 =	vld [tilespmem:s11+$0x7700]  }
0x1af: {  	v2 =	vadd.f32 v61, v2  }
0x1b0: {  	v63 =	vld [tilespmem:s11+$0x7780]  }
0x1b1: {  	v2 =	vadd.f32 v3, v2;
	_ =	sdelay $0x1  }
0x1b2: {  	v2 =	vadd.f32 v62, v2;
	_ =	sdelay $0x1  }
0x1b3: {  	v2 =	vadd.f32 v63, v2  }
0x1b4: {  	s10 =	sadd.s32 $0x10, s10  }
0x1b5: {  	s13 =	simm.s32 $0x100;
	s12 =	simm.s32 $0x8800;
	s11 =	rddreg [dreg:$0x14];
	[tilespmem:s10+$0x0] =	vst v2  }
0x1b6: {  	[hbm4b:s11+s9] =	stream.strided.scatter [tilespmem:s12], [sflag:$0x2], $0x280, s13, s9, $0x38;
	[tilespmem:$0x8A80] =	vst v63  }
0x1b7: {  	_ =	swait.ge [sflag:s5], $0x280  }
0x1b8: {  	s2 =	sadd.s32 $0x1, s2;
	s14 =	rddreg [dreg:$0x15]  }
0x1b9: {  	p0 =	sne.s32 s2, s14  }
.Ltmp7:
0x1ba: {  	_ = 	snop;
	(pc) =	sbr.rel @p0 .LBB2_1-.Ltmp7, $3  }
0x1bb: {  	_ =	sdelay $0x1  }
0x1bc: {  	[sflag:s5] =	ssyncset.done $0x0  }
0x1bd: {  	[sflag:s5] =	ssyncadd.s32 $0xFFFFFD80  }
0x1be: {  	_ =	sfence.sel $0x180000  }
0x1bf: {  	[bflag:$0x0] =	sbarrier.arrive $0xFFFF  }
0x1c0: {  	_ =	strace $0x90000047  }
0x1c1: {  	s0 =	stileid.u32;
	[bflag:$0x2] =	sbarrier.arrive $0xFFFF  }
0x1c2: {  	p0 =	sne.s32 s0, $0x0;
	s0 =	rddreg [dreg:$0x3]  }
0x1c3: {  	s0 =	sadd.s32 @!p0 $0x100000, s0  }
0x1c4: {  	[sflag:s0] =	ssyncadd.tile.s32 @!p0 $0x1;
	_ =	shalt  }
.Lfunc_end2:
_tile_overlayer_lowered:
.L_overlay_start_2:
0x1c5: {  	(tag) =	ssettag $0x2  }
0x1c6: {  	s0 =	rddreg [dreg:$0x0];
	s2 =	stileid.u32  }
0x1c7: {  	s1 =	rddreg [dreg:$0x1];
	p0 =	sne.s32 s2, $0x0  }
0x1c8: {  	s3 =	rddreg [dreg:$0x2];
	[bflag:$0x3] =	sbarrier.arrive $0xFFFF;
	s2 =	simm.s32 @!p0 $0x1C02  }
0x1c9: {  	[timem:s3], [sflag:s2] =	dma.local @!p0 [hbm:s0], s1  }
0x1ca: {  	s0 =	simm.s32 @!p0 $0x2  }
0x1cb: {  	_ =	swait.ge @!p0 [sflag:s0], s1  }
0x1cc: {  	s1 =	ssub.s32 @!p0 $0x0, s1;
	[sflag:s0] =	ssyncset.done @!p0 $0x0  }
0x1cd: {  	[sflag:s0] =	ssyncadd.s32 @!p0 s1  }
0x1ce: {  	[bflag:$0x3] =	sbarrier.arrive $0xFFFF  }
0x1cf: {  	_ =	shalt  }

// kernel: kernel.9.cloned.1.call-start
scs
__scs_entry_jumppad:
0x0: {  	(pc) =	sbr.rel $0x88, $3  }
0x1: {  	(tag) =	ssettag $0x0;
	lr =	simm.s32 $0x1  }
0x2: {  	[smem:$0x3F9D] =	sst lr;
	_ =	strace $0xD0000000  }
0x3: {  	_ = 	snop  }
0x4: {  	_ = 	snop  }
0x5: {  	_ = 	snop  }
0x6: {  	_ = 	snop  }
0x7: {  	_ = 	snop  }
__scs_overlays_trampoline_lowered:
0x8: {  	[smem:$0x3FAC] =	sst s0  }
0x9: {  	[smem:$0x3FAD] =	sst s1  }
0xa: {  	[smem:$0x3FAE] =	sst s2  }
0xb: {  	[smem:$0x3FAF] =	sst s3  }
0xc: {  	[smem:$0x3FB0] =	sst s4  }
0xd: {  	[smem:$0x3FB1] =	sst s5  }
0xe: {  	[smem:$0x3FB2] =	sst s6  }
0xf: {  	[smem:$0x3FB3] =	sst s7  }
0x10: {  	[smem:$0x3FB4] =	sst s8  }
0x11: {  	[smem:$0x3FB5] =	sst s9;
	s0 =	simm.s32 @!p0 $0x0  }
0x12: {  	s1 =	sld [smem:$0x3F9B];
	s0 =	simm.s32 @p0 $0x1  }
0x13: {  	[smem:$0x3FB6] =	sst s0;
	s0 =	simm.s32 @!p1 $0x0  }
0x14: {  	s2 =	sld [smem:$0x3F9A];
	s0 =	simm.s32 @p1 $0x1  }
0x15: {  	[smem:$0x3FB7] =	sst s0;
	s0 =	simm.s32 @!p2 $0x0  }
0x16: {  	s3 =	sld [smem:$0x3FDB];
	s0 =	simm.s32 @p2 $0x1  }
0x17: {  	s4 =	simm.s32 $0x1BF5;
	[smem:$0x3FB9] =	sst s0  }
0x18: {  	s0 =	sld [smem:$0x3F9C];
	_ =	swait.ge [sflag:s4], $0x0  }
0x19: {  	s7 =	sld [smem:$0x3F9D]  }
0x1a: {  	s8 =	sadd.s32 $0xFFFFE003, lr  }
0x1b: {  	s9 =	sadd.s32 $0xFFFFFEF7, lr;
	s5 =	simm.s32 $0xFFFFFFFF;
	p2 =	slt.u32 s8, $0xFFFFF086  }
0x1c: {  	p1 =	slt.u32 s9, $0xF7A;
	s5 =	simm.s32 @!p2 $0x0  }
0x1d: {  	s5 =	simm.s32 @p1 $0x1;
	p0 =	seq.s32 s7, s2  }
0x1e: {  	s7 =	smul.u32 @!p0 $0xF7A, s2;
	p2 =	seq.s32 @!p0 s5, $0x0  }
0x1f: {  	s9 =	smul.u32 $0xF7A, s1;
	s8 =	simm.s32 @!p0 $0x1BF5;
	p2 =	por !p2, p0  }
0x20: {  	[sflag:s8] =	ssyncset.s32 @!p0 $0xFFFFF086;
	s6 =	sadd.s32 @!p0 s3, s7;
	s7 =	simm.s32 @!p0 $0x108  }
0x21: {  	s3 =	sadd.s32 s3, s9;
	s6 =	sadd.s32 @!p0 $0x88, s6;
	s7 =	simm.s32 @p2 $0x1082  }
0x22: {  	[simem:s7], [sflag:s8] =	dma.local @!p0 [hbm:s6], $0xF7A  }
0x23: {  	s9 =	sor.u32 $0xD0000000, s2;
	s6 =	simm.s32 $0x108;
	_ =	swait.ge @!p0 [sflag:s8], $0x0  }
0x24: {  	s3 =	sadd.s32 $0x88, s3;
	s6 =	simm.s32 @!p1 $0x1082;
	[sflag:s4] =	ssyncset.s32 $0xFFFFF086  }
0x25: {  	[simem:s6], [sflag:s4] =	dma.local [hbm:s3], $0xF7A  }
0x26: {  	[smem:$0x3F9D] =	sst s1;
	(tag) =	ssettag s2;
	_ =	strace s9  }
0x27: {  	s1 =	sld [smem:$0x3FAD]  }
0x28: {  	s2 =	sld [smem:$0x3FAE]  }
0x29: {  	s4 =	sld [smem:$0x3FB0]  }
0x2a: {  	p0 =	seq.s32 s5, $0x0;
	s5 =	sld [smem:$0x3FB1]  }
0x2b: {  	s6 =	sld [smem:$0x3FB2]  }
0x2c: {  	s7 =	sld [smem:$0x3FB3]  }
0x2d: {  	s3 =	simm.s32 $0x108;
	s8 =	sld [smem:$0x3FB4]  }
0x2e: {  	s3 =	simm.s32 @!p0 $0x1082;
	s9 =	sld [smem:$0x3FB5]  }
0x2f: {  	lr =	sadd.s32 s0, s3;
	s0 =	sld [smem:$0x3FAC]  }
0x30: {  	s3 =	sld [smem:$0x3FAF]  }
0x31: {  	[smem:$0x3FB8] =	sst s10  }
0x32: {  	s10 =	sld [smem:$0x3FB6];
	_ =	sdelay $0x3  }
0x33: {  	p0 =	seq.s32 s10, $0x1;
	s10 =	sld [smem:$0x3FB8];
	_ =	sdelay $0x3  }
0x34: {  	[smem:$0x3FB8] =	sst s10  }
0x35: {  	s10 =	sld [smem:$0x3FB7];
	_ =	sdelay $0x3  }
0x36: {  	p1 =	seq.s32 s10, $0x1;
	s10 =	sld [smem:$0x3FB8];
	_ =	sdelay $0x3  }
0x37: {  	[smem:$0x3FB8] =	sst s10  }
0x38: {  	s10 =	sld [smem:$0x3FB9]  }
0x39: {  	_ = 	snop;
	(pc) =	sbr.ind lr, $3  }
0x3a: {  	_ = 	snop  }
0x3b: {  	_ = 	snop  }
0x3c: {  	p2 =	seq.s32 s10, $0x1;
	s10 =	sld [smem:$0x3FB8]  }
0x3d: {  	_ =	shalt  }
0x3e: {  	_ =	shalt  }
0x3f: {  	_ =	shalt  }
0x40: {  	_ =	shalt  }
0x41: {  	_ =	shalt  }
0x42: {  	_ =	shalt  }
0x43: {  	_ =	shalt  }
0x44: {  	_ =	shalt  }
0x45: {  	_ =	shalt  }
0x46: {  	_ =	shalt  }
0x47: {  	_ =	shalt  }
0x48: {  	_ =	shalt  }
0x49: {  	_ =	shalt  }
0x4a: {  	_ =	shalt  }
0x4b: {  	_ =	shalt  }
0x4c: {  	_ =	shalt  }
0x4d: {  	_ =	shalt  }
0x4e: {  	_ =	shalt  }
0x4f: {  	_ =	shalt  }
0x50: {  	_ =	shalt  }
0x51: {  	_ =	shalt  }
0x52: {  	_ =	shalt  }
0x53: {  	_ =	shalt  }
0x54: {  	_ =	shalt  }
0x55: {  	_ =	shalt  }
0x56: {  	_ =	shalt  }
0x57: {  	_ =	shalt  }
0x58: {  	_ =	shalt  }
0x59: {  	_ =	shalt  }
0x5a: {  	_ =	shalt  }
0x5b: {  	_ =	shalt  }
0x5c: {  	_ =	shalt  }
0x5d: {  	_ =	shalt  }
0x5e: {  	_ =	shalt  }
0x5f: {  	_ =	shalt  }
0x60: {  	_ =	shalt  }
0x61: {  	_ =	shalt  }
0x62: {  	_ =	shalt  }
0x63: {  	_ =	shalt  }
0x64: {  	_ =	shalt  }
0x65: {  	_ =	shalt  }
0x66: {  	_ =	shalt  }
0x67: {  	_ =	shalt  }
0x68: {  	_ =	shalt  }
0x69: {  	_ =	shalt  }
0x6a: {  	_ =	shalt  }
0x6b: {  	_ =	shalt  }
0x6c: {  	_ =	shalt  }
0x6d: {  	_ =	shalt  }
0x6e: {  	_ =	shalt  }
0x6f: {  	_ =	shalt  }
0x70: {  	_ =	shalt  }
0x71: {  	_ =	shalt  }
0x72: {  	_ =	shalt  }
0x73: {  	_ =	shalt  }
0x74: {  	_ =	shalt  }
0x75: {  	_ =	shalt  }
0x76: {  	_ =	shalt  }
0x77: {  	_ =	shalt  }
0x78: {  	_ =	shalt  }
0x79: {  	_ =	shalt  }
0x7a: {  	_ =	shalt  }
0x7b: {  	_ =	shalt  }
0x7c: {  	_ =	shalt  }
0x7d: {  	_ =	shalt  }
0x7e: {  	_ =	shalt  }
0x7f: {  	_ =	shalt  }
0x80: {  	_ =	shalt  }
0x81: {  	_ =	shalt  }
0x82: {  	_ =	shalt  }
0x83: {  	_ =	shalt  }
0x84: {  	_ =	shalt  }
0x85: {  	_ =	shalt  }
0x86: {  	_ =	shalt  }
0x87: {  	_ =	shalt  }
.Lfunc_end0:
.L_simem_size_0:
called_computation.1_lowered:
.L_overlay_start_0:
0x88: {  	s2 =	sld [smem:$0x3FD9]  }
0x89: {  	s3 =	sld [smem:$0x3FFE];
	_ =	sdelay $0x1  }
0x8a: {  	s1 =	srdreg.scid  }
0x8b: {  	s0 =	sand.u32 $0x1, s1  }
0x8c: {  	s17 =	sshll.u32 s0, $0xA;
	s2 =	sadd.s32 s3, s2  }
0x8d: {  	s2 =	sadd.s32 s2, s17  }
0x8e: {  	[smem:$0x3FC4] =	sst s2  }
0x8f: {  	_ = 	snop  }
0x90: {  	s2 =	sld [smem:$0x3FD0];
	(tm) =	ssettm $0x1  }
0x91: {  	s18 =	sld [smem:$0x3FFB];
	_ =	sdelay $0x3  }
0x92: {  	_ =	strace s18  }
0x93: {  	s3 =	sld [smem:$0x3FFC];
	_ =	sdelay $0x3  }
0x94: {  	_ =	strace s3  }
0x95: {  	s3 =	sld [smem:$0x3FFD];
	_ =	sdelay $0x3  }
0x96: {  	_ =	strace s3  }
0x97: {  	_ =	strace $0x8FFFFFFF  }
0x98: {  	s19 =	sld [smem:$0x3FDB];
	_ =	sdelay $0x1  }
0x99: {  	s4 =	simm.s32 $_scs_section_size  }
0x9a: {  	s5 =	simm.s32 $_size__tile_overlayer_lowered;
	s6 =	simm.s32 $_tile_overlayer_lowered  }
0x9b: {  	s22 =	simm.s32 $0x1BFF;
	s21 =	sshll.u32 s6, $0x1;
	s3 =	sadd.s32 s4, s19  }
0x9c: {  	s7 =	simm.s32 $0x0;
	s20 =	sshll.u32 s5, $0x1;
	s5 =	sadd.s32 s21, s3  }
0x9d: {  	[timem:s7], [sflag:s22] =	dma.local [hbm:s5], s20  }
0x9e: {  	_ =	swait.ge [sflag:s22], s20  }
0x9f: {  	s4 =	ssub.s32 $0x0, s20;
	[sflag:s22] =	ssyncset.done $0x0  }
0xa0: {  	[sflag:s22] =	ssyncadd.s32 s4;
	_ =	sdelay $0x1  }
0xa1: {  	s23 =	simm.s32 $0x1B8B  }
0xa2: {  	_ =	swait.ge [sflag:s23], $0x1  }
0xa3: {  	[sflag:s23] =	ssyncset.done $0x0  }
0xa4: {  	s25 =	simm.s32 $0x1B8E;
	s24 =	sld [smem:$0x3FFE];
	[sflag:s23] =	ssyncadd.s32 $0xFFFFFFFF  }
0xa5: {  	s26 =	simm.s32 $execute0_lowered;
	[smem:$0x3FD2] =	sst s25  }
0xa6: {  	s5 =	sshll.u32 s26, $0x1;
	_ =	strace $0x80000049;
	[dreg:$0x1] =	wrdreg $0xFFFFFFFF  }
0xa7: {  	s28 =	simm.s32 $_size_execute0_lowered;
	s3 =	sadd.s32 s3, s5;
	[dreg:$0x0] =	wrdreg $0x0  }
0xa8: {  	s5 =	sshll.u32 s28, $0x1;
	[dreg:$0x2] =	wrdreg s3  }
0xa9: {  	[dreg:$0x3] =	wrdreg s5  }
0xaa: {  	[dreg:$0x4] =	wrdreg $0xC0  }
0xab: {  	_ =	task [dreg:s7], $0x5FFFF  }
0xac: {  	[dreg:$0x1] =	wrdreg $0xFFFFFFFF  }
0xad: {  	[dreg:$0x0] =	wrdreg $0x60  }
0xae: {  	[dreg:$0x2] =	wrdreg s2  }
0xaf: {  	[dreg:$0x3] =	wrdreg s24  }
0xb0: {  	[dreg:$0x4] =	wrdreg $0x0  }
0xb1: {  	[dreg:$0x5] =	wrdreg $0x9  }
0xb2: {  	_ =	task.clear_ibuf [dreg:s7], $0x6FFFF;
	_ =	strace $0x90000049  }
0xb3: {  	s29 =	simm.s32 $0x9;
	_ =	strace $0x8000004B  }
0xb4: {  	_ =	swait.ge [sflag:s29], $0x1  }
0xb5: {  	[sflag:s29] =	ssyncadd.s32 $0xFFFFFFFF  }
0xb6: {  	_ =	strace $0x9000004B  }
0xb7: {  	_ =	sfence  }
0xb8: {  	s30 =	sld [smem:$0x0];
	_ =	sdelay $0x2  }
0xb9: {  	s31 =	sshll.u32 s1, $0xD;
	s1 =	sshrl.u32 s1, $0x2  }
0xba: {  	s3 =	sand.u32 $0x4000, s31;
	s1 =	sadd.s32 s1, s30  }
0xbb: {  	s0 =	sor.u32 s3, s0;
	s1 =	sshll.u32 s1, $0x11  }
0xbc: {  	s0 =	sor.u32 s1, s0  }
0xbd: {  	s0 =	sadd.s32 $0x8F2B, s0  }
0xbe: {  	[sflag:s0] =	ssyncadd.remote.s32 $0x1  }
0xbf: {  	_ =	sfence.sel $0xFFFF  }
0xc0: {  	[dreg:$0x0] =	wrdreg $0xFFFFFFFF;
	(pc) =	sbr.abs _section_cstart, $3  }
0xc1: {  	[dreg:$0x1] =	wrdreg $0xFFFFFFFF  }
0xc2: {  	_ =	task.clear_ibuf [dreg:s7], $0x2FFFF;
	_ =	strace $0x9FFFFFFF  }
0xc3: {  	(tm) =	ssettm $0x7FFFFFFF  }
tec
execute0_lowered:
.L_overlay_start_1:
0x0: {  	(tag) =	ssettag $0x1  }
0x1: {  	s0 =	rddreg [dreg:$0x0];
	s10 =	stileid.u32  }
0x2: {  	s1 =	rddreg [dreg:$0x1];
	s6 =	smul.u32 $0x14000, s10  }
0x3: {  	s2 =	srdreg.scid;
	s8 =	smul.u32 $0x50000, s10  }
0x4: {  	s3 =	rddreg [dreg:$0x2];
	s2 =	sand.u32 $0x1, s2;
	s26 =	smul.u32 $0x2710, s10  }
0x5: {  	s4 =	simm.s32 $0x0;
	s28 =	simm.s32 $0x14080;
	s5 =	smul.u32 $0x140000, s2  }
0x6: {  	[smem:$0x7FF] =	sst s4;
	s25 =	ssub.s32 $0x2, s2;
	s2 =	smul.u32 $0x27100, s2  }
0x7: {  	s29 =	simm.s32 $0x50;
	s30 =	simm.s32 $0x16900;
	_ =	strace $0x8000004A  }
0x8: {  	s8 =	sshrl.u32 s8, $0x2;
	s6 =	sadd.s32 s6, s5;
	s2 =	sadd.s32 s26, s2  }
0x9: {  	s5 =	sadd.s32 $0x1A00, s1;
	s7 =	sshrl.u32 s6, $0x3;
	s18 =	sshrl.u32 s2, $0x3  }
0xa: {  	s6 =	sadd.s32 $0xB800, s1;
	s1 =	sadd.s32 s7, s1;
	s19 =	sadd.s32 s5, s18  }
0xb: {  	s7 =	sadd.s32 s8, s3;
	s8 =	sadd.s32 s6, s18;
	[dreg:$0xd] =	wrdreg s19  }
0xc: {  	s31 =	simm.s32 $0x16980;
	s11 =	sadd.s32 $0x2800, s7;
	[dreg:$0xe] =	wrdreg s8  }
0xd: {  	s9 =	sshrl.u32 s25, $0x1;
	s12 =	sadd.s32 $0x5000, s7;
	[dreg:$0x6] =	wrdreg s11  }
0xe: {  	s9 =	ssub.s32 s25, s9;
	s13 =	sadd.s32 $0x7800, s7;
	[dreg:$0x7] =	wrdreg s12  }
0xf: {  	s25 =	sadd.s32 $0xA0, s2;
	s14 =	sadd.s32 $0xA000, s7;
	[dreg:$0x8] =	wrdreg s13  }
0x10: {  	s20 =	sadd.s32 $0xA, s18;
	s15 =	sadd.s32 $0xC800, s7;
	[dreg:$0x9] =	wrdreg s14  }
0x11: {  	s26 =	sshrl.u32 s25, $0x3;
	s16 =	sadd.s32 $0xF000, s7;
	[dreg:$0xa] =	wrdreg s15  }
0x12: {  	s25 =	simm.s32 $0x4;
	s17 =	sadd.s32 $0x11800, s7;
	[dreg:$0xb] =	wrdreg s16  }
0x13: {  	s21 =	sadd.s32 s5, s20;
	s10 =	sadd.s32 s6, s20;
	[dreg:$0xc] =	wrdreg s17  }
0x14: {  	s1 =	sadd.s32 $0x65600, s1;
	s20 =	smax.u32 s9, $0x1;
	[dreg:$0xf] =	wrdreg s21  }
0x15: {  	s8 =	simm.s32 $0x19280;
	s9 =	simm.s32 $0x19300;
	[dreg:$0x10] =	wrdreg s10  }
0x16: {  	s11 =	sadd.s32 $0x140, s2;
	[dreg:$0x11] =	wrdreg s1;
	s21 =	sadd.s32 $0xF0, s2  }
0x17: {  	s1 =	simm.s32 $0x16A00;
	s2 =	simm.s32 $0x19200;
	s22 =	sshrl.u32 s11, $0x3  }
0x18: {  	s10 =	simm.s32 $0x1;
	s12 =	simm.s32 $0x3;
	s23 =	sadd.s32 s22, s6  }
0x19: {  	s13 =	simm.s32 $0x0;
	s24 =	sadd.s32 s22, s5;
	[dreg:$0x4] =	wrdreg s23  }
0x1a: {  	s11 =	simm.s32 $0x2;
	s22 =	sadd.s32 s26, s6;
	[dreg:$0x5] =	wrdreg s24  }
0x1b: {  	v0 =	vimm.f32 $0.0e+00;
	s23 =	sadd.s32 s26, s5;
	s24 =	simm.s32 $0x14100;
	s26 =	simm.s32 $0x14000  }
.LBB2_1:
0x1c: {  	s14 =	simm.s32 $0x70;
	s15 =	simm.s32 $0x3C0  }
.LBB2_2:
0x1d: {  	p0 =	sne.s32 s15, $0x9FC0;
	[tilespmem:s14+$0x14100] =	vst v0  }
0x1e: {  	[tilespmem:s14+$0x14090] =	vst v0  }
0x1f: {  	[tilespmem:s14+$0x140A0] =	vst v0  }
.Ltmp0:
0x20: {  	[tilespmem:s14+$0x140B0] =	vst v0;
	(pc) =	sbr.rel @p0 .LBB2_2-.Ltmp0, $4  }
0x21: {  	[tilespmem:s14+$0x140C0] =	vst v0  }
0x22: {  	[tilespmem:s14+$0x140D0] =	vst v0  }
0x23: {  	[tilespmem:s14+$0x140E0] =	vst v0  }
0x24: {  	[tilespmem:s14+$0x140F0] =	vst v0;
	s14 =	sshra.s32 s15, $0x2;
	s15 =	sadd.s32 $0x200, s15  }
0x25: {  	[tilespmem:s14+$0x14100] =	vst v0  }
0x26: {  	[tilespmem:s14+$0x14090] =	vst v0  }
0x27: {  	[tilespmem:s14+$0x140A0] =	vst v0  }
0x28: {  	[tilespmem:s14+$0x140B0] =	vst v0  }
0x29: {  	[tilespmem:s14+$0x140C0] =	vst v0  }
0x2a: {  	[tilespmem:s14+$0x140D0] =	vst v0  }
0x2b: {  	[tilespmem:s14+$0x140E0] =	vst v0  }
0x2c: {  	[tilespmem:s14+$0x140F0] =	vst v0  }
0x2d: {  	[spmem:s7] =	stream.linear.scatter [tilespmem:s24], [sflag:$0x4], $0x2800, $0x38;
	[tilespmem:$0x1BB00] =	vst v63  }
0x2e: {  	_ =	swait.ge [sflag:s25], $0x2800  }
0x2f: {  	[sflag:s25] =	ssyncset.done $0x0  }
0x30: {  	s17 =	rddreg [dreg:$0x6];
	[sflag:s25] =	ssyncadd.s32 $0xFFFFD800  }
0x31: {  	[spmem:s17] =	stream.linear.scatter [tilespmem:s24], [sflag:$0x4], $0x2800, $0x38;
	[tilespmem:$0x1BB00] =	vst v63  }
0x32: {  	_ =	swait.ge [sflag:s25], $0x2800  }
0x33: {  	[sflag:s25] =	ssyncset.done $0x0  }
0x34: {  	s18 =	rddreg [dreg:$0x7];
	[sflag:s25] =	ssyncadd.s32 $0xFFFFD800  }
0x35: {  	[spmem:s18] =	stream.linear.scatter [tilespmem:s24], [sflag:$0x4], $0x2800, $0x38;
	[tilespmem:$0x1BB00] =	vst v63  }
0x36: {  	_ =	swait.ge [sflag:s25], $0x2800  }
0x37: {  	[sflag:s25] =	ssyncset.done $0x0  }
0x38: {  	s19 =	rddreg [dreg:$0x8];
	[sflag:s25] =	ssyncadd.s32 $0xFFFFD800  }
0x39: {  	[spmem:s19] =	stream.linear.scatter [tilespmem:s24], [sflag:$0x4], $0x2800, $0x38;
	[tilespmem:$0x1BB00] =	vst v63  }
0x3a: {  	_ =	swait.ge [sflag:s25], $0x2800  }
0x3b: {  	[sflag:s25] =	ssyncset.done $0x0  }
0x3c: {  	s15 =	rddreg [dreg:$0x9];
	[sflag:s25] =	ssyncadd.s32 $0xFFFFD800  }
0x3d: {  	[spmem:s15] =	stream.linear.scatter [tilespmem:s24], [sflag:$0x4], $0x2800, $0x38;
	[tilespmem:$0x1BB00] =	vst v63  }
0x3e: {  	_ =	swait.ge [sflag:s25], $0x2800  }
0x3f: {  	[sflag:s25] =	ssyncset.done $0x0  }
0x40: {  	s16 =	rddreg [dreg:$0xa];
	[sflag:s25] =	ssyncadd.s32 $0xFFFFD800  }
0x41: {  	[spmem:s16] =	stream.linear.scatter [tilespmem:s24], [sflag:$0x4], $0x2800, $0x38;
	[tilespmem:$0x1BB00] =	vst v63  }
0x42: {  	_ =	swait.ge [sflag:s25], $0x2800  }
0x43: {  	[sflag:s25] =	ssyncset.done $0x0  }
0x44: {  	s17 =	rddreg [dreg:$0xb];
	[sflag:s25] =	ssyncadd.s32 $0xFFFFD800  }
0x45: {  	[spmem:s17] =	stream.linear.scatter [tilespmem:s24], [sflag:$0x4], $0x2800, $0x38;
	[tilespmem:$0x1BB00] =	vst v63  }
0x46: {  	_ =	swait.ge [sflag:s25], $0x2800  }
0x47: {  	[sflag:s25] =	ssyncset.done $0x0  }
0x48: {  	s18 =	rddreg [dreg:$0xc];
	[sflag:s25] =	ssyncadd.s32 $0xFFFFD800  }
0x49: {  	[spmem:s18] =	stream.linear.scatter [tilespmem:s24], [sflag:$0x4], $0x2800, $0x38;
	[tilespmem:$0x1BB00] =	vst v63  }
0x4a: {  	_ =	swait.ge [sflag:s25], $0x2800  }
0x4b: {  	[sflag:s25] =	ssyncset.done $0x0  }
0x4c: {  	[sflag:s25] =	ssyncadd.s32 $0xFFFFD800  }
0x4d: {  	[bflag:$0x0] =	sbarrier.arrive $0xFFFF  }
0x4e: {  	s19 =	simm.s32 $0x0;
	s15 =	rddreg [dreg:$0xd]  }
0x4f: {  	[tilespmem:s26], [sflag:$0x4] =	stream.linear.gather [hbm4b:s15+s19], $0x50, $0x38;
	[tilespmem:$0x1BB00] =	vst v63  }
0x50: {  	_ =	swait.ge [sflag:s25], $0x50  }
0x51: {  	[sflag:s25] =	ssyncset.done $0x0  }
0x52: {  	s16 =	rddreg [dreg:$0xe];
	[sflag:s25] =	ssyncadd.s32 $0xFFFFFFB0  }
0x53: {  	[tilespmem:s28], [sflag:$0x4] =	stream.linear.gather [hbm4b:s16+s19], $0x50, $0x38;
	[tilespmem:$0x1BB00] =	vst v63  }
0x54: {  	_ =	swait.ge [sflag:s25], $0x50  }
0x55: {  	[sflag:s25] =	ssyncset.done $0x0  }
0x56: {  	[sflag:s25] =	ssyncadd.s32 $0xFFFFFFB0  }
0x57: {  	[tilespmem:s24], [sflag:$0x1] =	stream.indirect.gather [hbm4b:s0+s29], $0x80, s26, s29, $0xb8;
	[tilespmem:$0x1BB00] =	vst v63  }
0x58: {  	s17 =	rddreg [dreg:$0xf]  }
0x59: {  	[tilespmem:s30], [sflag:$0x4] =	stream.linear.gather [hbm4b:s17+s19], $0x50, $0x38;
	[tilespmem:$0x1BB00] =	vst v63  }
0x5a: {  	_ =	swait.ge [sflag:s25], $0x50  }
0x5b: {  	[sflag:s25] =	ssyncset.done $0x0  }
0x5c: {  	s18 =	rddreg [dreg:$0x10];
	[sflag:s25] =	ssyncadd.s32 $0xFFFFFFB0  }
0x5d: {  	[tilespmem:s31], [sflag:$0x4] =	stream.linear.gather [hbm4b:s18+s19], $0x50, $0x38;
	[tilespmem:$0x1BB00] =	vst v63  }
0x5e: {  	_ =	swait.ge [sflag:s25], $0x50  }
0x5f: {  	[sflag:s25] =	ssyncset.done $0x0  }
0x60: {  	[sflag:s25] =	ssyncadd.s32 $0xFFFFFFB0  }
0x61: {  	[tilespmem:s1], [sflag:$0x2] =	stream.indirect.gather [hbm4b:s0+s29], $0x80, s30, s29, $0xb8;
	[tilespmem:$0x1BB00] =	vst v63  }
0x62: {  	s19 =	sadd.s32 $0x0, s23  }
0x63: {  	[tilespmem:s2], [sflag:$0x4] =	stream.linear.gather [hbm4b:s19+s4], $0x50, $0x38;
	[tilespmem:$0x1BB00] =	vst v63  }
0x64: {  	_ =	swait.ge [sflag:s25], $0x50  }
0x65: {  	[sflag:s25] =	ssyncset.done $0x0  }
0x66: {  	s15 =	sadd.s32 $0x0, s22;
	[sflag:s25] =	ssyncadd.s32 $0xFFFFFFB0  }
0x67: {  	[tilespmem:s8], [sflag:$0x4] =	stream.linear.gather [hbm4b:s15+s4], $0x50, $0x38;
	[tilespmem:$0x1BB00] =	vst v63  }
0x68: {  	_ =	swait.ge [sflag:s25], $0x50  }
0x69: {  	[sflag:s25] =	ssyncset.done $0x0  }
0x6a: {  	[sflag:s25] =	ssyncadd.s32 $0xFFFFFFB0  }
0x6b: {  	[tilespmem:s9], [sflag:$0x3] =	stream.indirect.gather [hbm4b:s0+s29], $0x80, s2, s29, $0xb8;
	[tilespmem:$0x1BB00] =	vst v63  }
0x6c: {  	_ =	swait.ge [sflag:s10], $0x2800  }
0x6d: {  	[sflag:s10] =	ssyncset.done $0x0  }
0x6e: {  	[sflag:s10] =	ssyncadd.s32 $0xFFFFD800  }
0x6f: {  	[spmem:s3] =	stream.indirect.scatter.add.f32 [tilespmem:s24], [sflag:$0x4], $0x80, s28, s29, $0xb8;
	[tilespmem:$0x1BB00] =	vst v63  }
0x70: {  	_ =	swait.ge [sflag:s25], $0x2800  }
0x71: {  	s16 =	sshrl.u32 s21, $0x3;
	[sflag:s25] =	ssyncset.done $0x0  }
0x72: {  	s17 =	sadd.s32 s5, s16;
	[sflag:s25] =	ssyncadd.s32 $0xFFFFD800  }
0x73: {  	[tilespmem:s26], [sflag:$0x4] =	stream.linear.gather [hbm4b:s17+s4], $0x50, $0x38;
	[tilespmem:$0x1BB00] =	vst v63  }
0x74: {  	_ =	swait.ge [sflag:s25], $0x50  }
0x75: {  	[sflag:s25] =	ssyncset.done $0x0  }
0x76: {  	s14 =	sadd.s32 s6, s16;
	[sflag:s25] =	ssyncadd.s32 $0xFFFFFFB0  }
0x77: {  	[tilespmem:s28], [sflag:$0x4] =	stream.linear.gather [hbm4b:s14+s4], $0x50, $0x38;
	[tilespmem:$0x1BB00] =	vst v63  }
0x78: {  	_ =	swait.ge [sflag:s25], $0x50  }
0x79: {  	[sflag:s25] =	ssyncset.done $0x0  }
0x7a: {  	[sflag:s25] =	ssyncadd.s32 $0xFFFFFFB0  }
0x7b: {  	[tilespmem:s24], [sflag:$0x1] =	stream.indirect.gather [hbm4b:s0+s29], $0x80, s26, s29, $0xb8;
	[tilespmem:$0x1BB00] =	vst v63  }
0x7c: {  	_ =	swait.ge [sflag:s11], $0x2800  }
0x7d: {  	[sflag:s11] =	ssyncset.done $0x0  }
0x7e: {  	[sflag:s11] =	ssyncadd.s32 $0xFFFFD800  }
0x7f: {  	[spmem:s3] =	stream.indirect.scatter.add.f32 [tilespmem:s1], [sflag:$0x4], $0x80, s31, s29, $0xb8;
	[tilespmem:$0x1BB00] =	vst v63  }
0x80: {  	_ =	swait.ge [sflag:s25], $0x2800  }
0x81: {  	s18 =	rddreg [dreg:$0x5];
	[sflag:s25] =	ssyncset.done $0x0  }
0x82: {  	[sflag:s25] =	ssyncadd.s32 $0xFFFFD800;
	s14 =	sadd.s32 $0x0, s18  }
0x83: {  	[tilespmem:s30], [sflag:$0x4] =	stream.linear.gather [hbm4b:s14+s4], $0x50, $0x38;
	[tilespmem:$0x1BB00] =	vst v63  }
0x84: {  	_ =	swait.ge [sflag:s25], $0x50  }
0x85: {  	s19 =	rddreg [dreg:$0x4];
	[sflag:s25] =	ssyncset.done $0x0  }
0x86: {  	[sflag:s25] =	ssyncadd.s32 $0xFFFFFFB0;
	s14 =	sadd.s32 $0x0, s19  }
0x87: {  	[tilespmem:s31], [sflag:$0x4] =	stream.linear.gather [hbm4b:s14+s4], $0x50, $0x38;
	[tilespmem:$0x1BB00] =	vst v63  }
0x88: {  	_ =	swait.ge [sflag:s25], $0x50  }
0x89: {  	[sflag:s25] =	ssyncset.done $0x0  }
0x8a: {  	[sflag:s25] =	ssyncadd.s32 $0xFFFFFFB0  }
0x8b: {  	[tilespmem:s1], [sflag:$0x2] =	stream.indirect.gather [hbm4b:s0+s29], $0x80, s30, s29, $0xb8;
	[tilespmem:$0x1BB00] =	vst v63  }
0x8c: {  	_ =	swait.ge [sflag:s12], $0x2800  }
0x8d: {  	[sflag:s12] =	ssyncset.done $0x0  }
0x8e: {  	[sflag:s12] =	ssyncadd.s32 $0xFFFFD800  }
0x8f: {  	[spmem:s3] =	stream.indirect.scatter.add.f32 [tilespmem:s9], [sflag:$0x4], $0x80, s8, s29, $0xb8;
	[tilespmem:$0x1BB00] =	vst v63  }
0x90: {  	s16 =	simm.s32 $0x3C;
	_ =	swait.ge [sflag:s25], $0x2800  }
0x91: {  	s15 =	sadd.s32 $0xF0, s21;
	s14 =	simm.s32 $0x1E;
	[sflag:s25] =	ssyncset.done $0x0  }
.LBB2_4:
0x92: {  	s19 =	sadd.s32 s14, s23;
	[sflag:s25] =	ssyncadd.s32 $0xFFFFD800  }
0x93: {  	[tilespmem:s2], [sflag:$0x4] =	stream.linear.gather [hbm4b:s19+s4], $0x50, $0x38;
	[tilespmem:$0x1BB00] =	vst v63  }
0x94: {  	_ =	swait.ge [sflag:s25], $0x50  }
0x95: {  	[sflag:s25] =	ssyncset.done $0x0  }
0x96: {  	s19 =	sadd.s32 s14, s22;
	[sflag:s25] =	ssyncadd.s32 $0xFFFFFFB0  }
0x97: {  	[tilespmem:s8], [sflag:$0x4] =	stream.linear.gather [hbm4b:s19+s4], $0x50, $0x38;
	[tilespmem:$0x1BB00] =	vst v63  }
0x98: {  	_ =	swait.ge [sflag:s25], $0x50  }
0x99: {  	[sflag:s25] =	ssyncset.done $0x0  }
0x9a: {  	[sflag:s25] =	ssyncadd.s32 $0xFFFFFFB0  }
0x9b: {  	[tilespmem:s9], [sflag:$0x3] =	stream.indirect.gather [hbm4b:s0+s29], $0x80, s2, s29, $0xb8;
	[tilespmem:$0x1BB00] =	vst v63  }
0x9c: {  	_ =	swait.ge [sflag:s10], $0x2800  }
0x9d: {  	[sflag:s10] =	ssyncset.done $0x0  }
0x9e: {  	[sflag:s10] =	ssyncadd.s32 $0xFFFFD800  }
0x9f: {  	[spmem:s3] =	stream.indirect.scatter.add.f32 [tilespmem:s24], [sflag:$0x4], $0x80, s28, s29, $0xb8;
	[tilespmem:$0x1BB00] =	vst v63  }
0xa0: {  	s17 =	smov.u32 s16;
	s18 =	sadd.s32 $0x1E, s16;
	_ =	swait.ge [sflag:s25], $0x2800  }
0xa1: {  	p0 =	sne.s32 s16, $0x4B0;
	s16 =	sshrl.u32 s15, $0x3;
	[sflag:s25] =	ssyncset.done $0x0  }
0xa2: {  	s19 =	sadd.s32 s5, s16;
	[sflag:s25] =	ssyncadd.s32 $0xFFFFD800  }
0xa3: {  	[tilespmem:s26], [sflag:$0x4] =	stream.linear.gather [hbm4b:s19+s4], $0x50, $0x38;
	[tilespmem:$0x1BB00] =	vst v63  }
0xa4: {  	_ =	swait.ge [sflag:s25], $0x50  }
0xa5: {  	[sflag:s25] =	ssyncset.done $0x0  }
0xa6: {  	s16 =	sadd.s32 s6, s16;
	[sflag:s25] =	ssyncadd.s32 $0xFFFFFFB0  }
0xa7: {  	[tilespmem:s28], [sflag:$0x4] =	stream.linear.gather [hbm4b:s16+s4], $0x50, $0x38;
	[tilespmem:$0x1BB00] =	vst v63  }
0xa8: {  	_ =	swait.ge [sflag:s25], $0x50  }
0xa9: {  	[sflag:s25] =	ssyncset.done $0x0  }
0xaa: {  	[sflag:s25] =	ssyncadd.s32 $0xFFFFFFB0  }
0xab: {  	[tilespmem:s24], [sflag:$0x1] =	stream.indirect.gather [hbm4b:s0+s29], $0x80, s26, s29, $0xb8;
	[tilespmem:$0x1BB00] =	vst v63  }
0xac: {  	_ =	swait.ge [sflag:s11], $0x2800  }
0xad: {  	[sflag:s11] =	ssyncset.done $0x0  }
0xae: {  	[sflag:s11] =	ssyncadd.s32 $0xFFFFD800  }
0xaf: {  	[spmem:s3] =	stream.indirect.scatter.add.f32 [tilespmem:s1], [sflag:$0x4], $0x80, s31, s29, $0xb8;
	[tilespmem:$0x1BB00] =	vst v63  }
0xb0: {  	_ =	swait.ge [sflag:s25], $0x2800  }
0xb1: {  	s19 =	rddreg [dreg:$0x5];
	[sflag:s25] =	ssyncset.done $0x0  }
0xb2: {  	[sflag:s25] =	ssyncadd.s32 $0xFFFFD800;
	s16 =	sadd.s32 s14, s19  }
0xb3: {  	[tilespmem:s30], [sflag:$0x4] =	stream.linear.gather [hbm4b:s16+s4], $0x50, $0x38;
	[tilespmem:$0x1BB00] =	vst v63  }
0xb4: {  	_ =	swait.ge [sflag:s25], $0x50  }
0xb5: {  	s19 =	rddreg [dreg:$0x4];
	[sflag:s25] =	ssyncset.done $0x0  }
0xb6: {  	[sflag:s25] =	ssyncadd.s32 $0xFFFFFFB0;
	s16 =	sadd.s32 s14, s19  }
0xb7: {  	[tilespmem:s31], [sflag:$0x4] =	stream.linear.gather [hbm4b:s16+s4], $0x50, $0x38;
	[tilespmem:$0x1BB00] =	vst v63  }
0xb8: {  	_ =	swait.ge [sflag:s25], $0x50  }
0xb9: {  	[sflag:s25] =	ssyncset.done $0x0  }
0xba: {  	[sflag:s25] =	ssyncadd.s32 $0xFFFFFFB0  }
0xbb: {  	[tilespmem:s1], [sflag:$0x2] =	stream.indirect.gather [hbm4b:s0+s29], $0x80, s30, s29, $0xb8;
	[tilespmem:$0x1BB00] =	vst v63  }
0xbc: {  	_ =	swait.ge [sflag:s12], $0x2800  }
.Ltmp1:
0xbd: {  	[sflag:s12] =	ssyncset.done $0x0;
	(pc) =	sbr.rel @p0 .LBB2_4-.Ltmp1, $4  }
0xbe: {  	[sflag:s12] =	ssyncadd.s32 $0xFFFFD800  }
0xbf: {  	[spmem:s3] =	stream.indirect.scatter.add.f32 [tilespmem:s9], [sflag:$0x4], $0x80, s8, s29, $0xb8;
	[tilespmem:$0x1BB00] =	vst v63  }
0xc0: {  	s15 =	sadd.s32 $0xF0, s15;
	_ =	swait.ge [sflag:s25], $0x2800  }
0xc1: {  	s14 =	smov.u32 s17;
	s16 =	smov.u32 s18;
	[sflag:s25] =	ssyncset.done $0x0  }
0xc2: {  	s16 =	sadd.s32 s14, s23;
	[sflag:s25] =	ssyncadd.s32 $0xFFFFD800  }
0xc3: {  	[tilespmem:s2], [sflag:$0x4] =	stream.linear.gather [hbm4b:s16+s4], $0x50, $0x38;
	[tilespmem:$0x1BB00] =	vst v63  }
0xc4: {  	_ =	swait.ge [sflag:s25], $0x50  }
0xc5: {  	[sflag:s25] =	ssyncset.done $0x0  }
0xc6: {  	s19 =	sadd.s32 s14, s22;
	[sflag:s25] =	ssyncadd.s32 $0xFFFFFFB0  }
0xc7: {  	[tilespmem:s8], [sflag:$0x4] =	stream.linear.gather [hbm4b:s19+s4], $0x50, $0x38;
	[tilespmem:$0x1BB00] =	vst v63  }
0xc8: {  	_ =	swait.ge [sflag:s25], $0x50  }
0xc9: {  	[sflag:s25] =	ssyncset.done $0x0  }
0xca: {  	[sflag:s25] =	ssyncadd.s32 $0xFFFFFFB0  }
0xcb: {  	[tilespmem:s9], [sflag:$0x3] =	stream.indirect.gather [hbm4b:s0+s29], $0x80, s2, s29, $0xb8;
	[tilespmem:$0x1BB00] =	vst v63  }
0xcc: {  	_ =	swait.ge [sflag:s10], $0x2800  }
0xcd: {  	[sflag:s10] =	ssyncset.done $0x0  }
0xce: {  	[sflag:s10] =	ssyncadd.s32 $0xFFFFD800  }
0xcf: {  	[spmem:s3] =	stream.indirect.scatter.add.f32 [tilespmem:s24], [sflag:$0x4], $0x80, s28, s29, $0xb8;
	[tilespmem:$0x1BB00] =	vst v63  }
0xd0: {  	_ =	swait.ge [sflag:s25], $0x2800  }
0xd1: {  	s15 =	sshrl.u32 s15, $0x3;
	[sflag:s25] =	ssyncset.done $0x0  }
0xd2: {  	s17 =	sadd.s32 s5, s15;
	[sflag:s25] =	ssyncadd.s32 $0xFFFFD800  }
0xd3: {  	[tilespmem:s26], [sflag:$0x4] =	stream.linear.gather [hbm4b:s17+s4], $0x50, $0x38;
	[tilespmem:$0x1BB00] =	vst v63  }
0xd4: {  	_ =	swait.ge [sflag:s25], $0x50  }
0xd5: {  	[sflag:s25] =	ssyncset.done $0x0  }
0xd6: {  	s15 =	sadd.s32 s6, s15;
	[sflag:s25] =	ssyncadd.s32 $0xFFFFFFB0  }
0xd7: {  	[tilespmem:s28], [sflag:$0x4] =	stream.linear.gather [hbm4b:s15+s4], $0x50, $0x38;
	[tilespmem:$0x1BB00] =	vst v63  }
0xd8: {  	_ =	swait.ge [sflag:s25], $0x50  }
0xd9: {  	[sflag:s25] =	ssyncset.done $0x0  }
0xda: {  	[sflag:s25] =	ssyncadd.s32 $0xFFFFFFB0  }
0xdb: {  	[tilespmem:s24], [sflag:$0x1] =	stream.indirect.gather [hbm4b:s0+s29], $0x80, s26, s29, $0xb8;
	[tilespmem:$0x1BB00] =	vst v63  }
0xdc: {  	_ =	swait.ge [sflag:s11], $0x2800  }
0xdd: {  	[sflag:s11] =	ssyncset.done $0x0  }
0xde: {  	[sflag:s11] =	ssyncadd.s32 $0xFFFFD800  }
0xdf: {  	[spmem:s3] =	stream.indirect.scatter.add.f32 [tilespmem:s1], [sflag:$0x4], $0x80, s31, s29, $0xb8;
	[tilespmem:$0x1BB00] =	vst v63  }
0xe0: {  	_ =	swait.ge [sflag:s25], $0x2800  }
0xe1: {  	s18 =	rddreg [dreg:$0x5];
	[sflag:s25] =	ssyncset.done $0x0  }
0xe2: {  	[sflag:s25] =	ssyncadd.s32 $0xFFFFD800;
	s15 =	sadd.s32 s14, s18  }
0xe3: {  	[tilespmem:s30], [sflag:$0x4] =	stream.linear.gather [hbm4b:s15+s4], $0x50, $0x38;
	[tilespmem:$0x1BB00] =	vst v63  }
0xe4: {  	_ =	swait.ge [sflag:s25], $0x50  }
0xe5: {  	s19 =	rddreg [dreg:$0x4];
	[sflag:s25] =	ssyncset.done $0x0  }
0xe6: {  	[sflag:s25] =	ssyncadd.s32 $0xFFFFFFB0;
	s16 =	sadd.s32 s14, s19  }
0xe7: {  	[tilespmem:s31], [sflag:$0x4] =	stream.linear.gather [hbm4b:s16+s4], $0x50, $0x38;
	[tilespmem:$0x1BB00] =	vst v63  }
0xe8: {  	_ =	swait.ge [sflag:s25], $0x50  }
0xe9: {  	[sflag:s25] =	ssyncset.done $0x0  }
0xea: {  	[sflag:s25] =	ssyncadd.s32 $0xFFFFFFB0  }
0xeb: {  	[tilespmem:s1], [sflag:$0x2] =	stream.indirect.gather [hbm4b:s0+s29], $0x80, s30, s29, $0xb8;
	[tilespmem:$0x1BB00] =	vst v63  }
0xec: {  	_ =	swait.ge [sflag:s12], $0x2800  }
0xed: {  	[sflag:s12] =	ssyncset.done $0x0  }
0xee: {  	[sflag:s12] =	ssyncadd.s32 $0xFFFFD800  }
0xef: {  	[spmem:s3] =	stream.indirect.scatter.add.f32 [tilespmem:s9], [sflag:$0x4], $0x80, s8, s29, $0xb8;
	[tilespmem:$0x1BB00] =	vst v63  }
0xf0: {  	_ =	swait.ge [sflag:s25], $0x2800  }
0xf1: {  	[sflag:s25] =	ssyncset.done $0x0  }
0xf2: {  	[sflag:s25] =	ssyncadd.s32 $0xFFFFD800  }
0xf3: {  	_ =	swait.ge [sflag:s10], $0x2800  }
0xf4: {  	[sflag:s10] =	ssyncset.done $0x0  }
0xf5: {  	[sflag:s10] =	ssyncadd.s32 $0xFFFFD800  }
0xf6: {  	[spmem:s3] =	stream.indirect.scatter.add.f32 [tilespmem:s24], [sflag:$0x4], $0x80, s28, s29, $0xb8;
	[tilespmem:$0x1BB00] =	vst v63  }
0xf7: {  	_ =	swait.ge [sflag:s25], $0x2800  }
0xf8: {  	[sflag:s25] =	ssyncset.done $0x0  }
0xf9: {  	[sflag:s25] =	ssyncadd.s32 $0xFFFFD800  }
0xfa: {  	_ =	swait.ge [sflag:s11], $0x2800  }
0xfb: {  	[sflag:s11] =	ssyncset.done $0x0  }
0xfc: {  	[sflag:s11] =	ssyncadd.s32 $0xFFFFD800  }
0xfd: {  	[spmem:s3] =	stream.indirect.scatter.add.f32 [tilespmem:s1], [sflag:$0x4], $0x80, s31, s29, $0xb8;
	[tilespmem:$0x1BB00] =	vst v63  }
0xfe: {  	_ =	swait.ge [sflag:s25], $0x2800  }
0xff: {  	s13 =	sadd.s32 $0x1, s13;
	[sflag:s25] =	ssyncset.done $0x0  }
0x100: {  	p0 =	sne.s32 s13, s20;
	s17 =	stileid.u32;
	[sflag:s25] =	ssyncadd.s32 $0xFFFFD800  }
0x101: {  	s18 =	sshrl.u32 s7, $0x3;
	s14 =	sshll.u32 s17, $0x6;
	[bflag:$0x0] =	sbarrier.arrive $0xFFFF  }
.Ltmp2:
0x102: {  	s14 =	sor.u32 $0x1C04, s14;
	s19 =	rddreg [dreg:$0x11];
	(pc) =	sbr.rel @p0 .LBB2_1-.Ltmp2, $4  }
0x103: {  	[hbm:s19], [sflag:s14] =	dma.local [spmem:s18], $0x2800  }
0x104: {  	_ =	swait.ge [sflag:s25], $0x2800  }
0x105: {  	[sflag:s25] =	ssyncset.done $0x0  }
0x106: {  	[sflag:s25] =	ssyncadd.s32 $0xFFFFD800  }
0x107: {  	_ =	sfence.sel $0x180000  }
0x108: {  	[bflag:$0x0] =	sbarrier.arrive $0xFFFF  }
0x109: {  	_ =	strace $0x9000004A  }
0x10a: {  	s0 =	stileid.u32;
	[bflag:$0x2] =	sbarrier.arrive $0xFFFF  }
0x10b: {  	p0 =	sne.s32 s0, $0x0;
	s0 =	rddreg [dreg:$0x3]  }
0x10c: {  	s0 =	sadd.s32 @!p0 $0x100000, s0  }
0x10d: {  	[sflag:s0] =	ssyncadd.tile.s32 @!p0 $0x1;
	_ =	shalt  }
.Lfunc_end2:
_tile_overlayer_lowered:
.L_overlay_start_2:
0x10e: {  	(tag) =	ssettag $0x2  }
0x10f: {  	s0 =	rddreg [dreg:$0x0];
	s2 =	stileid.u32  }
0x110: {  	s1 =	rddreg [dreg:$0x1];
	p0 =	sne.s32 s2, $0x0  }
0x111: {  	s3 =	rddreg [dreg:$0x2];
	[bflag:$0x3] =	sbarrier.arrive $0xFFFF;
	s2 =	simm.s32 @!p0 $0x1C04  }
0x112: {  	[timem:s3], [sflag:s2] =	dma.local @!p0 [hbm:s0], s1  }
0x113: {  	s0 =	simm.s32 @!p0 $0x4  }
0x114: {  	_ =	swait.ge @!p0 [sflag:s0], s1  }
0x115: {  	s1 =	ssub.s32 @!p0 $0x0, s1;
	[sflag:s0] =	ssyncset.done @!p0 $0x0  }
0x116: {  	[sflag:s0] =	ssyncadd.s32 @!p0 s1  }
0x117: {  	[bflag:$0x3] =	sbarrier.arrive $0xFFFF  }
0x118: {  	_ =	shalt  }

</sc_bundles>
